<compile_context>
chip_gen: v7x
topology: tpu7x:2x2x1
jax: 0.10.2.dev20260603
libtpu: 0.0.44.dev20260713+nightly
codegen_flags: <defaults>
</compile_context>

<pallas_src>
import functools

import jax
import jax.numpy as jnp
from jax import lax
from jax.experimental import pallas as pl
from jax.experimental.pallas import tpu as pltpu
from jax.experimental.pallas import tpu_sc as plsc



_RB = 32
_L = 16


def _make_degree(out_rows, n, vmax, row_offset):
    info = plsc.get_sparse_core_info()
    nw = info.num_cores * info.num_subcores
    b_per_w = out_rows // nw
    n_blocks = b_per_w // _RB
    mesh = plsc.VectorSubcoreMesh(core_axis_name="c", subcore_axis_name="s")

    nbuf = 2
    scratch = (
        [pltpu.VMEM((_RB, n), jnp.int32) for _ in range(nbuf)]
        + [pltpu.VMEM((b_per_w,), jnp.int32)]
        + [pltpu.SemaphoreType.DMA for _ in range(nbuf)]
    )

    @functools.partial(
        pl.kernel,
        out_type=jax.ShapeDtypeStruct((out_rows,), jnp.int32),
        mesh=mesh,
        scratch_types=scratch,
        compiler_params=pltpu.CompilerParams(needs_layout_passes=False),
    )
    def degree(d_hbm, idx_hbm, *refs):
        bufs = refs[:nbuf]
        cnt_v = refs[nbuf]
        sems = refs[nbuf + 1:]
        wid = lax.axis_index("s") * info.num_cores + lax.axis_index("c")
        base = wid * b_per_w
        in_base = row_offset + wid * b_per_w

        def start(g):
            return pltpu.async_copy(
                d_hbm.at[pl.ds(in_base + g * _RB, _RB)],
                bufs[g % nbuf], sems[g % nbuf])

        copies = [None] * nbuf
        for g in range(min(nbuf, n_blocks)):
            copies[g % nbuf] = start(g)

        lane_iota = lax.iota(jnp.int32, _L)

        for g in range(n_blocks):
            buf = bufs[g % nbuf]
            copies[g % nbuf].wait()

            def group_body(q, _, buf=buf, g=g):
                rows = q * _L + lane_iota

                def col_body(t, acc, buf=buf, rows=rows):
                    c0 = t * _L
                    for dgn in range(_L):
                        cols = c0 + ((lane_iota + dgn) & (_L - 1))
                        v = plsc.load_gather(buf, [rows, cols])
                        acc = acc + (v == 1).astype(jnp.int32)
                    return acc

                acc = lax.fori_loop(0, n // _L, col_body,
                                    jnp.zeros((_L,), jnp.int32))
                cnt_v[pl.ds(g * _RB + q * _L, _L)] = jnp.minimum(acc, vmax)
                return _

            lax.fori_loop(0, _RB // _L, group_body, 0)
            if g + nbuf < n_blocks:
                copies[g % nbuf] = start(g + nbuf)

        pltpu.sync_copy(cnt_v, idx_hbm.at[pl.ds(base, b_per_w)])

    return degree



_BR = 4096


def _lookup_body(v, idx_ref, table_ref, out_ref):
    br = out_ref.shape[0]
    ids = idx_ref[...].reshape(br, 1)
    iot = lax.broadcasted_iota(jnp.int32, (br, v), 1)
    onehot = (iot == ids).astype(jnp.float32)
    out_ref[...] = jnp.dot(onehot, table_ref[...],
                           preferred_element_type=jnp.float32)


def _lookup(idx, table):
    rows = idx.shape[0]
    v, d = table.shape
    nblk = rows // _BR
    i3 = idx.reshape(nblk, 1, _BR)
    return pl.pallas_call(
        functools.partial(_lookup_body, v),
        grid=(nblk,),
        in_specs=[
            pl.BlockSpec((1, 1, _BR), lambda i: (i, 0, 0)),
            pl.BlockSpec((v, d), lambda i: (0, 0)),
        ],
        out_specs=pl.BlockSpec((_BR, d), lambda i: (i, 0)),
        out_shape=jax.ShapeDtypeStruct((rows, d), jnp.float32),
    )(i3, table)


def kernel(distances, table):
    b, r, n = distances.shape
    v, d = table.shape
    rows = b * r
    d2 = distances.reshape(rows, n)
    idx = _make_degree(rows, n, v - 1, 0)(d2)
    out = _lookup(idx, table)
    return out.reshape(b, r, d)

# --- scband reference (transcript-rebuilt; emitter-appended) ---
"""Pipeline reference for scband-centrality-encoding-24739011624996 (READ-ONLY COPY).

The authoritative reference and input builder live on the scoring server;
editing this copy changes nothing except your own understanding.
"""

import jax, jax.numpy as jnp
import numpy as np

def setup_inputs(seed: int = 0) -> dict:
    key = jax.random.key(seed)
    k1, k2 = jax.random.split(key)
    distances = jax.random.randint(k1, (8, 1024, 1024), 0, 512, dtype=jnp.int32)
    # learned embedding table per init_kwargs: (max_degree=512, d_model=512)
    table = jax.random.normal(k2, (512, 512), dtype=jnp.float32) * 0.05
    return {"distances": distances, "table": table}

def reference(distances, table):
    # centrality: count of entries with |distance| == 1 along last axis
    centrality = jnp.sum(jnp.equal(jnp.abs(distances), 1).astype(jnp.float32), axis=-1)
    # Keras Embedding casts float indices to int for the lookup
    idx = centrality.astype(jnp.int32)
    centrality_encoding = jnp.take(table, idx, axis=0)
    return centrality_encoding

if __name__ == "__main__":
    import jax
    _d = setup_inputs()
    print(jax.jit(kernel)(*tuple(_d.values())))

</pallas_src>

<mosaic_0001>
#map = affine_map<(d0, d1) -> (0, 0)>
#map1 = affine_map<(d0, d1) -> (0)>
module attributes {stable_mosaic.version = 14 : i64} {
  func.func @degree(%arg0: i32, %arg1: i32, %arg2: memref<8192x1024xi32, #tpu.memory_space<hbm>>, %arg3: memref<8192xi32, #tpu.memory_space<hbm>>, %arg4: memref<32x1024xi32, #tpu.memory_space<vmem>>, %arg5: memref<32x1024xi32, #tpu.memory_space<vmem>>, %arg6: memref<256xi32, #tpu.memory_space<vmem>>, %arg7: memref<!tpu.dma_semaphore, #tpu.memory_space<semaphore_mem>>, %arg8: memref<!tpu.dma_semaphore, #tpu.memory_space<semaphore_mem>>) attributes {dimension_semantics = [#tpu.dimension_semantics<core_parallel>, #tpu.dimension_semantics<subcore_parallel>], iteration_bounds = array<i64: 2, 16>, scalar_prefetch = 0 : i64, scratch_operands = 5 : i64, tpu.core_type = #tpu.core_type<sc_vector_subcore>, window_params = [{transform_indices = #map}, {transform_indices = #map1}]} {
    %mul3A = arith.constant 2 : i32
    %mul3A_0 = arith.muli %arg1, %mul3A : i32
    %add3A = arith.addi %mul3A_0, %arg0 : i32
    %mul3A_1 = arith.constant 256 : i32
    %mul3A_2 = arith.muli %add3A, %mul3A_1 : i32
    %mul3A_3 = arith.constant 256 : i32
    %mul3A_4 = arith.muli %add3A, %mul3A_3 : i32
    %add3A_5 = arith.constant 0 : i32
    %add3A_6 = arith.addi %add3A_5, %mul3A_4 : i32
    %add3A_7 = arith.constant 0 : i32
    %add3A_8 = arith.addi %add3A_6, %add3A_7 : i32
    %dma_start3A = arith.constant 0 : i32
    %dma_start3A_9 = tpu.memref_slice %arg2[%add3A_8, %dma_start3A] : memref<8192x1024xi32, #tpu.memory_space<hbm>> -> memref<32x1024xi32, #tpu.memory_space<hbm>>
    %dma_start3A_10 = arith.constant 0 : i32
    %dma_start3A_11 = tpu.memref_slice %arg2[%add3A_8, %dma_start3A_10] : memref<8192x1024xi32, #tpu.memory_space<hbm>> -> memref<32x1024xi32, #tpu.memory_space<hbm>>
    tpu.enqueue_dma source(%dma_start3A_11 : memref<32x1024xi32, #tpu.memory_space<hbm>>) target(%arg4 : memref<32x1024xi32, #tpu.memory_space<vmem>>) target_semaphore(%arg7 : memref<!tpu.dma_semaphore, #tpu.memory_space<semaphore_mem>>)
    %add3A_12 = arith.constant 32 : i32
    %add3A_13 = arith.addi %add3A_6, %add3A_12 : i32
    %dma_start3A_14 = arith.constant 0 : i32
    %dma_start3A_15 = tpu.memref_slice %arg2[%add3A_13, %dma_start3A_14] : memref<8192x1024xi32, #tpu.memory_space<hbm>> -> memref<32x1024xi32, #tpu.memory_space<hbm>>
    %dma_start3A_16 = arith.constant 0 : i32
    %dma_start3A_17 = tpu.memref_slice %arg2[%add3A_13, %dma_start3A_16] : memref<8192x1024xi32, #tpu.memory_space<hbm>> -> memref<32x1024xi32, #tpu.memory_space<hbm>>
    tpu.enqueue_dma source(%dma_start3A_17 : memref<32x1024xi32, #tpu.memory_space<hbm>>) target(%arg5 : memref<32x1024xi32, #tpu.memory_space<vmem>>) target_semaphore(%arg8 : memref<!tpu.dma_semaphore, #tpu.memory_space<semaphore_mem>>)
    %iota3A = tpu.iota {dimensions = array<i32: 0>} : vector<16xi32>
    %dma_wait3A = arith.constant 0 : i32
    %dma_wait3A_18 = tpu.memref_slice %arg2[%add3A_8, %dma_wait3A] : memref<8192x1024xi32, #tpu.memory_space<hbm>> -> memref<32x1024xi32, #tpu.memory_space<hbm>>
    %dma_wait3A_19 = arith.constant 0 : i32
    %dma_wait3A_20 = tpu.memref_slice %arg2[%add3A_8, %dma_wait3A_19] : memref<8192x1024xi32, #tpu.memory_space<hbm>> -> memref<32x1024xi32, #tpu.memory_space<hbm>>
    tpu.wait_dma2 semaphore(%arg7 : memref<!tpu.dma_semaphore, #tpu.memory_space<semaphore_mem>>) src(%dma_wait3A_20 : memref<32x1024xi32, #tpu.memory_space<hbm>>) dst(%arg4 : memref<32x1024xi32, #tpu.memory_space<vmem>>)
    %scan3A = arith.constant 0 : i32
    %scan3A_21 = arith.constant 0 : i32
    %scan3A_22 = arith.constant 2 : i32
    %scan3A_23 = arith.addi %scan3A_21, %scan3A_22 : i32
    %scan3A_24 = arith.constant 1 : i32
    scf.for %scan3A_132 = %scan3A_21 to %scan3A_23 step %scan3A_24  : i32 {
      %mul3A_133 = arith.constant 16 : i32
      %mul3A_134 = arith.muli %scan3A_132, %mul3A_133 : i32
      %add3A_135 = vector.broadcast %mul3A_134 : i32 to vector<16xi32>
      %add3A_136 = arith.addi %add3A_135, %iota3A : vector<16xi32>
      %broadcast_in_dim3A = arith.constant 0 : i32
      %broadcast_in_dim3A_137 = vector.broadcast %broadcast_in_dim3A : i32 to vector<16xi32>
      %scan3A_138 = arith.constant 0 : i32
      %scan3A_139 = arith.constant 64 : i32
      %scan3A_140 = arith.addi %scan3A_138, %scan3A_139 : i32
      %scan3A_141 = arith.constant 1 : i32
      %scan3A_142 = scf.for %scan3A_151 = %scan3A_138 to %scan3A_140 step %scan3A_141 iter_args(%scan3A_152 = %broadcast_in_dim3A_137) -> (vector<16xi32>)  : i32 {
        %mul3A_153 = arith.constant 16 : i32
        %mul3A_154 = arith.muli %scan3A_151, %mul3A_153 : i32
        %add3A_155 = arith.constant 0 : i32
        %add3A_156 = vector.broadcast %add3A_155 : i32 to vector<16xi32>
        %add3A_157 = arith.addi %iota3A, %add3A_156 : vector<16xi32>
        %and3A = arith.constant 15 : i32
        %and3A_158 = vector.broadcast %and3A : i32 to vector<16xi32>
        %and3A_159 = arith.andi %add3A_157, %and3A_158 : vector<16xi32>
        %add3A_160 = vector.broadcast %mul3A_154 : i32 to vector<16xi32>
        %add3A_161 = arith.addi %add3A_160, %and3A_159 : vector<16xi32>
        %gather3A = tpu.vector_load_idx %arg4[%add3A_136, %add3A_161] : memref<32x1024xi32, #tpu.memory_space<vmem>>[vector<16xi32>, vector<16xi32>], vector<16xi32>,
        %eq3A = arith.constant 1 : i32
        %eq3A_162 = vector.broadcast %eq3A : i32 to vector<16xi32>
        %eq3A_163 = arith.cmpi eq, %gather3A, %eq3A_162 : vector<16xi32>
        %convert_element_type3A = arith.extui %eq3A_163 : vector<16xi1> to vector<16xi32>
        %add3A_164 = arith.addi %scan3A_152, %convert_element_type3A : vector<16xi32>
        %add3A_165 = arith.constant 1 : i32
        %add3A_166 = vector.broadcast %add3A_165 : i32 to vector<16xi32>
        %add3A_167 = arith.addi %iota3A, %add3A_166 : vector<16xi32>
        %and3A_168 = arith.constant 15 : i32
        %and3A_169 = vector.broadcast %and3A_168 : i32 to vector<16xi32>
        %and3A_170 = arith.andi %add3A_167, %and3A_169 : vector<16xi32>
        %add3A_171 = vector.broadcast %mul3A_154 : i32 to vector<16xi32>
        %add3A_172 = arith.addi %add3A_171, %and3A_170 : vector<16xi32>
        %gather3A_173 = tpu.vector_load_idx %arg4[%add3A_136, %add3A_172] : memref<32x1024xi32, #tpu.memory_space<vmem>>[vector<16xi32>, vector<16xi32>], vector<16xi32>,
        %eq3A_174 = arith.constant 1 : i32
        %eq3A_175 = vector.broadcast %eq3A_174 : i32 to vector<16xi32>
        %eq3A_176 = arith.cmpi eq, %gather3A_173, %eq3A_175 : vector<16xi32>
        %convert_element_type3A_177 = arith.extui %eq3A_176 : vector<16xi1> to vector<16xi32>
        %add3A_178 = arith.addi %add3A_164, %convert_element_type3A_177 : vector<16xi32>
        %add3A_179 = arith.constant 2 : i32
        %add3A_180 = vector.broadcast %add3A_179 : i32 to vector<16xi32>
        %add3A_181 = arith.addi %iota3A, %add3A_180 : vector<16xi32>
        %and3A_182 = arith.constant 15 : i32
        %and3A_183 = vector.broadcast %and3A_182 : i32 to vector<16xi32>
        %and3A_184 = arith.andi %add3A_181, %and3A_183 : vector<16xi32>
        %add3A_185 = vector.broadcast %mul3A_154 : i32 to vector<16xi32>
        %add3A_186 = arith.addi %add3A_185, %and3A_184 : vector<16xi32>
        %gather3A_187 = tpu.vector_load_idx %arg4[%add3A_136, %add3A_186] : memref<32x1024xi32, #tpu.memory_space<vmem>>[vector<16xi32>, vector<16xi32>], vector<16xi32>,
        %eq3A_188 = arith.constant 1 : i32
        %eq3A_189 = vector.broadcast %eq3A_188 : i32 to vector<16xi32>
        %eq3A_190 = arith.cmpi eq, %gather3A_187, %eq3A_189 : vector<16xi32>
        %convert_element_type3A_191 = arith.extui %eq3A_190 : vector<16xi1> to vector<16xi32>
        %add3A_192 = arith.addi %add3A_178, %convert_element_type3A_191 : vector<16xi32>
        %add3A_193 = arith.constant 3 : i32
        %add3A_194 = vector.broadcast %add3A_193 : i32 to vector<16xi32>
        %add3A_195 = arith.addi %iota3A, %add3A_194 : vector<16xi32>
        %and3A_196 = arith.constant 15 : i32
        %and3A_197 = vector.broadcast %and3A_196 : i32 to vector<16xi32>
        %and3A_198 = arith.andi %add3A_195, %and3A_197 : vector<16xi32>
        %add3A_199 = vector.broadcast %mul3A_154 : i32 to vector<16xi32>
        %add3A_200 = arith.addi %add3A_199, %and3A_198 : vector<16xi32>
        %gather3A_201 = tpu.vector_load_idx %arg4[%add3A_136, %add3A_200] : memref<32x1024xi32, #tpu.memory_space<vmem>>[vector<16xi32>, vector<16xi32>], vector<16xi32>,
        %eq3A_202 = arith.constant 1 : i32
        %eq3A_203 = vector.broadcast %eq3A_202 : i32 to vector<16xi32>
        %eq3A_204 = arith.cmpi eq, %gather3A_201, %eq3A_203 : vector<16xi32>
        %convert_element_type3A_205 = arith.extui %eq3A_204 : vector<16xi1> to vector<16xi32>
        %add3A_206 = arith.addi %add3A_192, %convert_element_type3A_205 : vector<16xi32>
        %add3A_207 = arith.constant 4 : i32
        %add3A_208 = vector.broadcast %add3A_207 : i32 to vector<16xi32>
        %add3A_209 = arith.addi %iota3A, %add3A_208 : vector<16xi32>
        %and3A_210 = arith.constant 15 : i32
        %and3A_211 = vector.broadcast %and3A_210 : i32 to vector<16xi32>
        %and3A_212 = arith.andi %add3A_209, %and3A_211 : vector<16xi32>
        %add3A_213 = vector.broadcast %mul3A_154 : i32 to vector<16xi32>
        %add3A_214 = arith.addi %add3A_213, %and3A_212 : vector<16xi32>
        %gather3A_215 = tpu.vector_load_idx %arg4[%add3A_136, %add3A_214] : memref<32x1024xi32, #tpu.memory_space<vmem>>[vector<16xi32>, vector<16xi32>], vector<16xi32>,
        %eq3A_216 = arith.constant 1 : i32
        %eq3A_217 = vector.broadcast %eq3A_216 : i32 to vector<16xi32>
        %eq3A_218 = arith.cmpi eq, %gather3A_215, %eq3A_217 : vector<16xi32>
        %convert_element_type3A_219 = arith.extui %eq3A_218 : vector<16xi1> to vector<16xi32>
        %add3A_220 = arith.addi %add3A_206, %convert_element_type3A_219 : vector<16xi32>
        %add3A_221 = arith.constant 5 : i32
        %add3A_222 = vector.broadcast %add3A_221 : i32 to vector<16xi32>
        %add3A_223 = arith.addi %iota3A, %add3A_222 : vector<16xi32>
        %and3A_224 = arith.constant 15 : i32
        %and3A_225 = vector.broadcast %and3A_224 : i32 to vector<16xi32>
        %and3A_226 = arith.andi %add3A_223, %and3A_225 : vector<16xi32>
        %add3A_227 = vector.broadcast %mul3A_154 : i32 to vector<16xi32>
        %add3A_228 = arith.addi %add3A_227, %and3A_226 : vector<16xi32>
        %gather3A_229 = tpu.vector_load_idx %arg4[%add3A_136, %add3A_228] : memref<32x1024xi32, #tpu.memory_space<vmem>>[vector<16xi32>, vector<16xi32>], vector<16xi32>,
        %eq3A_230 = arith.constant 1 : i32
        %eq3A_231 = vector.broadcast %eq3A_230 : i32 to vector<16xi32>
        %eq3A_232 = arith.cmpi eq, %gather3A_229, %eq3A_231 : vector<16xi32>
        %convert_element_type3A_233 = arith.extui %eq3A_232 : vector<16xi1> to vector<16xi32>
        %add3A_234 = arith.addi %add3A_220, %convert_element_type3A_233 : vector<16xi32>
        %add3A_235 = arith.constant 6 : i32
        %add3A_236 = vector.broadcast %add3A_235 : i32 to vector<16xi32>
        %add3A_237 = arith.addi %iota3A, %add3A_236 : vector<16xi32>
        %and3A_238 = arith.constant 15 : i32
        %and3A_239 = vector.broadcast %and3A_238 : i32 to vector<16xi32>
        %and3A_240 = arith.andi %add3A_237, %and3A_239 : vector<16xi32>
        %add3A_241 = vector.broadcast %mul3A_154 : i32 to vector<16xi32>
        %add3A_242 = arith.addi %add3A_241, %and3A_240 : vector<16xi32>
        %gather3A_243 = tpu.vector_load_idx %arg4[%add3A_136, %add3A_242] : memref<32x1024xi32, #tpu.memory_space<vmem>>[vector<16xi32>, vector<16xi32>], vector<16xi32>,
        %eq3A_244 = arith.constant 1 : i32
        %eq3A_245 = vector.broadcast %eq3A_244 : i32 to vector<16xi32>
        %eq3A_246 = arith.cmpi eq, %gather3A_243, %eq3A_245 : vector<16xi32>
        %convert_element_type3A_247 = arith.extui %eq3A_246 : vector<16xi1> to vector<16xi32>
        %add3A_248 = arith.addi %add3A_234, %convert_element_type3A_247 : vector<16xi32>
        %add3A_249 = arith.constant 7 : i32
        %add3A_250 = vector.broadcast %add3A_249 : i32 to vector<16xi32>
        %add3A_251 = arith.addi %iota3A, %add3A_250 : vector<16xi32>
        %and3A_252 = arith.constant 15 : i32
        %and3A_253 = vector.broadcast %and3A_252 : i32 to vector<16xi32>
        %and3A_254 = arith.andi %add3A_251, %and3A_253 : vector<16xi32>
        %add3A_255 = vector.broadcast %mul3A_154 : i32 to vector<16xi32>
        %add3A_256 = arith.addi %add3A_255, %and3A_254 : vector<16xi32>
        %gather3A_257 = tpu.vector_load_idx %arg4[%add3A_136, %add3A_256] : memref<32x1024xi32, #tpu.memory_space<vmem>>[vector<16xi32>, vector<16xi32>], vector<16xi32>,
        %eq3A_258 = arith.constant 1 : i32
        %eq3A_259 = vector.broadcast %eq3A_258 : i32 to vector<16xi32>
        %eq3A_260 = arith.cmpi eq, %gather3A_257, %eq3A_259 : vector<16xi32>
        %convert_element_type3A_261 = arith.extui %eq3A_260 : vector<16xi1> to vector<16xi32>
        %add3A_262 = arith.addi %add3A_248, %convert_element_type3A_261 : vector<16xi32>
        %add3A_263 = arith.constant 8 : i32
        %add3A_264 = vector.broadcast %add3A_263 : i32 to vector<16xi32>
        %add3A_265 = arith.addi %iota3A, %add3A_264 : vector<16xi32>
        %and3A_266 = arith.constant 15 : i32
        %and3A_267 = vector.broadcast %and3A_266 : i32 to vector<16xi32>
        %and3A_268 = arith.andi %add3A_265, %and3A_267 : vector<16xi32>
        %add3A_269 = vector.broadcast %mul3A_154 : i32 to vector<16xi32>
        %add3A_270 = arith.addi %add3A_269, %and3A_268 : vector<16xi32>
        %gather3A_271 = tpu.vector_load_idx %arg4[%add3A_136, %add3A_270] : memref<32x1024xi32, #tpu.memory_space<vmem>>[vector<16xi32>, vector<16xi32>], vector<16xi32>,
        %eq3A_272 = arith.constant 1 : i32
        %eq3A_273 = vector.broadcast %eq3A_272 : i32 to vector<16xi32>
        %eq3A_274 = arith.cmpi eq, %gather3A_271, %eq3A_273 : vector<16xi32>
        %convert_element_type3A_275 = arith.extui %eq3A_274 : vector<16xi1> to vector<16xi32>
        %add3A_276 = arith.addi %add3A_262, %convert_element_type3A_275 : vector<16xi32>
        %add3A_277 = arith.constant 9 : i32
        %add3A_278 = vector.broadcast %add3A_277 : i32 to vector<16xi32>
        %add3A_279 = arith.addi %iota3A, %add3A_278 : vector<16xi32>
        %and3A_280 = arith.constant 15 : i32
        %and3A_281 = vector.broadcast %and3A_280 : i32 to vector<16xi32>
        %and3A_282 = arith.andi %add3A_279, %and3A_281 : vector<16xi32>
        %add3A_283 = vector.broadcast %mul3A_154 : i32 to vector<16xi32>
        %add3A_284 = arith.addi %add3A_283, %and3A_282 : vector<16xi32>
        %gather3A_285 = tpu.vector_load_idx %arg4[%add3A_136, %add3A_284] : memref<32x1024xi32, #tpu.memory_space<vmem>>[vector<16xi32>, vector<16xi32>], vector<16xi32>,
        %eq3A_286 = arith.constant 1 : i32
        %eq3A_287 = vector.broadcast %eq3A_286 : i32 to vector<16xi32>
        %eq3A_288 = arith.cmpi eq, %gather3A_285, %eq3A_287 : vector<16xi32>
        %convert_element_type3A_289 = arith.extui %eq3A_288 : vector<16xi1> to vector<16xi32>
        %add3A_290 = arith.addi %add3A_276, %convert_element_type3A_289 : vector<16xi32>
        %add3A_291 = arith.constant 10 : i32
        %add3A_292 = vector.broadcast %add3A_291 : i32 to vector<16xi32>
        %add3A_293 = arith.addi %iota3A, %add3A_292 : vector<16xi32>
        %and3A_294 = arith.constant 15 : i32
        %and3A_295 = vector.broadcast %and3A_294 : i32 to vector<16xi32>
        %and3A_296 = arith.andi %add3A_293, %and3A_295 : vector<16xi32>
        %add3A_297 = vector.broadcast %mul3A_154 : i32 to vector<16xi32>
        %add3A_298 = arith.addi %add3A_297, %and3A_296 : vector<16xi32>
        %gather3A_299 = tpu.vector_load_idx %arg4[%add3A_136, %add3A_298] : memref<32x1024xi32, #tpu.memory_space<vmem>>[vector<16xi32>, vector<16xi32>], vector<16xi32>,
        %eq3A_300 = arith.constant 1 : i32
        %eq3A_301 = vector.broadcast %eq3A_300 : i32 to vector<16xi32>
        %eq3A_302 = arith.cmpi eq, %gather3A_299, %eq3A_301 : vector<16xi32>
        %convert_element_type3A_303 = arith.extui %eq3A_302 : vector<16xi1> to vector<16xi32>
        %add3A_304 = arith.addi %add3A_290, %convert_element_type3A_303 : vector<16xi32>
        %add3A_305 = arith.constant 11 : i32
        %add3A_306 = vector.broadcast %add3A_305 : i32 to vector<16xi32>
        %add3A_307 = arith.addi %iota3A, %add3A_306 : vector<16xi32>
        %and3A_308 = arith.constant 15 : i32
        %and3A_309 = vector.broadcast %and3A_308 : i32 to vector<16xi32>
        %and3A_310 = arith.andi %add3A_307, %and3A_309 : vector<16xi32>
        %add3A_311 = vector.broadcast %mul3A_154 : i32 to vector<16xi32>
        %add3A_312 = arith.addi %add3A_311, %and3A_310 : vector<16xi32>
        %gather3A_313 = tpu.vector_load_idx %arg4[%add3A_136, %add3A_312] : memref<32x1024xi32, #tpu.memory_space<vmem>>[vector<16xi32>, vector<16xi32>], vector<16xi32>,
        %eq3A_314 = arith.constant 1 : i32
        %eq3A_315 = vector.broadcast %eq3A_314 : i32 to vector<16xi32>
        %eq3A_316 = arith.cmpi eq, %gather3A_313, %eq3A_315 : vector<16xi32>
        %convert_element_type3A_317 = arith.extui %eq3A_316 : vector<16xi1> to vector<16xi32>
        %add3A_318 = arith.addi %add3A_304, %convert_element_type3A_317 : vector<16xi32>
        %add3A_319 = arith.constant 12 : i32
        %add3A_320 = vector.broadcast %add3A_319 : i32 to vector<16xi32>
        %add3A_321 = arith.addi %iota3A, %add3A_320 : vector<16xi32>
        %and3A_322 = arith.constant 15 : i32
        %and3A_323 = vector.broadcast %and3A_322 : i32 to vector<16xi32>
        %and3A_324 = arith.andi %add3A_321, %and3A_323 : vector<16xi32>
        %add3A_325 = vector.broadcast %mul3A_154 : i32 to vector<16xi32>
        %add3A_326 = arith.addi %add3A_325, %and3A_324 : vector<16xi32>
        %gather3A_327 = tpu.vector_load_idx %arg4[%add3A_136, %add3A_326] : memref<32x1024xi32, #tpu.memory_space<vmem>>[vector<16xi32>, vector<16xi32>], vector<16xi32>,
        %eq3A_328 = arith.constant 1 : i32
        %eq3A_329 = vector.broadcast %eq3A_328 : i32 to vector<16xi32>
        %eq3A_330 = arith.cmpi eq, %gather3A_327, %eq3A_329 : vector<16xi32>
        %convert_element_type3A_331 = arith.extui %eq3A_330 : vector<16xi1> to vector<16xi32>
        %add3A_332 = arith.addi %add3A_318, %convert_element_type3A_331 : vector<16xi32>
        %add3A_333 = arith.constant 13 : i32
        %add3A_334 = vector.broadcast %add3A_333 : i32 to vector<16xi32>
        %add3A_335 = arith.addi %iota3A, %add3A_334 : vector<16xi32>
        %and3A_336 = arith.constant 15 : i32
        %and3A_337 = vector.broadcast %and3A_336 : i32 to vector<16xi32>
        %and3A_338 = arith.andi %add3A_335, %and3A_337 : vector<16xi32>
        %add3A_339 = vector.broadcast %mul3A_154 : i32 to vector<16xi32>
        %add3A_340 = arith.addi %add3A_339, %and3A_338 : vector<16xi32>
        %gather3A_341 = tpu.vector_load_idx %arg4[%add3A_136, %add3A_340] : memref<32x1024xi32, #tpu.memory_space<vmem>>[vector<16xi32>, vector<16xi32>], vector<16xi32>,
        %eq3A_342 = arith.constant 1 : i32
        %eq3A_343 = vector.broadcast %eq3A_342 : i32 to vector<16xi32>
        %eq3A_344 = arith.cmpi eq, %gather3A_341, %eq3A_343 : vector<16xi32>
        %convert_element_type3A_345 = arith.extui %eq3A_344 : vector<16xi1> to vector<16xi32>
        %add3A_346 = arith.addi %add3A_332, %convert_element_type3A_345 : vector<16xi32>
        %add3A_347 = arith.constant 14 : i32
        %add3A_348 = vector.broadcast %add3A_347 : i32 to vector<16xi32>
        %add3A_349 = arith.addi %iota3A, %add3A_348 : vector<16xi32>
        %and3A_350 = arith.constant 15 : i32
        %and3A_351 = vector.broadcast %and3A_350 : i32 to vector<16xi32>
        %and3A_352 = arith.andi %add3A_349, %and3A_351 : vector<16xi32>
        %add3A_353 = vector.broadcast %mul3A_154 : i32 to vector<16xi32>
        %add3A_354 = arith.addi %add3A_353, %and3A_352 : vector<16xi32>
        %gather3A_355 = tpu.vector_load_idx %arg4[%add3A_136, %add3A_354] : memref<32x1024xi32, #tpu.memory_space<vmem>>[vector<16xi32>, vector<16xi32>], vector<16xi32>,
        %eq3A_356 = arith.constant 1 : i32
        %eq3A_357 = vector.broadcast %eq3A_356 : i32 to vector<16xi32>
        %eq3A_358 = arith.cmpi eq, %gather3A_355, %eq3A_357 : vector<16xi32>
        %convert_element_type3A_359 = arith.extui %eq3A_358 : vector<16xi1> to vector<16xi32>
        %add3A_360 = arith.addi %add3A_346, %convert_element_type3A_359 : vector<16xi32>
        %add3A_361 = arith.constant 15 : i32
        %add3A_362 = vector.broadcast %add3A_361 : i32 to vector<16xi32>
        %add3A_363 = arith.addi %iota3A, %add3A_362 : vector<16xi32>
        %and3A_364 = arith.constant 15 : i32
        %and3A_365 = vector.broadcast %and3A_364 : i32 to vector<16xi32>
        %and3A_366 = arith.andi %add3A_363, %and3A_365 : vector<16xi32>
        %add3A_367 = vector.broadcast %mul3A_154 : i32 to vector<16xi32>
        %add3A_368 = arith.addi %add3A_367, %and3A_366 : vector<16xi32>
        %gather3A_369 = tpu.vector_load_idx %arg4[%add3A_136, %add3A_368] : memref<32x1024xi32, #tpu.memory_space<vmem>>[vector<16xi32>, vector<16xi32>], vector<16xi32>,
        %eq3A_370 = arith.constant 1 : i32
        %eq3A_371 = vector.broadcast %eq3A_370 : i32 to vector<16xi32>
        %eq3A_372 = arith.cmpi eq, %gather3A_369, %eq3A_371 : vector<16xi32>
        %convert_element_type3A_373 = arith.extui %eq3A_372 : vector<16xi1> to vector<16xi32>
        %add3A_374 = arith.addi %add3A_360, %convert_element_type3A_373 : vector<16xi32>
        scf.yield %add3A_374 : vector<16xi32>
      }
      %scan3A_143 = arith.constant 64 : i32
      %min3A = arith.constant 511 : i32
      %min3A_144 = vector.broadcast %min3A : i32 to vector<16xi32>
      %min3A_145 = arith.minsi %scan3A_142, %min3A_144 : vector<16xi32>
      %mul3A_146 = arith.constant 16 : i32
      %mul3A_147 = arith.muli %scan3A_132, %mul3A_146 : i32
      %add3A_148 = arith.constant 0 : i32
      %add3A_149 = arith.addi %add3A_148, %mul3A_147 : i32
      %swap3A = arith.index_cast %add3A_149 : i32 to index
      %swap3A_150 = tpu.vector_load %arg6[%swap3A] {strides = array<i32>} : memref<256xi32, #tpu.memory_space<vmem>>, vector<16xi32>,
      tpu.vector_store %arg6[%swap3A], %min3A_145 {strides = array<i32>} : memref<256xi32, #tpu.memory_space<vmem>>, vector<16xi32>,
    }
    %scan3A_25 = arith.constant 2 : i32
    %add3A_26 = arith.constant 64 : i32
    %add3A_27 = arith.addi %add3A_6, %add3A_26 : i32
    %dma_start3A_28 = arith.constant 0 : i32
    %dma_start3A_29 = tpu.memref_slice %arg2[%add3A_27, %dma_start3A_28] : memref<8192x1024xi32, #tpu.memory_space<hbm>> -> memref<32x1024xi32, #tpu.memory_space<hbm>>
    %dma_start3A_30 = arith.constant 0 : i32
    %dma_start3A_31 = tpu.memref_slice %arg2[%add3A_27, %dma_start3A_30] : memref<8192x1024xi32, #tpu.memory_space<hbm>> -> memref<32x1024xi32, #tpu.memory_space<hbm>>
    tpu.enqueue_dma source(%dma_start3A_31 : memref<32x1024xi32, #tpu.memory_space<hbm>>) target(%arg4 : memref<32x1024xi32, #tpu.memory_space<vmem>>) target_semaphore(%arg7 : memref<!tpu.dma_semaphore, #tpu.memory_space<semaphore_mem>>)
    %dma_wait3A_32 = arith.constant 0 : i32
    %dma_wait3A_33 = tpu.memref_slice %arg2[%add3A_13, %dma_wait3A_32] : memref<8192x1024xi32, #tpu.memory_space<hbm>> -> memref<32x1024xi32, #tpu.memory_space<hbm>>
    %dma_wait3A_34 = arith.constant 0 : i32
    %dma_wait3A_35 = tpu.memref_slice %arg2[%add3A_13, %dma_wait3A_34] : memref<8192x1024xi32, #tpu.memory_space<hbm>> -> memref<32x1024xi32, #tpu.memory_space<hbm>>
    tpu.wait_dma2 semaphore(%arg8 : memref<!tpu.dma_semaphore, #tpu.memory_space<semaphore_mem>>) src(%dma_wait3A_35 : memref<32x1024xi32, #tpu.memory_space<hbm>>) dst(%arg5 : memref<32x1024xi32, #tpu.memory_space<vmem>>)
    %scan3A_36 = arith.constant 0 : i32
    %scan3A_37 = arith.constant 0 : i32
    %scan3A_38 = arith.constant 2 : i32
    %scan3A_39 = arith.addi %scan3A_37, %scan3A_38 : i32
    %scan3A_40 = arith.constant 1 : i32
    scf.for %scan3A_132 = %scan3A_37 to %scan3A_39 step %scan3A_40  : i32 {
      %mul3A_133 = arith.constant 16 : i32
      %mul3A_134 = arith.muli %scan3A_132, %mul3A_133 : i32
      %add3A_135 = vector.broadcast %mul3A_134 : i32 to vector<16xi32>
      %add3A_136 = arith.addi %add3A_135, %iota3A : vector<16xi32>
      %broadcast_in_dim3A = arith.constant 0 : i32
      %broadcast_in_dim3A_137 = vector.broadcast %broadcast_in_dim3A : i32 to vector<16xi32>
      %scan3A_138 = arith.constant 0 : i32
      %scan3A_139 = arith.constant 64 : i32
      %scan3A_140 = arith.addi %scan3A_138, %scan3A_139 : i32
      %scan3A_141 = arith.constant 1 : i32
      %scan3A_142 = scf.for %scan3A_151 = %scan3A_138 to %scan3A_140 step %scan3A_141 iter_args(%scan3A_152 = %broadcast_in_dim3A_137) -> (vector<16xi32>)  : i32 {
        %mul3A_153 = arith.constant 16 : i32
        %mul3A_154 = arith.muli %scan3A_151, %mul3A_153 : i32
        %add3A_155 = arith.constant 0 : i32
        %add3A_156 = vector.broadcast %add3A_155 : i32 to vector<16xi32>
        %add3A_157 = arith.addi %iota3A, %add3A_156 : vector<16xi32>
        %and3A = arith.constant 15 : i32
        %and3A_158 = vector.broadcast %and3A : i32 to vector<16xi32>
        %and3A_159 = arith.andi %add3A_157, %and3A_158 : vector<16xi32>
        %add3A_160 = vector.broadcast %mul3A_154 : i32 to vector<16xi32>
        %add3A_161 = arith.addi %add3A_160, %and3A_159 : vector<16xi32>
        %gather3A = tpu.vector_load_idx %arg5[%add3A_136, %add3A_161] : memref<32x1024xi32, #tpu.memory_space<vmem>>[vector<16xi32>, vector<16xi32>], vector<16xi32>,
        %eq3A = arith.constant 1 : i32
        %eq3A_162 = vector.broadcast %eq3A : i32 to vector<16xi32>
        %eq3A_163 = arith.cmpi eq, %gather3A, %eq3A_162 : vector<16xi32>
        %convert_element_type3A = arith.extui %eq3A_163 : vector<16xi1> to vector<16xi32>
        %add3A_164 = arith.addi %scan3A_152, %convert_element_type3A : vector<16xi32>
        %add3A_165 = arith.constant 1 : i32
        %add3A_166 = vector.broadcast %add3A_165 : i32 to vector<16xi32>
        %add3A_167 = arith.addi %iota3A, %add3A_166 : vector<16xi32>
        %and3A_168 = arith.constant 15 : i32
        %and3A_169 = vector.broadcast %and3A_168 : i32 to vector<16xi32>
        %and3A_170 = arith.andi %add3A_167, %and3A_169 : vector<16xi32>
        %add3A_171 = vector.broadcast %mul3A_154 : i32 to vector<16xi32>
        %add3A_172 = arith.addi %add3A_171, %and3A_170 : vector<16xi32>
        %gather3A_173 = tpu.vector_load_idx %arg5[%add3A_136, %add3A_172] : memref<32x1024xi32, #tpu.memory_space<vmem>>[vector<16xi32>, vector<16xi32>], vector<16xi32>,
        %eq3A_174 = arith.constant 1 : i32
        %eq3A_175 = vector.broadcast %eq3A_174 : i32 to vector<16xi32>
        %eq3A_176 = arith.cmpi eq, %gather3A_173, %eq3A_175 : vector<16xi32>
        %convert_element_type3A_177 = arith.extui %eq3A_176 : vector<16xi1> to vector<16xi32>
        %add3A_178 = arith.addi %add3A_164, %convert_element_type3A_177 : vector<16xi32>
        %add3A_179 = arith.constant 2 : i32
        %add3A_180 = vector.broadcast %add3A_179 : i32 to vector<16xi32>
        %add3A_181 = arith.addi %iota3A, %add3A_180 : vector<16xi32>
        %and3A_182 = arith.constant 15 : i32
        %and3A_183 = vector.broadcast %and3A_182 : i32 to vector<16xi32>
        %and3A_184 = arith.andi %add3A_181, %and3A_183 : vector<16xi32>
        %add3A_185 = vector.broadcast %mul3A_154 : i32 to vector<16xi32>
        %add3A_186 = arith.addi %add3A_185, %and3A_184 : vector<16xi32>
        %gather3A_187 = tpu.vector_load_idx %arg5[%add3A_136, %add3A_186] : memref<32x1024xi32, #tpu.memory_space<vmem>>[vector<16xi32>, vector<16xi32>], vector<16xi32>,
        %eq3A_188 = arith.constant 1 : i32
        %eq3A_189 = vector.broadcast %eq3A_188 : i32 to vector<16xi32>
        %eq3A_190 = arith.cmpi eq, %gather3A_187, %eq3A_189 : vector<16xi32>
        %convert_element_type3A_191 = arith.extui %eq3A_190 : vector<16xi1> to vector<16xi32>
        %add3A_192 = arith.addi %add3A_178, %convert_element_type3A_191 : vector<16xi32>
        %add3A_193 = arith.constant 3 : i32
        %add3A_194 = vector.broadcast %add3A_193 : i32 to vector<16xi32>
        %add3A_195 = arith.addi %iota3A, %add3A_194 : vector<16xi32>
        %and3A_196 = arith.constant 15 : i32
        %and3A_197 = vector.broadcast %and3A_196 : i32 to vector<16xi32>
        %and3A_198 = arith.andi %add3A_195, %and3A_197 : vector<16xi32>
        %add3A_199 = vector.broadcast %mul3A_154 : i32 to vector<16xi32>
        %add3A_200 = arith.addi %add3A_199, %and3A_198 : vector<16xi32>
        %gather3A_201 = tpu.vector_load_idx %arg5[%add3A_136, %add3A_200] : memref<32x1024xi32, #tpu.memory_space<vmem>>[vector<16xi32>, vector<16xi32>], vector<16xi32>,
        %eq3A_202 = arith.constant 1 : i32
        %eq3A_203 = vector.broadcast %eq3A_202 : i32 to vector<16xi32>
        %eq3A_204 = arith.cmpi eq, %gather3A_201, %eq3A_203 : vector<16xi32>
        %convert_element_type3A_205 = arith.extui %eq3A_204 : vector<16xi1> to vector<16xi32>
        %add3A_206 = arith.addi %add3A_192, %convert_element_type3A_205 : vector<16xi32>
        %add3A_207 = arith.constant 4 : i32
        %add3A_208 = vector.broadcast %add3A_207 : i32 to vector<16xi32>
        %add3A_209 = arith.addi %iota3A, %add3A_208 : vector<16xi32>
        %and3A_210 = arith.constant 15 : i32
        %and3A_211 = vector.broadcast %and3A_210 : i32 to vector<16xi32>
        %and3A_212 = arith.andi %add3A_209, %and3A_211 : vector<16xi32>
        %add3A_213 = vector.broadcast %mul3A_154 : i32 to vector<16xi32>
        %add3A_214 = arith.addi %add3A_213, %and3A_212 : vector<16xi32>
        %gather3A_215 = tpu.vector_load_idx %arg5[%add3A_136, %add3A_214] : memref<32x1024xi32, #tpu.memory_space<vmem>>[vector<16xi32>, vector<16xi32>], vector<16xi32>,
        %eq3A_216 = arith.constant 1 : i32
        %eq3A_217 = vector.broadcast %eq3A_216 : i32 to vector<16xi32>
        %eq3A_218 = arith.cmpi eq, %gather3A_215, %eq3A_217 : vector<16xi32>
        %convert_element_type3A_219 = arith.extui %eq3A_218 : vector<16xi1> to vector<16xi32>
        %add3A_220 = arith.addi %add3A_206, %convert_element_type3A_219 : vector<16xi32>
        %add3A_221 = arith.constant 5 : i32
        %add3A_222 = vector.broadcast %add3A_221 : i32 to vector<16xi32>
        %add3A_223 = arith.addi %iota3A, %add3A_222 : vector<16xi32>
        %and3A_224 = arith.constant 15 : i32
        %and3A_225 = vector.broadcast %and3A_224 : i32 to vector<16xi32>
        %and3A_226 = arith.andi %add3A_223, %and3A_225 : vector<16xi32>
        %add3A_227 = vector.broadcast %mul3A_154 : i32 to vector<16xi32>
        %add3A_228 = arith.addi %add3A_227, %and3A_226 : vector<16xi32>
        %gather3A_229 = tpu.vector_load_idx %arg5[%add3A_136, %add3A_228] : memref<32x1024xi32, #tpu.memory_space<vmem>>[vector<16xi32>, vector<16xi32>], vector<16xi32>,
        %eq3A_230 = arith.constant 1 : i32
        %eq3A_231 = vector.broadcast %eq3A_230 : i32 to vector<16xi32>
        %eq3A_232 = arith.cmpi eq, %gather3A_229, %eq3A_231 : vector<16xi32>
        %convert_element_type3A_233 = arith.extui %eq3A_232 : vector<16xi1> to vector<16xi32>
        %add3A_234 = arith.addi %add3A_220, %convert_element_type3A_233 : vector<16xi32>
        %add3A_235 = arith.constant 6 : i32
        %add3A_236 = vector.broadcast %add3A_235 : i32 to vector<16xi32>
        %add3A_237 = arith.addi %iota3A, %add3A_236 : vector<16xi32>
        %and3A_238 = arith.constant 15 : i32
        %and3A_239 = vector.broadcast %and3A_238 : i32 to vector<16xi32>
        %and3A_240 = arith.andi %add3A_237, %and3A_239 : vector<16xi32>
        %add3A_241 = vector.broadcast %mul3A_154 : i32 to vector<16xi32>
        %add3A_242 = arith.addi %add3A_241, %and3A_240 : vector<16xi32>
        %gather3A_243 = tpu.vector_load_idx %arg5[%add3A_136, %add3A_242] : memref<32x1024xi32, #tpu.memory_space<vmem>>[vector<16xi32>, vector<16xi32>], vector<16xi32>,
        %eq3A_244 = arith.constant 1 : i32
        %eq3A_245 = vector.broadcast %eq3A_244 : i32 to vector<16xi32>
        %eq3A_246 = arith.cmpi eq, %gather3A_243, %eq3A_245 : vector<16xi32>
        %convert_element_type3A_247 = arith.extui %eq3A_246 : vector<16xi1> to vector<16xi32>
        %add3A_248 = arith.addi %add3A_234, %convert_element_type3A_247 : vector<16xi32>
        %add3A_249 = arith.constant 7 : i32
        %add3A_250 = vector.broadcast %add3A_249 : i32 to vector<16xi32>
        %add3A_251 = arith.addi %iota3A, %add3A_250 : vector<16xi32>
        %and3A_252 = arith.constant 15 : i32
        %and3A_253 = vector.broadcast %and3A_252 : i32 to vector<16xi32>
        %and3A_254 = arith.andi %add3A_251, %and3A_253 : vector<16xi32>
        %add3A_255 = vector.broadcast %mul3A_154 : i32 to vector<16xi32>
        %add3A_256 = arith.addi %add3A_255, %and3A_254 : vector<16xi32>
        %gather3A_257 = tpu.vector_load_idx %arg5[%add3A_136, %add3A_256] : memref<32x1024xi32, #tpu.memory_space<vmem>>[vector<16xi32>, vector<16xi32>], vector<16xi32>,
        %eq3A_258 = arith.constant 1 : i32
        %eq3A_259 = vector.broadcast %eq3A_258 : i32 to vector<16xi32>
        %eq3A_260 = arith.cmpi eq, %gather3A_257, %eq3A_259 : vector<16xi32>
        %convert_element_type3A_261 = arith.extui %eq3A_260 : vector<16xi1> to vector<16xi32>
        %add3A_262 = arith.addi %add3A_248, %convert_element_type3A_261 : vector<16xi32>
        %add3A_263 = arith.constant 8 : i32
        %add3A_264 = vector.broadcast %add3A_263 : i32 to vector<16xi32>
        %add3A_265 = arith.addi %iota3A, %add3A_264 : vector<16xi32>
        %and3A_266 = arith.constant 15 : i32
        %and3A_267 = vector.broadcast %and3A_266 : i32 to vector<16xi32>
        %and3A_268 = arith.andi %add3A_265, %and3A_267 : vector<16xi32>
        %add3A_269 = vector.broadcast %mul3A_154 : i32 to vector<16xi32>
        %add3A_270 = arith.addi %add3A_269, %and3A_268 : vector<16xi32>
        %gather3A_271 = tpu.vector_load_idx %arg5[%add3A_136, %add3A_270] : memref<32x1024xi32, #tpu.memory_space<vmem>>[vector<16xi32>, vector<16xi32>], vector<16xi32>,
        %eq3A_272 = arith.constant 1 : i32
        %eq3A_273 = vector.broadcast %eq3A_272 : i32 to vector<16xi32>
        %eq3A_274 = arith.cmpi eq, %gather3A_271, %eq3A_273 : vector<16xi32>
        %convert_element_type3A_275 = arith.extui %eq3A_274 : vector<16xi1> to vector<16xi32>
        %add3A_276 = arith.addi %add3A_262, %convert_element_type3A_275 : vector<16xi32>
        %add3A_277 = arith.constant 9 : i32
        %add3A_278 = vector.broadcast %add3A_277 : i32 to vector<16xi32>
        %add3A_279 = arith.addi %iota3A, %add3A_278 : vector<16xi32>
        %and3A_280 = arith.constant 15 : i32
        %and3A_281 = vector.broadcast %and3A_280 : i32 to vector<16xi32>
        %and3A_282 = arith.andi %add3A_279, %and3A_281 : vector<16xi32>
        %add3A_283 = vector.broadcast %mul3A_154 : i32 to vector<16xi32>
        %add3A_284 = arith.addi %add3A_283, %and3A_282 : vector<16xi32>
        %gather3A_285 = tpu.vector_load_idx %arg5[%add3A_136, %add3A_284] : memref<32x1024xi32, #tpu.memory_space<vmem>>[vector<16xi32>, vector<16xi32>], vector<16xi32>,
        %eq3A_286 = arith.constant 1 : i32
        %eq3A_287 = vector.broadcast %eq3A_286 : i32 to vector<16xi32>
        %eq3A_288 = arith.cmpi eq, %gather3A_285, %eq3A_287 : vector<16xi32>
        %convert_element_type3A_289 = arith.extui %eq3A_288 : vector<16xi1> to vector<16xi32>
        %add3A_290 = arith.addi %add3A_276, %convert_element_type3A_289 : vector<16xi32>
        %add3A_291 = arith.constant 10 : i32
        %add3A_292 = vector.broadcast %add3A_291 : i32 to vector<16xi32>
        %add3A_293 = arith.addi %iota3A, %add3A_292 : vector<16xi32>
        %and3A_294 = arith.constant 15 : i32
        %and3A_295 = vector.broadcast %and3A_294 : i32 to vector<16xi32>
        %and3A_296 = arith.andi %add3A_293, %and3A_295 : vector<16xi32>
        %add3A_297 = vector.broadcast %mul3A_154 : i32 to vector<16xi32>
        %add3A_298 = arith.addi %add3A_297, %and3A_296 : vector<16xi32>
        %gather3A_299 = tpu.vector_load_idx %arg5[%add3A_136, %add3A_298] : memref<32x1024xi32, #tpu.memory_space<vmem>>[vector<16xi32>, vector<16xi32>], vector<16xi32>,
        %eq3A_300 = arith.constant 1 : i32
        %eq3A_301 = vector.broadcast %eq3A_300 : i32 to vector<16xi32>
        %eq3A_302 = arith.cmpi eq, %gather3A_299, %eq3A_301 : vector<16xi32>
        %convert_element_type3A_303 = arith.extui %eq3A_302 : vector<16xi1> to vector<16xi32>
        %add3A_304 = arith.addi %add3A_290, %convert_element_type3A_303 : vector<16xi32>
        %add3A_305 = arith.constant 11 : i32
        %add3A_306 = vector.broadcast %add3A_305 : i32 to vector<16xi32>
        %add3A_307 = arith.addi %iota3A, %add3A_306 : vector<16xi32>
        %and3A_308 = arith.constant 15 : i32
        %and3A_309 = vector.broadcast %and3A_308 : i32 to vector<16xi32>
        %and3A_310 = arith.andi %add3A_307, %and3A_309 : vector<16xi32>
        %add3A_311 = vector.broadcast %mul3A_154 : i32 to vector<16xi32>
        %add3A_312 = arith.addi %add3A_311, %and3A_310 : vector<16xi32>
        %gather3A_313 = tpu.vector_load_idx %arg5[%add3A_136, %add3A_312] : memref<32x1024xi32, #tpu.memory_space<vmem>>[vector<16xi32>, vector<16xi32>], vector<16xi32>,
        %eq3A_314 = arith.constant 1 : i32
        %eq3A_315 = vector.broadcast %eq3A_314 : i32 to vector<16xi32>
        %eq3A_316 = arith.cmpi eq, %gather3A_313, %eq3A_315 : vector<16xi32>
        %convert_element_type3A_317 = arith.extui %eq3A_316 : vector<16xi1> to vector<16xi32>
        %add3A_318 = arith.addi %add3A_304, %convert_element_type3A_317 : vector<16xi32>
        %add3A_319 = arith.constant 12 : i32
        %add3A_320 = vector.broadcast %add3A_319 : i32 to vector<16xi32>
        %add3A_321 = arith.addi %iota3A, %add3A_320 : vector<16xi32>
        %and3A_322 = arith.constant 15 : i32
        %and3A_323 = vector.broadcast %and3A_322 : i32 to vector<16xi32>
        %and3A_324 = arith.andi %add3A_321, %and3A_323 : vector<16xi32>
        %add3A_325 = vector.broadcast %mul3A_154 : i32 to vector<16xi32>
        %add3A_326 = arith.addi %add3A_325, %and3A_324 : vector<16xi32>
        %gather3A_327 = tpu.vector_load_idx %arg5[%add3A_136, %add3A_326] : memref<32x1024xi32, #tpu.memory_space<vmem>>[vector<16xi32>, vector<16xi32>], vector<16xi32>,
        %eq3A_328 = arith.constant 1 : i32
        %eq3A_329 = vector.broadcast %eq3A_328 : i32 to vector<16xi32>
        %eq3A_330 = arith.cmpi eq, %gather3A_327, %eq3A_329 : vector<16xi32>
        %convert_element_type3A_331 = arith.extui %eq3A_330 : vector<16xi1> to vector<16xi32>
        %add3A_332 = arith.addi %add3A_318, %convert_element_type3A_331 : vector<16xi32>
        %add3A_333 = arith.constant 13 : i32
        %add3A_334 = vector.broadcast %add3A_333 : i32 to vector<16xi32>
        %add3A_335 = arith.addi %iota3A, %add3A_334 : vector<16xi32>
        %and3A_336 = arith.constant 15 : i32
        %and3A_337 = vector.broadcast %and3A_336 : i32 to vector<16xi32>
        %and3A_338 = arith.andi %add3A_335, %and3A_337 : vector<16xi32>
        %add3A_339 = vector.broadcast %mul3A_154 : i32 to vector<16xi32>
        %add3A_340 = arith.addi %add3A_339, %and3A_338 : vector<16xi32>
        %gather3A_341 = tpu.vector_load_idx %arg5[%add3A_136, %add3A_340] : memref<32x1024xi32, #tpu.memory_space<vmem>>[vector<16xi32>, vector<16xi32>], vector<16xi32>,
        %eq3A_342 = arith.constant 1 : i32
        %eq3A_343 = vector.broadcast %eq3A_342 : i32 to vector<16xi32>
        %eq3A_344 = arith.cmpi eq, %gather3A_341, %eq3A_343 : vector<16xi32>
        %convert_element_type3A_345 = arith.extui %eq3A_344 : vector<16xi1> to vector<16xi32>
        %add3A_346 = arith.addi %add3A_332, %convert_element_type3A_345 : vector<16xi32>
        %add3A_347 = arith.constant 14 : i32
        %add3A_348 = vector.broadcast %add3A_347 : i32 to vector<16xi32>
        %add3A_349 = arith.addi %iota3A, %add3A_348 : vector<16xi32>
        %and3A_350 = arith.constant 15 : i32
        %and3A_351 = vector.broadcast %and3A_350 : i32 to vector<16xi32>
        %and3A_352 = arith.andi %add3A_349, %and3A_351 : vector<16xi32>
        %add3A_353 = vector.broadcast %mul3A_154 : i32 to vector<16xi32>
        %add3A_354 = arith.addi %add3A_353, %and3A_352 : vector<16xi32>
        %gather3A_355 = tpu.vector_load_idx %arg5[%add3A_136, %add3A_354] : memref<32x1024xi32, #tpu.memory_space<vmem>>[vector<16xi32>, vector<16xi32>], vector<16xi32>,
        %eq3A_356 = arith.constant 1 : i32
        %eq3A_357 = vector.broadcast %eq3A_356 : i32 to vector<16xi32>
        %eq3A_358 = arith.cmpi eq, %gather3A_355, %eq3A_357 : vector<16xi32>
        %convert_element_type3A_359 = arith.extui %eq3A_358 : vector<16xi1> to vector<16xi32>
        %add3A_360 = arith.addi %add3A_346, %convert_element_type3A_359 : vector<16xi32>
        %add3A_361 = arith.constant 15 : i32
        %add3A_362 = vector.broadcast %add3A_361 : i32 to vector<16xi32>
        %add3A_363 = arith.addi %iota3A, %add3A_362 : vector<16xi32>
        %and3A_364 = arith.constant 15 : i32
        %and3A_365 = vector.broadcast %and3A_364 : i32 to vector<16xi32>
        %and3A_366 = arith.andi %add3A_363, %and3A_365 : vector<16xi32>
        %add3A_367 = vector.broadcast %mul3A_154 : i32 to vector<16xi32>
        %add3A_368 = arith.addi %add3A_367, %and3A_366 : vector<16xi32>
        %gather3A_369 = tpu.vector_load_idx %arg5[%add3A_136, %add3A_368] : memref<32x1024xi32, #tpu.memory_space<vmem>>[vector<16xi32>, vector<16xi32>], vector<16xi32>,
        %eq3A_370 = arith.constant 1 : i32
        %eq3A_371 = vector.broadcast %eq3A_370 : i32 to vector<16xi32>
        %eq3A_372 = arith.cmpi eq, %gather3A_369, %eq3A_371 : vector<16xi32>
        %convert_element_type3A_373 = arith.extui %eq3A_372 : vector<16xi1> to vector<16xi32>
        %add3A_374 = arith.addi %add3A_360, %convert_element_type3A_373 : vector<16xi32>
        scf.yield %add3A_374 : vector<16xi32>
      }
      %scan3A_143 = arith.constant 64 : i32
      %min3A = arith.constant 511 : i32
      %min3A_144 = vector.broadcast %min3A : i32 to vector<16xi32>
      %min3A_145 = arith.minsi %scan3A_142, %min3A_144 : vector<16xi32>
      %mul3A_146 = arith.constant 16 : i32
      %mul3A_147 = arith.muli %scan3A_132, %mul3A_146 : i32
      %add3A_148 = arith.constant 32 : i32
      %add3A_149 = arith.addi %add3A_148, %mul3A_147 : i32
      %swap3A = arith.index_cast %add3A_149 : i32 to index
      %swap3A_150 = tpu.vector_load %arg6[%swap3A] {strides = array<i32>} : memref<256xi32, #tpu.memory_space<vmem>>, vector<16xi32>,
      tpu.vector_store %arg6[%swap3A], %min3A_145 {strides = array<i32>} : memref<256xi32, #tpu.memory_space<vmem>>, vector<16xi32>,
    }
    %scan3A_41 = arith.constant 2 : i32
    %add3A_42 = arith.constant 96 : i32
    %add3A_43 = arith.addi %add3A_6, %add3A_42 : i32
    %dma_start3A_44 = arith.constant 0 : i32
    %dma_start3A_45 = tpu.memref_slice %arg2[%add3A_43, %dma_start3A_44] : memref<8192x1024xi32, #tpu.memory_space<hbm>> -> memref<32x1024xi32, #tpu.memory_space<hbm>>
    %dma_start3A_46 = arith.constant 0 : i32
    %dma_start3A_47 = tpu.memref_slice %arg2[%add3A_43, %dma_start3A_46] : memref<8192x1024xi32, #tpu.memory_space<hbm>> -> memref<32x1024xi32, #tpu.memory_space<hbm>>
    tpu.enqueue_dma source(%dma_start3A_47 : memref<32x1024xi32, #tpu.memory_space<hbm>>) target(%arg5 : memref<32x1024xi32, #tpu.memory_space<vmem>>) target_semaphore(%arg8 : memref<!tpu.dma_semaphore, #tpu.memory_space<semaphore_mem>>)
    %dma_wait3A_48 = arith.constant 0 : i32
    %dma_wait3A_49 = tpu.memref_slice %arg2[%add3A_27, %dma_wait3A_48] : memref<8192x1024xi32, #tpu.memory_space<hbm>> -> memref<32x1024xi32, #tpu.memory_space<hbm>>
    %dma_wait3A_50 = arith.constant 0 : i32
    %dma_wait3A_51 = tpu.memref_slice %arg2[%add3A_27, %dma_wait3A_50] : memref<8192x1024xi32, #tpu.memory_space<hbm>> -> memref<32x1024xi32, #tpu.memory_space<hbm>>
    tpu.wait_dma2 semaphore(%arg7 : memref<!tpu.dma_semaphore, #tpu.memory_space<semaphore_mem>>) src(%dma_wait3A_51 : memref<32x1024xi32, #tpu.memory_space<hbm>>) dst(%arg4 : memref<32x1024xi32, #tpu.memory_space<vmem>>)
    %scan3A_52 = arith.constant 0 : i32
    %scan3A_53 = arith.constant 0 : i32
    %scan3A_54 = arith.constant 2 : i32
    %scan3A_55 = arith.addi %scan3A_53, %scan3A_54 : i32
    %scan3A_56 = arith.constant 1 : i32
    scf.for %scan3A_132 = %scan3A_53 to %scan3A_55 step %scan3A_56  : i32 {
      %mul3A_133 = arith.constant 16 : i32
      %mul3A_134 = arith.muli %scan3A_132, %mul3A_133 : i32
      %add3A_135 = vector.broadcast %mul3A_134 : i32 to vector<16xi32>
      %add3A_136 = arith.addi %add3A_135, %iota3A : vector<16xi32>
      %broadcast_in_dim3A = arith.constant 0 : i32
      %broadcast_in_dim3A_137 = vector.broadcast %broadcast_in_dim3A : i32 to vector<16xi32>
      %scan3A_138 = arith.constant 0 : i32
      %scan3A_139 = arith.constant 64 : i32
      %scan3A_140 = arith.addi %scan3A_138, %scan3A_139 : i32
      %scan3A_141 = arith.constant 1 : i32
      %scan3A_142 = scf.for %scan3A_151 = %scan3A_138 to %scan3A_140 step %scan3A_141 iter_args(%scan3A_152 = %broadcast_in_dim3A_137) -> (vector<16xi32>)  : i32 {
        %mul3A_153 = arith.constant 16 : i32
        %mul3A_154 = arith.muli %scan3A_151, %mul3A_153 : i32
        %add3A_155 = arith.constant 0 : i32
        %add3A_156 = vector.broadcast %add3A_155 : i32 to vector<16xi32>
        %add3A_157 = arith.addi %iota3A, %add3A_156 : vector<16xi32>
        %and3A = arith.constant 15 : i32
        %and3A_158 = vector.broadcast %and3A : i32 to vector<16xi32>
        %and3A_159 = arith.andi %add3A_157, %and3A_158 : vector<16xi32>
        %add3A_160 = vector.broadcast %mul3A_154 : i32 to vector<16xi32>
        %add3A_161 = arith.addi %add3A_160, %and3A_159 : vector<16xi32>
        %gather3A = tpu.vector_load_idx %arg4[%add3A_136, %add3A_161] : memref<32x1024xi32, #tpu.memory_space<vmem>>[vector<16xi32>, vector<16xi32>], vector<16xi32>,
        %eq3A = arith.constant 1 : i32
        %eq3A_162 = vector.broadcast %eq3A : i32 to vector<16xi32>
        %eq3A_163 = arith.cmpi eq, %gather3A, %eq3A_162 : vector<16xi32>
        %convert_element_type3A = arith.extui %eq3A_163 : vector<16xi1> to vector<16xi32>
        %add3A_164 = arith.addi %scan3A_152, %convert_element_type3A : vector<16xi32>
        %add3A_165 = arith.constant 1 : i32
        %add3A_166 = vector.broadcast %add3A_165 : i32 to vector<16xi32>
        %add3A_167 = arith.addi %iota3A, %add3A_166 : vector<16xi32>
        %and3A_168 = arith.constant 15 : i32
        %and3A_169 = vector.broadcast %and3A_168 : i32 to vector<16xi32>
        %and3A_170 = arith.andi %add3A_167, %and3A_169 : vector<16xi32>
        %add3A_171 = vector.broadcast %mul3A_154 : i32 to vector<16xi32>
        %add3A_172 = arith.addi %add3A_171, %and3A_170 : vector<16xi32>
        %gather3A_173 = tpu.vector_load_idx %arg4[%add3A_136, %add3A_172] : memref<32x1024xi32, #tpu.memory_space<vmem>>[vector<16xi32>, vector<16xi32>], vector<16xi32>,
        %eq3A_174 = arith.constant 1 : i32
        %eq3A_175 = vector.broadcast %eq3A_174 : i32 to vector<16xi32>
        %eq3A_176 = arith.cmpi eq, %gather3A_173, %eq3A_175 : vector<16xi32>
        %convert_element_type3A_177 = arith.extui %eq3A_176 : vector<16xi1> to vector<16xi32>
        %add3A_178 = arith.addi %add3A_164, %convert_element_type3A_177 : vector<16xi32>
        %add3A_179 = arith.constant 2 : i32
        %add3A_180 = vector.broadcast %add3A_179 : i32 to vector<16xi32>
        %add3A_181 = arith.addi %iota3A, %add3A_180 : vector<16xi32>
        %and3A_182 = arith.constant 15 : i32
        %and3A_183 = vector.broadcast %and3A_182 : i32 to vector<16xi32>
        %and3A_184 = arith.andi %add3A_181, %and3A_183 : vector<16xi32>
        %add3A_185 = vector.broadcast %mul3A_154 : i32 to vector<16xi32>
        %add3A_186 = arith.addi %add3A_185, %and3A_184 : vector<16xi32>
        %gather3A_187 = tpu.vector_load_idx %arg4[%add3A_136, %add3A_186] : memref<32x1024xi32, #tpu.memory_space<vmem>>[vector<16xi32>, vector<16xi32>], vector<16xi32>,
        %eq3A_188 = arith.constant 1 : i32
        %eq3A_189 = vector.broadcast %eq3A_188 : i32 to vector<16xi32>
        %eq3A_190 = arith.cmpi eq, %gather3A_187, %eq3A_189 : vector<16xi32>
        %convert_element_type3A_191 = arith.extui %eq3A_190 : vector<16xi1> to vector<16xi32>
        %add3A_192 = arith.addi %add3A_178, %convert_element_type3A_191 : vector<16xi32>
        %add3A_193 = arith.constant 3 : i32
        %add3A_194 = vector.broadcast %add3A_193 : i32 to vector<16xi32>
        %add3A_195 = arith.addi %iota3A, %add3A_194 : vector<16xi32>
        %and3A_196 = arith.constant 15 : i32
        %and3A_197 = vector.broadcast %and3A_196 : i32 to vector<16xi32>
        %and3A_198 = arith.andi %add3A_195, %and3A_197 : vector<16xi32>
        %add3A_199 = vector.broadcast %mul3A_154 : i32 to vector<16xi32>
        %add3A_200 = arith.addi %add3A_199, %and3A_198 : vector<16xi32>
        %gather3A_201 = tpu.vector_load_idx %arg4[%add3A_136, %add3A_200] : memref<32x1024xi32, #tpu.memory_space<vmem>>[vector<16xi32>, vector<16xi32>], vector<16xi32>,
        %eq3A_202 = arith.constant 1 : i32
        %eq3A_203 = vector.broadcast %eq3A_202 : i32 to vector<16xi32>
        %eq3A_204 = arith.cmpi eq, %gather3A_201, %eq3A_203 : vector<16xi32>
        %convert_element_type3A_205 = arith.extui %eq3A_204 : vector<16xi1> to vector<16xi32>
        %add3A_206 = arith.addi %add3A_192, %convert_element_type3A_205 : vector<16xi32>
        %add3A_207 = arith.constant 4 : i32
        %add3A_208 = vector.broadcast %add3A_207 : i32 to vector<16xi32>
        %add3A_209 = arith.addi %iota3A, %add3A_208 : vector<16xi32>
        %and3A_210 = arith.constant 15 : i32
        %and3A_211 = vector.broadcast %and3A_210 : i32 to vector<16xi32>
        %and3A_212 = arith.andi %add3A_209, %and3A_211 : vector<16xi32>
        %add3A_213 = vector.broadcast %mul3A_154 : i32 to vector<16xi32>
        %add3A_214 = arith.addi %add3A_213, %and3A_212 : vector<16xi32>
        %gather3A_215 = tpu.vector_load_idx %arg4[%add3A_136, %add3A_214] : memref<32x1024xi32, #tpu.memory_space<vmem>>[vector<16xi32>, vector<16xi32>], vector<16xi32>,
        %eq3A_216 = arith.constant 1 : i32
        %eq3A_217 = vector.broadcast %eq3A_216 : i32 to vector<16xi32>
        %eq3A_218 = arith.cmpi eq, %gather3A_215, %eq3A_217 : vector<16xi32>
        %convert_element_type3A_219 = arith.extui %eq3A_218 : vector<16xi1> to vector<16xi32>
        %add3A_220 = arith.addi %add3A_206, %convert_element_type3A_219 : vector<16xi32>
        %add3A_221 = arith.constant 5 : i32
        %add3A_222 = vector.broadcast %add3A_221 : i32 to vector<16xi32>
        %add3A_223 = arith.addi %iota3A, %add3A_222 : vector<16xi32>
        %and3A_224 = arith.constant 15 : i32
        %and3A_225 = vector.broadcast %and3A_224 : i32 to vector<16xi32>
        %and3A_226 = arith.andi %add3A_223, %and3A_225 : vector<16xi32>
        %add3A_227 = vector.broadcast %mul3A_154 : i32 to vector<16xi32>
        %add3A_228 = arith.addi %add3A_227, %and3A_226 : vector<16xi32>
        %gather3A_229 = tpu.vector_load_idx %arg4[%add3A_136, %add3A_228] : memref<32x1024xi32, #tpu.memory_space<vmem>>[vector<16xi32>, vector<16xi32>], vector<16xi32>,
        %eq3A_230 = arith.constant 1 : i32
        %eq3A_231 = vector.broadcast %eq3A_230 : i32 to vector<16xi32>
        %eq3A_232 = arith.cmpi eq, %gather3A_229, %eq3A_231 : vector<16xi32>
        %convert_element_type3A_233 = arith.extui %eq3A_232 : vector<16xi1> to vector<16xi32>
        %add3A_234 = arith.addi %add3A_220, %convert_element_type3A_233 : vector<16xi32>
        %add3A_235 = arith.constant 6 : i32
        %add3A_236 = vector.broadcast %add3A_235 : i32 to vector<16xi32>
        %add3A_237 = arith.addi %iota3A, %add3A_236 : vector<16xi32>
        %and3A_238 = arith.constant 15 : i32
        %and3A_239 = vector.broadcast %and3A_238 : i32 to vector<16xi32>
        %and3A_240 = arith.andi %add3A_237, %and3A_239 : vector<16xi32>
        %add3A_241 = vector.broadcast %mul3A_154 : i32 to vector<16xi32>
        %add3A_242 = arith.addi %add3A_241, %and3A_240 : vector<16xi32>
        %gather3A_243 = tpu.vector_load_idx %arg4[%add3A_136, %add3A_242] : memref<32x1024xi32, #tpu.memory_space<vmem>>[vector<16xi32>, vector<16xi32>], vector<16xi32>,
        %eq3A_244 = arith.constant 1 : i32
        %eq3A_245 = vector.broadcast %eq3A_244 : i32 to vector<16xi32>
        %eq3A_246 = arith.cmpi eq, %gather3A_243, %eq3A_245 : vector<16xi32>
        %convert_element_type3A_247 = arith.extui %eq3A_246 : vector<16xi1> to vector<16xi32>
        %add3A_248 = arith.addi %add3A_234, %convert_element_type3A_247 : vector<16xi32>
        %add3A_249 = arith.constant 7 : i32
        %add3A_250 = vector.broadcast %add3A_249 : i32 to vector<16xi32>
        %add3A_251 = arith.addi %iota3A, %add3A_250 : vector<16xi32>
        %and3A_252 = arith.constant 15 : i32
        %and3A_253 = vector.broadcast %and3A_252 : i32 to vector<16xi32>
        %and3A_254 = arith.andi %add3A_251, %and3A_253 : vector<16xi32>
        %add3A_255 = vector.broadcast %mul3A_154 : i32 to vector<16xi32>
        %add3A_256 = arith.addi %add3A_255, %and3A_254 : vector<16xi32>
        %gather3A_257 = tpu.vector_load_idx %arg4[%add3A_136, %add3A_256] : memref<32x1024xi32, #tpu.memory_space<vmem>>[vector<16xi32>, vector<16xi32>], vector<16xi32>,
        %eq3A_258 = arith.constant 1 : i32
        %eq3A_259 = vector.broadcast %eq3A_258 : i32 to vector<16xi32>
        %eq3A_260 = arith.cmpi eq, %gather3A_257, %eq3A_259 : vector<16xi32>
        %convert_element_type3A_261 = arith.extui %eq3A_260 : vector<16xi1> to vector<16xi32>
        %add3A_262 = arith.addi %add3A_248, %convert_element_type3A_261 : vector<16xi32>
        %add3A_263 = arith.constant 8 : i32
        %add3A_264 = vector.broadcast %add3A_263 : i32 to vector<16xi32>
        %add3A_265 = arith.addi %iota3A, %add3A_264 : vector<16xi32>
        %and3A_266 = arith.constant 15 : i32
        %and3A_267 = vector.broadcast %and3A_266 : i32 to vector<16xi32>
        %and3A_268 = arith.andi %add3A_265, %and3A_267 : vector<16xi32>
        %add3A_269 = vector.broadcast %mul3A_154 : i32 to vector<16xi32>
        %add3A_270 = arith.addi %add3A_269, %and3A_268 : vector<16xi32>
        %gather3A_271 = tpu.vector_load_idx %arg4[%add3A_136, %add3A_270] : memref<32x1024xi32, #tpu.memory_space<vmem>>[vector<16xi32>, vector<16xi32>], vector<16xi32>,
        %eq3A_272 = arith.constant 1 : i32
        %eq3A_273 = vector.broadcast %eq3A_272 : i32 to vector<16xi32>
        %eq3A_274 = arith.cmpi eq, %gather3A_271, %eq3A_273 : vector<16xi32>
        %convert_element_type3A_275 = arith.extui %eq3A_274 : vector<16xi1> to vector<16xi32>
        %add3A_276 = arith.addi %add3A_262, %convert_element_type3A_275 : vector<16xi32>
        %add3A_277 = arith.constant 9 : i32
        %add3A_278 = vector.broadcast %add3A_277 : i32 to vector<16xi32>
        %add3A_279 = arith.addi %iota3A, %add3A_278 : vector<16xi32>
        %and3A_280 = arith.constant 15 : i32
        %and3A_281 = vector.broadcast %and3A_280 : i32 to vector<16xi32>
        %and3A_282 = arith.andi %add3A_279, %and3A_281 : vector<16xi32>
        %add3A_283 = vector.broadcast %mul3A_154 : i32 to vector<16xi32>
        %add3A_284 = arith.addi %add3A_283, %and3A_282 : vector<16xi32>
        %gather3A_285 = tpu.vector_load_idx %arg4[%add3A_136, %add3A_284] : memref<32x1024xi32, #tpu.memory_space<vmem>>[vector<16xi32>, vector<16xi32>], vector<16xi32>,
        %eq3A_286 = arith.constant 1 : i32
        %eq3A_287 = vector.broadcast %eq3A_286 : i32 to vector<16xi32>
        %eq3A_288 = arith.cmpi eq, %gather3A_285, %eq3A_287 : vector<16xi32>
        %convert_element_type3A_289 = arith.extui %eq3A_288 : vector<16xi1> to vector<16xi32>
        %add3A_290 = arith.addi %add3A_276, %convert_element_type3A_289 : vector<16xi32>
        %add3A_291 = arith.constant 10 : i32
        %add3A_292 = vector.broadcast %add3A_291 : i32 to vector<16xi32>
        %add3A_293 = arith.addi %iota3A, %add3A_292 : vector<16xi32>
        %and3A_294 = arith.constant 15 : i32
        %and3A_295 = vector.broadcast %and3A_294 : i32 to vector<16xi32>
        %and3A_296 = arith.andi %add3A_293, %and3A_295 : vector<16xi32>
        %add3A_297 = vector.broadcast %mul3A_154 : i32 to vector<16xi32>
        %add3A_298 = arith.addi %add3A_297, %and3A_296 : vector<16xi32>
        %gather3A_299 = tpu.vector_load_idx %arg4[%add3A_136, %add3A_298] : memref<32x1024xi32, #tpu.memory_space<vmem>>[vector<16xi32>, vector<16xi32>], vector<16xi32>,
        %eq3A_300 = arith.constant 1 : i32
        %eq3A_301 = vector.broadcast %eq3A_300 : i32 to vector<16xi32>
        %eq3A_302 = arith.cmpi eq, %gather3A_299, %eq3A_301 : vector<16xi32>
        %convert_element_type3A_303 = arith.extui %eq3A_302 : vector<16xi1> to vector<16xi32>
        %add3A_304 = arith.addi %add3A_290, %convert_element_type3A_303 : vector<16xi32>
        %add3A_305 = arith.constant 11 : i32
        %add3A_306 = vector.broadcast %add3A_305 : i32 to vector<16xi32>
        %add3A_307 = arith.addi %iota3A, %add3A_306 : vector<16xi32>
        %and3A_308 = arith.constant 15 : i32
        %and3A_309 = vector.broadcast %and3A_308 : i32 to vector<16xi32>
        %and3A_310 = arith.andi %add3A_307, %and3A_309 : vector<16xi32>
        %add3A_311 = vector.broadcast %mul3A_154 : i32 to vector<16xi32>
        %add3A_312 = arith.addi %add3A_311, %and3A_310 : vector<16xi32>
        %gather3A_313 = tpu.vector_load_idx %arg4[%add3A_136, %add3A_312] : memref<32x1024xi32, #tpu.memory_space<vmem>>[vector<16xi32>, vector<16xi32>], vector<16xi32>,
        %eq3A_314 = arith.constant 1 : i32
        %eq3A_315 = vector.broadcast %eq3A_314 : i32 to vector<16xi32>
        %eq3A_316 = arith.cmpi eq, %gather3A_313, %eq3A_315 : vector<16xi32>
        %convert_element_type3A_317 = arith.extui %eq3A_316 : vector<16xi1> to vector<16xi32>
        %add3A_318 = arith.addi %add3A_304, %convert_element_type3A_317 : vector<16xi32>
        %add3A_319 = arith.constant 12 : i32
        %add3A_320 = vector.broadcast %add3A_319 : i32 to vector<16xi32>
        %add3A_321 = arith.addi %iota3A, %add3A_320 : vector<16xi32>
        %and3A_322 = arith.constant 15 : i32
        %and3A_323 = vector.broadcast %and3A_322 : i32 to vector<16xi32>
        %and3A_324 = arith.andi %add3A_321, %and3A_323 : vector<16xi32>
        %add3A_325 = vector.broadcast %mul3A_154 : i32 to vector<16xi32>
        %add3A_326 = arith.addi %add3A_325, %and3A_324 : vector<16xi32>
        %gather3A_327 = tpu.vector_load_idx %arg4[%add3A_136, %add3A_326] : memref<32x1024xi32, #tpu.memory_space<vmem>>[vector<16xi32>, vector<16xi32>], vector<16xi32>,
        %eq3A_328 = arith.constant 1 : i32
        %eq3A_329 = vector.broadcast %eq3A_328 : i32 to vector<16xi32>
        %eq3A_330 = arith.cmpi eq, %gather3A_327, %eq3A_329 : vector<16xi32>
        %convert_element_type3A_331 = arith.extui %eq3A_330 : vector<16xi1> to vector<16xi32>
        %add3A_332 = arith.addi %add3A_318, %convert_element_type3A_331 : vector<16xi32>
        %add3A_333 = arith.constant 13 : i32
        %add3A_334 = vector.broadcast %add3A_333 : i32 to vector<16xi32>
        %add3A_335 = arith.addi %iota3A, %add3A_334 : vector<16xi32>
        %and3A_336 = arith.constant 15 : i32
        %and3A_337 = vector.broadcast %and3A_336 : i32 to vector<16xi32>
        %and3A_338 = arith.andi %add3A_335, %and3A_337 : vector<16xi32>
        %add3A_339 = vector.broadcast %mul3A_154 : i32 to vector<16xi32>
        %add3A_340 = arith.addi %add3A_339, %and3A_338 : vector<16xi32>
        %gather3A_341 = tpu.vector_load_idx %arg4[%add3A_136, %add3A_340] : memref<32x1024xi32, #tpu.memory_space<vmem>>[vector<16xi32>, vector<16xi32>], vector<16xi32>,
        %eq3A_342 = arith.constant 1 : i32
        %eq3A_343 = vector.broadcast %eq3A_342 : i32 to vector<16xi32>
        %eq3A_344 = arith.cmpi eq, %gather3A_341, %eq3A_343 : vector<16xi32>
        %convert_element_type3A_345 = arith.extui %eq3A_344 : vector<16xi1> to vector<16xi32>
        %add3A_346 = arith.addi %add3A_332, %convert_element_type3A_345 : vector<16xi32>
        %add3A_347 = arith.constant 14 : i32
        %add3A_348 = vector.broadcast %add3A_347 : i32 to vector<16xi32>
        %add3A_349 = arith.addi %iota3A, %add3A_348 : vector<16xi32>
        %and3A_350 = arith.constant 15 : i32
        %and3A_351 = vector.broadcast %and3A_350 : i32 to vector<16xi32>
        %and3A_352 = arith.andi %add3A_349, %and3A_351 : vector<16xi32>
        %add3A_353 = vector.broadcast %mul3A_154 : i32 to vector<16xi32>
        %add3A_354 = arith.addi %add3A_353, %and3A_352 : vector<16xi32>
        %gather3A_355 = tpu.vector_load_idx %arg4[%add3A_136, %add3A_354] : memref<32x1024xi32, #tpu.memory_space<vmem>>[vector<16xi32>, vector<16xi32>], vector<16xi32>,
        %eq3A_356 = arith.constant 1 : i32
        %eq3A_357 = vector.broadcast %eq3A_356 : i32 to vector<16xi32>
        %eq3A_358 = arith.cmpi eq, %gather3A_355, %eq3A_357 : vector<16xi32>
        %convert_element_type3A_359 = arith.extui %eq3A_358 : vector<16xi1> to vector<16xi32>
        %add3A_360 = arith.addi %add3A_346, %convert_element_type3A_359 : vector<16xi32>
        %add3A_361 = arith.constant 15 : i32
        %add3A_362 = vector.broadcast %add3A_361 : i32 to vector<16xi32>
        %add3A_363 = arith.addi %iota3A, %add3A_362 : vector<16xi32>
        %and3A_364 = arith.constant 15 : i32
        %and3A_365 = vector.broadcast %and3A_364 : i32 to vector<16xi32>
        %and3A_366 = arith.andi %add3A_363, %and3A_365 : vector<16xi32>
        %add3A_367 = vector.broadcast %mul3A_154 : i32 to vector<16xi32>
        %add3A_368 = arith.addi %add3A_367, %and3A_366 : vector<16xi32>
        %gather3A_369 = tpu.vector_load_idx %arg4[%add3A_136, %add3A_368] : memref<32x1024xi32, #tpu.memory_space<vmem>>[vector<16xi32>, vector<16xi32>], vector<16xi32>,
        %eq3A_370 = arith.constant 1 : i32
        %eq3A_371 = vector.broadcast %eq3A_370 : i32 to vector<16xi32>
        %eq3A_372 = arith.cmpi eq, %gather3A_369, %eq3A_371 : vector<16xi32>
        %convert_element_type3A_373 = arith.extui %eq3A_372 : vector<16xi1> to vector<16xi32>
        %add3A_374 = arith.addi %add3A_360, %convert_element_type3A_373 : vector<16xi32>
        scf.yield %add3A_374 : vector<16xi32>
      }
      %scan3A_143 = arith.constant 64 : i32
      %min3A = arith.constant 511 : i32
      %min3A_144 = vector.broadcast %min3A : i32 to vector<16xi32>
      %min3A_145 = arith.minsi %scan3A_142, %min3A_144 : vector<16xi32>
      %mul3A_146 = arith.constant 16 : i32
      %mul3A_147 = arith.muli %scan3A_132, %mul3A_146 : i32
      %add3A_148 = arith.constant 64 : i32
      %add3A_149 = arith.addi %add3A_148, %mul3A_147 : i32
      %swap3A = arith.index_cast %add3A_149 : i32 to index
      %swap3A_150 = tpu.vector_load %arg6[%swap3A] {strides = array<i32>} : memref<256xi32, #tpu.memory_space<vmem>>, vector<16xi32>,
      tpu.vector_store %arg6[%swap3A], %min3A_145 {strides = array<i32>} : memref<256xi32, #tpu.memory_space<vmem>>, vector<16xi32>,
    }
    %scan3A_57 = arith.constant 2 : i32
    %add3A_58 = arith.constant 128 : i32
    %add3A_59 = arith.addi %add3A_6, %add3A_58 : i32
    %dma_start3A_60 = arith.constant 0 : i32
    %dma_start3A_61 = tpu.memref_slice %arg2[%add3A_59, %dma_start3A_60] : memref<8192x1024xi32, #tpu.memory_space<hbm>> -> memref<32x1024xi32, #tpu.memory_space<hbm>>
    %dma_start3A_62 = arith.constant 0 : i32
    %dma_start3A_63 = tpu.memref_slice %arg2[%add3A_59, %dma_start3A_62] : memref<8192x1024xi32, #tpu.memory_space<hbm>> -> memref<32x1024xi32, #tpu.memory_space<hbm>>
    tpu.enqueue_dma source(%dma_start3A_63 : memref<32x1024xi32, #tpu.memory_space<hbm>>) target(%arg4 : memref<32x1024xi32, #tpu.memory_space<vmem>>) target_semaphore(%arg7 : memref<!tpu.dma_semaphore, #tpu.memory_space<semaphore_mem>>)
    %dma_wait3A_64 = arith.constant 0 : i32
    %dma_wait3A_65 = tpu.memref_slice %arg2[%add3A_43, %dma_wait3A_64] : memref<8192x1024xi32, #tpu.memory_space<hbm>> -> memref<32x1024xi32, #tpu.memory_space<hbm>>
    %dma_wait3A_66 = arith.constant 0 : i32
    %dma_wait3A_67 = tpu.memref_slice %arg2[%add3A_43, %dma_wait3A_66] : memref<8192x1024xi32, #tpu.memory_space<hbm>> -> memref<32x1024xi32, #tpu.memory_space<hbm>>
    tpu.wait_dma2 semaphore(%arg8 : memref<!tpu.dma_semaphore, #tpu.memory_space<semaphore_mem>>) src(%dma_wait3A_67 : memref<32x1024xi32, #tpu.memory_space<hbm>>) dst(%arg5 : memref<32x1024xi32, #tpu.memory_space<vmem>>)
    %scan3A_68 = arith.constant 0 : i32
    %scan3A_69 = arith.constant 0 : i32
    %scan3A_70 = arith.constant 2 : i32
    %scan3A_71 = arith.addi %scan3A_69, %scan3A_70 : i32
    %scan3A_72 = arith.constant 1 : i32
    scf.for %scan3A_132 = %scan3A_69 to %scan3A_71 step %scan3A_72  : i32 {
      %mul3A_133 = arith.constant 16 : i32
      %mul3A_134 = arith.muli %scan3A_132, %mul3A_133 : i32
      %add3A_135 = vector.broadcast %mul3A_134 : i32 to vector<16xi32>
      %add3A_136 = arith.addi %add3A_135, %iota3A : vector<16xi32>
      %broadcast_in_dim3A = arith.constant 0 : i32
      %broadcast_in_dim3A_137 = vector.broadcast %broadcast_in_dim3A : i32 to vector<16xi32>
      %scan3A_138 = arith.constant 0 : i32
      %scan3A_139 = arith.constant 64 : i32
      %scan3A_140 = arith.addi %scan3A_138, %scan3A_139 : i32
      %scan3A_141 = arith.constant 1 : i32
      %scan3A_142 = scf.for %scan3A_151 = %scan3A_138 to %scan3A_140 step %scan3A_141 iter_args(%scan3A_152 = %broadcast_in_dim3A_137) -> (vector<16xi32>)  : i32 {
        %mul3A_153 = arith.constant 16 : i32
        %mul3A_154 = arith.muli %scan3A_151, %mul3A_153 : i32
        %add3A_155 = arith.constant 0 : i32
        %add3A_156 = vector.broadcast %add3A_155 : i32 to vector<16xi32>
        %add3A_157 = arith.addi %iota3A, %add3A_156 : vector<16xi32>
        %and3A = arith.constant 15 : i32
        %and3A_158 = vector.broadcast %and3A : i32 to vector<16xi32>
        %and3A_159 = arith.andi %add3A_157, %and3A_158 : vector<16xi32>
        %add3A_160 = vector.broadcast %mul3A_154 : i32 to vector<16xi32>
        %add3A_161 = arith.addi %add3A_160, %and3A_159 : vector<16xi32>
        %gather3A = tpu.vector_load_idx %arg5[%add3A_136, %add3A_161] : memref<32x1024xi32, #tpu.memory_space<vmem>>[vector<16xi32>, vector<16xi32>], vector<16xi32>,
        %eq3A = arith.constant 1 : i32
        %eq3A_162 = vector.broadcast %eq3A : i32 to vector<16xi32>
        %eq3A_163 = arith.cmpi eq, %gather3A, %eq3A_162 : vector<16xi32>
        %convert_element_type3A = arith.extui %eq3A_163 : vector<16xi1> to vector<16xi32>
        %add3A_164 = arith.addi %scan3A_152, %convert_element_type3A : vector<16xi32>
        %add3A_165 = arith.constant 1 : i32
        %add3A_166 = vector.broadcast %add3A_165 : i32 to vector<16xi32>
        %add3A_167 = arith.addi %iota3A, %add3A_166 : vector<16xi32>
        %and3A_168 = arith.constant 15 : i32
        %and3A_169 = vector.broadcast %and3A_168 : i32 to vector<16xi32>
        %and3A_170 = arith.andi %add3A_167, %and3A_169 : vector<16xi32>
        %add3A_171 = vector.broadcast %mul3A_154 : i32 to vector<16xi32>
        %add3A_172 = arith.addi %add3A_171, %and3A_170 : vector<16xi32>
        %gather3A_173 = tpu.vector_load_idx %arg5[%add3A_136, %add3A_172] : memref<32x1024xi32, #tpu.memory_space<vmem>>[vector<16xi32>, vector<16xi32>], vector<16xi32>,
        %eq3A_174 = arith.constant 1 : i32
        %eq3A_175 = vector.broadcast %eq3A_174 : i32 to vector<16xi32>
        %eq3A_176 = arith.cmpi eq, %gather3A_173, %eq3A_175 : vector<16xi32>
        %convert_element_type3A_177 = arith.extui %eq3A_176 : vector<16xi1> to vector<16xi32>
        %add3A_178 = arith.addi %add3A_164, %convert_element_type3A_177 : vector<16xi32>
        %add3A_179 = arith.constant 2 : i32
        %add3A_180 = vector.broadcast %add3A_179 : i32 to vector<16xi32>
        %add3A_181 = arith.addi %iota3A, %add3A_180 : vector<16xi32>
        %and3A_182 = arith.constant 15 : i32
        %and3A_183 = vector.broadcast %and3A_182 : i32 to vector<16xi32>
        %and3A_184 = arith.andi %add3A_181, %and3A_183 : vector<16xi32>
        %add3A_185 = vector.broadcast %mul3A_154 : i32 to vector<16xi32>
        %add3A_186 = arith.addi %add3A_185, %and3A_184 : vector<16xi32>
        %gather3A_187 = tpu.vector_load_idx %arg5[%add3A_136, %add3A_186] : memref<32x1024xi32, #tpu.memory_space<vmem>>[vector<16xi32>, vector<16xi32>], vector<16xi32>,
        %eq3A_188 = arith.constant 1 : i32
        %eq3A_189 = vector.broadcast %eq3A_188 : i32 to vector<16xi32>
        %eq3A_190 = arith.cmpi eq, %gather3A_187, %eq3A_189 : vector<16xi32>
        %convert_element_type3A_191 = arith.extui %eq3A_190 : vector<16xi1> to vector<16xi32>
        %add3A_192 = arith.addi %add3A_178, %convert_element_type3A_191 : vector<16xi32>
        %add3A_193 = arith.constant 3 : i32
        %add3A_194 = vector.broadcast %add3A_193 : i32 to vector<16xi32>
        %add3A_195 = arith.addi %iota3A, %add3A_194 : vector<16xi32>
        %and3A_196 = arith.constant 15 : i32
        %and3A_197 = vector.broadcast %and3A_196 : i32 to vector<16xi32>
        %and3A_198 = arith.andi %add3A_195, %and3A_197 : vector<16xi32>
        %add3A_199 = vector.broadcast %mul3A_154 : i32 to vector<16xi32>
        %add3A_200 = arith.addi %add3A_199, %and3A_198 : vector<16xi32>
        %gather3A_201 = tpu.vector_load_idx %arg5[%add3A_136, %add3A_200] : memref<32x1024xi32, #tpu.memory_space<vmem>>[vector<16xi32>, vector<16xi32>], vector<16xi32>,
        %eq3A_202 = arith.constant 1 : i32
        %eq3A_203 = vector.broadcast %eq3A_202 : i32 to vector<16xi32>
        %eq3A_204 = arith.cmpi eq, %gather3A_201, %eq3A_203 : vector<16xi32>
        %convert_element_type3A_205 = arith.extui %eq3A_204 : vector<16xi1> to vector<16xi32>
        %add3A_206 = arith.addi %add3A_192, %convert_element_type3A_205 : vector<16xi32>
        %add3A_207 = arith.constant 4 : i32
        %add3A_208 = vector.broadcast %add3A_207 : i32 to vector<16xi32>
        %add3A_209 = arith.addi %iota3A, %add3A_208 : vector<16xi32>
        %and3A_210 = arith.constant 15 : i32
        %and3A_211 = vector.broadcast %and3A_210 : i32 to vector<16xi32>
        %and3A_212 = arith.andi %add3A_209, %and3A_211 : vector<16xi32>
        %add3A_213 = vector.broadcast %mul3A_154 : i32 to vector<16xi32>
        %add3A_214 = arith.addi %add3A_213, %and3A_212 : vector<16xi32>
        %gather3A_215 = tpu.vector_load_idx %arg5[%add3A_136, %add3A_214] : memref<32x1024xi32, #tpu.memory_space<vmem>>[vector<16xi32>, vector<16xi32>], vector<16xi32>,
        %eq3A_216 = arith.constant 1 : i32
        %eq3A_217 = vector.broadcast %eq3A_216 : i32 to vector<16xi32>
        %eq3A_218 = arith.cmpi eq, %gather3A_215, %eq3A_217 : vector<16xi32>
        %convert_element_type3A_219 = arith.extui %eq3A_218 : vector<16xi1> to vector<16xi32>
        %add3A_220 = arith.addi %add3A_206, %convert_element_type3A_219 : vector<16xi32>
        %add3A_221 = arith.constant 5 : i32
        %add3A_222 = vector.broadcast %add3A_221 : i32 to vector<16xi32>
        %add3A_223 = arith.addi %iota3A, %add3A_222 : vector<16xi32>
        %and3A_224 = arith.constant 15 : i32
        %and3A_225 = vector.broadcast %and3A_224 : i32 to vector<16xi32>
        %and3A_226 = arith.andi %add3A_223, %and3A_225 : vector<16xi32>
        %add3A_227 = vector.broadcast %mul3A_154 : i32 to vector<16xi32>
        %add3A_228 = arith.addi %add3A_227, %and3A_226 : vector<16xi32>
        %gather3A_229 = tpu.vector_load_idx %arg5[%add3A_136, %add3A_228] : memref<32x1024xi32, #tpu.memory_space<vmem>>[vector<16xi32>, vector<16xi32>], vector<16xi32>,
        %eq3A_230 = arith.constant 1 : i32
        %eq3A_231 = vector.broadcast %eq3A_230 : i32 to vector<16xi32>
        %eq3A_232 = arith.cmpi eq, %gather3A_229, %eq3A_231 : vector<16xi32>
        %convert_element_type3A_233 = arith.extui %eq3A_232 : vector<16xi1> to vector<16xi32>
        %add3A_234 = arith.addi %add3A_220, %convert_element_type3A_233 : vector<16xi32>
        %add3A_235 = arith.constant 6 : i32
        %add3A_236 = vector.broadcast %add3A_235 : i32 to vector<16xi32>
        %add3A_237 = arith.addi %iota3A, %add3A_236 : vector<16xi32>
        %and3A_238 = arith.constant 15 : i32
        %and3A_239 = vector.broadcast %and3A_238 : i32 to vector<16xi32>
        %and3A_240 = arith.andi %add3A_237, %and3A_239 : vector<16xi32>
        %add3A_241 = vector.broadcast %mul3A_154 : i32 to vector<16xi32>
        %add3A_242 = arith.addi %add3A_241, %and3A_240 : vector<16xi32>
        %gather3A_243 = tpu.vector_load_idx %arg5[%add3A_136, %add3A_242] : memref<32x1024xi32, #tpu.memory_space<vmem>>[vector<16xi32>, vector<16xi32>], vector<16xi32>,
        %eq3A_244 = arith.constant 1 : i32
        %eq3A_245 = vector.broadcast %eq3A_244 : i32 to vector<16xi32>
        %eq3A_246 = arith.cmpi eq, %gather3A_243, %eq3A_245 : vector<16xi32>
        %convert_element_type3A_247 = arith.extui %eq3A_246 : vector<16xi1> to vector<16xi32>
        %add3A_248 = arith.addi %add3A_234, %convert_element_type3A_247 : vector<16xi32>
        %add3A_249 = arith.constant 7 : i32
        %add3A_250 = vector.broadcast %add3A_249 : i32 to vector<16xi32>
        %add3A_251 = arith.addi %iota3A, %add3A_250 : vector<16xi32>
        %and3A_252 = arith.constant 15 : i32
        %and3A_253 = vector.broadcast %and3A_252 : i32 to vector<16xi32>
        %and3A_254 = arith.andi %add3A_251, %and3A_253 : vector<16xi32>
        %add3A_255 = vector.broadcast %mul3A_154 : i32 to vector<16xi32>
        %add3A_256 = arith.addi %add3A_255, %and3A_254 : vector<16xi32>
        %gather3A_257 = tpu.vector_load_idx %arg5[%add3A_136, %add3A_256] : memref<32x1024xi32, #tpu.memory_space<vmem>>[vector<16xi32>, vector<16xi32>], vector<16xi32>,
        %eq3A_258 = arith.constant 1 : i32
        %eq3A_259 = vector.broadcast %eq3A_258 : i32 to vector<16xi32>
        %eq3A_260 = arith.cmpi eq, %gather3A_257, %eq3A_259 : vector<16xi32>
        %convert_element_type3A_261 = arith.extui %eq3A_260 : vector<16xi1> to vector<16xi32>
        %add3A_262 = arith.addi %add3A_248, %convert_element_type3A_261 : vector<16xi32>
        %add3A_263 = arith.constant 8 : i32
        %add3A_264 = vector.broadcast %add3A_263 : i32 to vector<16xi32>
        %add3A_265 = arith.addi %iota3A, %add3A_264 : vector<16xi32>
        %and3A_266 = arith.constant 15 : i32
        %and3A_267 = vector.broadcast %and3A_266 : i32 to vector<16xi32>
        %and3A_268 = arith.andi %add3A_265, %and3A_267 : vector<16xi32>
        %add3A_269 = vector.broadcast %mul3A_154 : i32 to vector<16xi32>
        %add3A_270 = arith.addi %add3A_269, %and3A_268 : vector<16xi32>
        %gather3A_271 = tpu.vector_load_idx %arg5[%add3A_136, %add3A_270] : memref<32x1024xi32, #tpu.memory_space<vmem>>[vector<16xi32>, vector<16xi32>], vector<16xi32>,
        %eq3A_272 = arith.constant 1 : i32
        %eq3A_273 = vector.broadcast %eq3A_272 : i32 to vector<16xi32>
        %eq3A_274 = arith.cmpi eq, %gather3A_271, %eq3A_273 : vector<16xi32>
        %convert_element_type3A_275 = arith.extui %eq3A_274 : vector<16xi1> to vector<16xi32>
        %add3A_276 = arith.addi %add3A_262, %convert_element_type3A_275 : vector<16xi32>
        %add3A_277 = arith.constant 9 : i32
        %add3A_278 = vector.broadcast %add3A_277 : i32 to vector<16xi32>
        %add3A_279 = arith.addi %iota3A, %add3A_278 : vector<16xi32>
        %and3A_280 = arith.constant 15 : i32
        %and3A_281 = vector.broadcast %and3A_280 : i32 to vector<16xi32>
        %and3A_282 = arith.andi %add3A_279, %and3A_281 : vector<16xi32>
        %add3A_283 = vector.broadcast %mul3A_154 : i32 to vector<16xi32>
        %add3A_284 = arith.addi %add3A_283, %and3A_282 : vector<16xi32>
        %gather3A_285 = tpu.vector_load_idx %arg5[%add3A_136, %add3A_284] : memref<32x1024xi32, #tpu.memory_space<vmem>>[vector<16xi32>, vector<16xi32>], vector<16xi32>,
        %eq3A_286 = arith.constant 1 : i32
        %eq3A_287 = vector.broadcast %eq3A_286 : i32 to vector<16xi32>
        %eq3A_288 = arith.cmpi eq, %gather3A_285, %eq3A_287 : vector<16xi32>
        %convert_element_type3A_289 = arith.extui %eq3A_288 : vector<16xi1> to vector<16xi32>
        %add3A_290 = arith.addi %add3A_276, %convert_element_type3A_289 : vector<16xi32>
        %add3A_291 = arith.constant 10 : i32
        %add3A_292 = vector.broadcast %add3A_291 : i32 to vector<16xi32>
        %add3A_293 = arith.addi %iota3A, %add3A_292 : vector<16xi32>
        %and3A_294 = arith.constant 15 : i32
        %and3A_295 = vector.broadcast %and3A_294 : i32 to vector<16xi32>
        %and3A_296 = arith.andi %add3A_293, %and3A_295 : vector<16xi32>
        %add3A_297 = vector.broadcast %mul3A_154 : i32 to vector<16xi32>
        %add3A_298 = arith.addi %add3A_297, %and3A_296 : vector<16xi32>
        %gather3A_299 = tpu.vector_load_idx %arg5[%add3A_136, %add3A_298] : memref<32x1024xi32, #tpu.memory_space<vmem>>[vector<16xi32>, vector<16xi32>], vector<16xi32>,
        %eq3A_300 = arith.constant 1 : i32
        %eq3A_301 = vector.broadcast %eq3A_300 : i32 to vector<16xi32>
        %eq3A_302 = arith.cmpi eq, %gather3A_299, %eq3A_301 : vector<16xi32>
        %convert_element_type3A_303 = arith.extui %eq3A_302 : vector<16xi1> to vector<16xi32>
        %add3A_304 = arith.addi %add3A_290, %convert_element_type3A_303 : vector<16xi32>
        %add3A_305 = arith.constant 11 : i32
        %add3A_306 = vector.broadcast %add3A_305 : i32 to vector<16xi32>
        %add3A_307 = arith.addi %iota3A, %add3A_306 : vector<16xi32>
        %and3A_308 = arith.constant 15 : i32
        %and3A_309 = vector.broadcast %and3A_308 : i32 to vector<16xi32>
        %and3A_310 = arith.andi %add3A_307, %and3A_309 : vector<16xi32>
        %add3A_311 = vector.broadcast %mul3A_154 : i32 to vector<16xi32>
        %add3A_312 = arith.addi %add3A_311, %and3A_310 : vector<16xi32>
        %gather3A_313 = tpu.vector_load_idx %arg5[%add3A_136, %add3A_312] : memref<32x1024xi32, #tpu.memory_space<vmem>>[vector<16xi32>, vector<16xi32>], vector<16xi32>,
        %eq3A_314 = arith.constant 1 : i32
        %eq3A_315 = vector.broadcast %eq3A_314 : i32 to vector<16xi32>
        %eq3A_316 = arith.cmpi eq, %gather3A_313, %eq3A_315 : vector<16xi32>
        %convert_element_type3A_317 = arith.extui %eq3A_316 : vector<16xi1> to vector<16xi32>
        %add3A_318 = arith.addi %add3A_304, %convert_element_type3A_317 : vector<16xi32>
        %add3A_319 = arith.constant 12 : i32
        %add3A_320 = vector.broadcast %add3A_319 : i32 to vector<16xi32>
        %add3A_321 = arith.addi %iota3A, %add3A_320 : vector<16xi32>
        %and3A_322 = arith.constant 15 : i32
        %and3A_323 = vector.broadcast %and3A_322 : i32 to vector<16xi32>
        %and3A_324 = arith.andi %add3A_321, %and3A_323 : vector<16xi32>
        %add3A_325 = vector.broadcast %mul3A_154 : i32 to vector<16xi32>
        %add3A_326 = arith.addi %add3A_325, %and3A_324 : vector<16xi32>
        %gather3A_327 = tpu.vector_load_idx %arg5[%add3A_136, %add3A_326] : memref<32x1024xi32, #tpu.memory_space<vmem>>[vector<16xi32>, vector<16xi32>], vector<16xi32>,
        %eq3A_328 = arith.constant 1 : i32
        %eq3A_329 = vector.broadcast %eq3A_328 : i32 to vector<16xi32>
        %eq3A_330 = arith.cmpi eq, %gather3A_327, %eq3A_329 : vector<16xi32>
        %convert_element_type3A_331 = arith.extui %eq3A_330 : vector<16xi1> to vector<16xi32>
        %add3A_332 = arith.addi %add3A_318, %convert_element_type3A_331 : vector<16xi32>
        %add3A_333 = arith.constant 13 : i32
        %add3A_334 = vector.broadcast %add3A_333 : i32 to vector<16xi32>
        %add3A_335 = arith.addi %iota3A, %add3A_334 : vector<16xi32>
        %and3A_336 = arith.constant 15 : i32
        %and3A_337 = vector.broadcast %and3A_336 : i32 to vector<16xi32>
        %and3A_338 = arith.andi %add3A_335, %and3A_337 : vector<16xi32>
        %add3A_339 = vector.broadcast %mul3A_154 : i32 to vector<16xi32>
        %add3A_340 = arith.addi %add3A_339, %and3A_338 : vector<16xi32>
        %gather3A_341 = tpu.vector_load_idx %arg5[%add3A_136, %add3A_340] : memref<32x1024xi32, #tpu.memory_space<vmem>>[vector<16xi32>, vector<16xi32>], vector<16xi32>,
        %eq3A_342 = arith.constant 1 : i32
        %eq3A_343 = vector.broadcast %eq3A_342 : i32 to vector<16xi32>
        %eq3A_344 = arith.cmpi eq, %gather3A_341, %eq3A_343 : vector<16xi32>
        %convert_element_type3A_345 = arith.extui %eq3A_344 : vector<16xi1> to vector<16xi32>
        %add3A_346 = arith.addi %add3A_332, %convert_element_type3A_345 : vector<16xi32>
        %add3A_347 = arith.constant 14 : i32
        %add3A_348 = vector.broadcast %add3A_347 : i32 to vector<16xi32>
        %add3A_349 = arith.addi %iota3A, %add3A_348 : vector<16xi32>
        %and3A_350 = arith.constant 15 : i32
        %and3A_351 = vector.broadcast %and3A_350 : i32 to vector<16xi32>
        %and3A_352 = arith.andi %add3A_349, %and3A_351 : vector<16xi32>
        %add3A_353 = vector.broadcast %mul3A_154 : i32 to vector<16xi32>
        %add3A_354 = arith.addi %add3A_353, %and3A_352 : vector<16xi32>
        %gather3A_355 = tpu.vector_load_idx %arg5[%add3A_136, %add3A_354] : memref<32x1024xi32, #tpu.memory_space<vmem>>[vector<16xi32>, vector<16xi32>], vector<16xi32>,
        %eq3A_356 = arith.constant 1 : i32
        %eq3A_357 = vector.broadcast %eq3A_356 : i32 to vector<16xi32>
        %eq3A_358 = arith.cmpi eq, %gather3A_355, %eq3A_357 : vector<16xi32>
        %convert_element_type3A_359 = arith.extui %eq3A_358 : vector<16xi1> to vector<16xi32>
        %add3A_360 = arith.addi %add3A_346, %convert_element_type3A_359 : vector<16xi32>
        %add3A_361 = arith.constant 15 : i32
        %add3A_362 = vector.broadcast %add3A_361 : i32 to vector<16xi32>
        %add3A_363 = arith.addi %iota3A, %add3A_362 : vector<16xi32>
        %and3A_364 = arith.constant 15 : i32
        %and3A_365 = vector.broadcast %and3A_364 : i32 to vector<16xi32>
        %and3A_366 = arith.andi %add3A_363, %and3A_365 : vector<16xi32>
        %add3A_367 = vector.broadcast %mul3A_154 : i32 to vector<16xi32>
        %add3A_368 = arith.addi %add3A_367, %and3A_366 : vector<16xi32>
        %gather3A_369 = tpu.vector_load_idx %arg5[%add3A_136, %add3A_368] : memref<32x1024xi32, #tpu.memory_space<vmem>>[vector<16xi32>, vector<16xi32>], vector<16xi32>,
        %eq3A_370 = arith.constant 1 : i32
        %eq3A_371 = vector.broadcast %eq3A_370 : i32 to vector<16xi32>
        %eq3A_372 = arith.cmpi eq, %gather3A_369, %eq3A_371 : vector<16xi32>
        %convert_element_type3A_373 = arith.extui %eq3A_372 : vector<16xi1> to vector<16xi32>
        %add3A_374 = arith.addi %add3A_360, %convert_element_type3A_373 : vector<16xi32>
        scf.yield %add3A_374 : vector<16xi32>
      }
      %scan3A_143 = arith.constant 64 : i32
      %min3A = arith.constant 511 : i32
      %min3A_144 = vector.broadcast %min3A : i32 to vector<16xi32>
      %min3A_145 = arith.minsi %scan3A_142, %min3A_144 : vector<16xi32>
      %mul3A_146 = arith.constant 16 : i32
      %mul3A_147 = arith.muli %scan3A_132, %mul3A_146 : i32
      %add3A_148 = arith.constant 96 : i32
      %add3A_149 = arith.addi %add3A_148, %mul3A_147 : i32
      %swap3A = arith.index_cast %add3A_149 : i32 to index
      %swap3A_150 = tpu.vector_load %arg6[%swap3A] {strides = array<i32>} : memref<256xi32, #tpu.memory_space<vmem>>, vector<16xi32>,
      tpu.vector_store %arg6[%swap3A], %min3A_145 {strides = array<i32>} : memref<256xi32, #tpu.memory_space<vmem>>, vector<16xi32>,
    }
    %scan3A_73 = arith.constant 2 : i32
    %add3A_74 = arith.constant 160 : i32
    %add3A_75 = arith.addi %add3A_6, %add3A_74 : i32
    %dma_start3A_76 = arith.constant 0 : i32
    %dma_start3A_77 = tpu.memref_slice %arg2[%add3A_75, %dma_start3A_76] : memref<8192x1024xi32, #tpu.memory_space<hbm>> -> memref<32x1024xi32, #tpu.memory_space<hbm>>
    %dma_start3A_78 = arith.constant 0 : i32
    %dma_start3A_79 = tpu.memref_slice %arg2[%add3A_75, %dma_start3A_78] : memref<8192x1024xi32, #tpu.memory_space<hbm>> -> memref<32x1024xi32, #tpu.memory_space<hbm>>
    tpu.enqueue_dma source(%dma_start3A_79 : memref<32x1024xi32, #tpu.memory_space<hbm>>) target(%arg5 : memref<32x1024xi32, #tpu.memory_space<vmem>>) target_semaphore(%arg8 : memref<!tpu.dma_semaphore, #tpu.memory_space<semaphore_mem>>)
    %dma_wait3A_80 = arith.constant 0 : i32
    %dma_wait3A_81 = tpu.memref_slice %arg2[%add3A_59, %dma_wait3A_80] : memref<8192x1024xi32, #tpu.memory_space<hbm>> -> memref<32x1024xi32, #tpu.memory_space<hbm>>
    %dma_wait3A_82 = arith.constant 0 : i32
    %dma_wait3A_83 = tpu.memref_slice %arg2[%add3A_59, %dma_wait3A_82] : memref<8192x1024xi32, #tpu.memory_space<hbm>> -> memref<32x1024xi32, #tpu.memory_space<hbm>>
    tpu.wait_dma2 semaphore(%arg7 : memref<!tpu.dma_semaphore, #tpu.memory_space<semaphore_mem>>) src(%dma_wait3A_83 : memref<32x1024xi32, #tpu.memory_space<hbm>>) dst(%arg4 : memref<32x1024xi32, #tpu.memory_space<vmem>>)
    %scan3A_84 = arith.constant 0 : i32
    %scan3A_85 = arith.constant 0 : i32
    %scan3A_86 = arith.constant 2 : i32
    %scan3A_87 = arith.addi %scan3A_85, %scan3A_86 : i32
    %scan3A_88 = arith.constant 1 : i32
    scf.for %scan3A_132 = %scan3A_85 to %scan3A_87 step %scan3A_88  : i32 {
      %mul3A_133 = arith.constant 16 : i32
      %mul3A_134 = arith.muli %scan3A_132, %mul3A_133 : i32
      %add3A_135 = vector.broadcast %mul3A_134 : i32 to vector<16xi32>
      %add3A_136 = arith.addi %add3A_135, %iota3A : vector<16xi32>
      %broadcast_in_dim3A = arith.constant 0 : i32
      %broadcast_in_dim3A_137 = vector.broadcast %broadcast_in_dim3A : i32 to vector<16xi32>
      %scan3A_138 = arith.constant 0 : i32
      %scan3A_139 = arith.constant 64 : i32
      %scan3A_140 = arith.addi %scan3A_138, %scan3A_139 : i32
      %scan3A_141 = arith.constant 1 : i32
      %scan3A_142 = scf.for %scan3A_151 = %scan3A_138 to %scan3A_140 step %scan3A_141 iter_args(%scan3A_152 = %broadcast_in_dim3A_137) -> (vector<16xi32>)  : i32 {
        %mul3A_153 = arith.constant 16 : i32
        %mul3A_154 = arith.muli %scan3A_151, %mul3A_153 : i32
        %add3A_155 = arith.constant 0 : i32
        %add3A_156 = vector.broadcast %add3A_155 : i32 to vector<16xi32>
        %add3A_157 = arith.addi %iota3A, %add3A_156 : vector<16xi32>
        %and3A = arith.constant 15 : i32
        %and3A_158 = vector.broadcast %and3A : i32 to vector<16xi32>
        %and3A_159 = arith.andi %add3A_157, %and3A_158 : vector<16xi32>
        %add3A_160 = vector.broadcast %mul3A_154 : i32 to vector<16xi32>
        %add3A_161 = arith.addi %add3A_160, %and3A_159 : vector<16xi32>
        %gather3A = tpu.vector_load_idx %arg4[%add3A_136, %add3A_161] : memref<32x1024xi32, #tpu.memory_space<vmem>>[vector<16xi32>, vector<16xi32>], vector<16xi32>,
        %eq3A = arith.constant 1 : i32
        %eq3A_162 = vector.broadcast %eq3A : i32 to vector<16xi32>
        %eq3A_163 = arith.cmpi eq, %gather3A, %eq3A_162 : vector<16xi32>
        %convert_element_type3A = arith.extui %eq3A_163 : vector<16xi1> to vector<16xi32>
        %add3A_164 = arith.addi %scan3A_152, %convert_element_type3A : vector<16xi32>
        %add3A_165 = arith.constant 1 : i32
        %add3A_166 = vector.broadcast %add3A_165 : i32 to vector<16xi32>
        %add3A_167 = arith.addi %iota3A, %add3A_166 : vector<16xi32>
        %and3A_168 = arith.constant 15 : i32
        %and3A_169 = vector.broadcast %and3A_168 : i32 to vector<16xi32>
        %and3A_170 = arith.andi %add3A_167, %and3A_169 : vector<16xi32>
        %add3A_171 = vector.broadcast %mul3A_154 : i32 to vector<16xi32>
        %add3A_172 = arith.addi %add3A_171, %and3A_170 : vector<16xi32>
        %gather3A_173 = tpu.vector_load_idx %arg4[%add3A_136, %add3A_172] : memref<32x1024xi32, #tpu.memory_space<vmem>>[vector<16xi32>, vector<16xi32>], vector<16xi32>,
        %eq3A_174 = arith.constant 1 : i32
        %eq3A_175 = vector.broadcast %eq3A_174 : i32 to vector<16xi32>
        %eq3A_176 = arith.cmpi eq, %gather3A_173, %eq3A_175 : vector<16xi32>
        %convert_element_type3A_177 = arith.extui %eq3A_176 : vector<16xi1> to vector<16xi32>
        %add3A_178 = arith.addi %add3A_164, %convert_element_type3A_177 : vector<16xi32>
        %add3A_179 = arith.constant 2 : i32
        %add3A_180 = vector.broadcast %add3A_179 : i32 to vector<16xi32>
        %add3A_181 = arith.addi %iota3A, %add3A_180 : vector<16xi32>
        %and3A_182 = arith.constant 15 : i32
        %and3A_183 = vector.broadcast %and3A_182 : i32 to vector<16xi32>
        %and3A_184 = arith.andi %add3A_181, %and3A_183 : vector<16xi32>
        %add3A_185 = vector.broadcast %mul3A_154 : i32 to vector<16xi32>
        %add3A_186 = arith.addi %add3A_185, %and3A_184 : vector<16xi32>
        %gather3A_187 = tpu.vector_load_idx %arg4[%add3A_136, %add3A_186] : memref<32x1024xi32, #tpu.memory_space<vmem>>[vector<16xi32>, vector<16xi32>], vector<16xi32>,
        %eq3A_188 = arith.constant 1 : i32
        %eq3A_189 = vector.broadcast %eq3A_188 : i32 to vector<16xi32>
        %eq3A_190 = arith.cmpi eq, %gather3A_187, %eq3A_189 : vector<16xi32>
        %convert_element_type3A_191 = arith.extui %eq3A_190 : vector<16xi1> to vector<16xi32>
        %add3A_192 = arith.addi %add3A_178, %convert_element_type3A_191 : vector<16xi32>
        %add3A_193 = arith.constant 3 : i32
        %add3A_194 = vector.broadcast %add3A_193 : i32 to vector<16xi32>
        %add3A_195 = arith.addi %iota3A, %add3A_194 : vector<16xi32>
        %and3A_196 = arith.constant 15 : i32
        %and3A_197 = vector.broadcast %and3A_196 : i32 to vector<16xi32>
        %and3A_198 = arith.andi %add3A_195, %and3A_197 : vector<16xi32>
        %add3A_199 = vector.broadcast %mul3A_154 : i32 to vector<16xi32>
        %add3A_200 = arith.addi %add3A_199, %and3A_198 : vector<16xi32>
        %gather3A_201 = tpu.vector_load_idx %arg4[%add3A_136, %add3A_200] : memref<32x1024xi32, #tpu.memory_space<vmem>>[vector<16xi32>, vector<16xi32>], vector<16xi32>,
        %eq3A_202 = arith.constant 1 : i32
        %eq3A_203 = vector.broadcast %eq3A_202 : i32 to vector<16xi32>
        %eq3A_204 = arith.cmpi eq, %gather3A_201, %eq3A_203 : vector<16xi32>
        %convert_element_type3A_205 = arith.extui %eq3A_204 : vector<16xi1> to vector<16xi32>
        %add3A_206 = arith.addi %add3A_192, %convert_element_type3A_205 : vector<16xi32>
        %add3A_207 = arith.constant 4 : i32
        %add3A_208 = vector.broadcast %add3A_207 : i32 to vector<16xi32>
        %add3A_209 = arith.addi %iota3A, %add3A_208 : vector<16xi32>
        %and3A_210 = arith.constant 15 : i32
        %and3A_211 = vector.broadcast %and3A_210 : i32 to vector<16xi32>
        %and3A_212 = arith.andi %add3A_209, %and3A_211 : vector<16xi32>
        %add3A_213 = vector.broadcast %mul3A_154 : i32 to vector<16xi32>
        %add3A_214 = arith.addi %add3A_213, %and3A_212 : vector<16xi32>
        %gather3A_215 = tpu.vector_load_idx %arg4[%add3A_136, %add3A_214] : memref<32x1024xi32, #tpu.memory_space<vmem>>[vector<16xi32>, vector<16xi32>], vector<16xi32>,
        %eq3A_216 = arith.constant 1 : i32
        %eq3A_217 = vector.broadcast %eq3A_216 : i32 to vector<16xi32>
        %eq3A_218 = arith.cmpi eq, %gather3A_215, %eq3A_217 : vector<16xi32>
        %convert_element_type3A_219 = arith.extui %eq3A_218 : vector<16xi1> to vector<16xi32>
        %add3A_220 = arith.addi %add3A_206, %convert_element_type3A_219 : vector<16xi32>
        %add3A_221 = arith.constant 5 : i32
        %add3A_222 = vector.broadcast %add3A_221 : i32 to vector<16xi32>
        %add3A_223 = arith.addi %iota3A, %add3A_222 : vector<16xi32>
        %and3A_224 = arith.constant 15 : i32
        %and3A_225 = vector.broadcast %and3A_224 : i32 to vector<16xi32>
        %and3A_226 = arith.andi %add3A_223, %and3A_225 : vector<16xi32>
        %add3A_227 = vector.broadcast %mul3A_154 : i32 to vector<16xi32>
        %add3A_228 = arith.addi %add3A_227, %and3A_226 : vector<16xi32>
        %gather3A_229 = tpu.vector_load_idx %arg4[%add3A_136, %add3A_228] : memref<32x1024xi32, #tpu.memory_space<vmem>>[vector<16xi32>, vector<16xi32>], vector<16xi32>,
        %eq3A_230 = arith.constant 1 : i32
        %eq3A_231 = vector.broadcast %eq3A_230 : i32 to vector<16xi32>
        %eq3A_232 = arith.cmpi eq, %gather3A_229, %eq3A_231 : vector<16xi32>
        %convert_element_type3A_233 = arith.extui %eq3A_232 : vector<16xi1> to vector<16xi32>
        %add3A_234 = arith.addi %add3A_220, %convert_element_type3A_233 : vector<16xi32>
        %add3A_235 = arith.constant 6 : i32
        %add3A_236 = vector.broadcast %add3A_235 : i32 to vector<16xi32>
        %add3A_237 = arith.addi %iota3A, %add3A_236 : vector<16xi32>
        %and3A_238 = arith.constant 15 : i32
        %and3A_239 = vector.broadcast %and3A_238 : i32 to vector<16xi32>
        %and3A_240 = arith.andi %add3A_237, %and3A_239 : vector<16xi32>
        %add3A_241 = vector.broadcast %mul3A_154 : i32 to vector<16xi32>
        %add3A_242 = arith.addi %add3A_241, %and3A_240 : vector<16xi32>
        %gather3A_243 = tpu.vector_load_idx %arg4[%add3A_136, %add3A_242] : memref<32x1024xi32, #tpu.memory_space<vmem>>[vector<16xi32>, vector<16xi32>], vector<16xi32>,
        %eq3A_244 = arith.constant 1 : i32
        %eq3A_245 = vector.broadcast %eq3A_244 : i32 to vector<16xi32>
        %eq3A_246 = arith.cmpi eq, %gather3A_243, %eq3A_245 : vector<16xi32>
        %convert_element_type3A_247 = arith.extui %eq3A_246 : vector<16xi1> to vector<16xi32>
        %add3A_248 = arith.addi %add3A_234, %convert_element_type3A_247 : vector<16xi32>
        %add3A_249 = arith.constant 7 : i32
        %add3A_250 = vector.broadcast %add3A_249 : i32 to vector<16xi32>
        %add3A_251 = arith.addi %iota3A, %add3A_250 : vector<16xi32>
        %and3A_252 = arith.constant 15 : i32
        %and3A_253 = vector.broadcast %and3A_252 : i32 to vector<16xi32>
        %and3A_254 = arith.andi %add3A_251, %and3A_253 : vector<16xi32>
        %add3A_255 = vector.broadcast %mul3A_154 : i32 to vector<16xi32>
        %add3A_256 = arith.addi %add3A_255, %and3A_254 : vector<16xi32>
        %gather3A_257 = tpu.vector_load_idx %arg4[%add3A_136, %add3A_256] : memref<32x1024xi32, #tpu.memory_space<vmem>>[vector<16xi32>, vector<16xi32>], vector<16xi32>,
        %eq3A_258 = arith.constant 1 : i32
        %eq3A_259 = vector.broadcast %eq3A_258 : i32 to vector<16xi32>
        %eq3A_260 = arith.cmpi eq, %gather3A_257, %eq3A_259 : vector<16xi32>
        %convert_element_type3A_261 = arith.extui %eq3A_260 : vector<16xi1> to vector<16xi32>
        %add3A_262 = arith.addi %add3A_248, %convert_element_type3A_261 : vector<16xi32>
        %add3A_263 = arith.constant 8 : i32
        %add3A_264 = vector.broadcast %add3A_263 : i32 to vector<16xi32>
        %add3A_265 = arith.addi %iota3A, %add3A_264 : vector<16xi32>
        %and3A_266 = arith.constant 15 : i32
        %and3A_267 = vector.broadcast %and3A_266 : i32 to vector<16xi32>
        %and3A_268 = arith.andi %add3A_265, %and3A_267 : vector<16xi32>
        %add3A_269 = vector.broadcast %mul3A_154 : i32 to vector<16xi32>
        %add3A_270 = arith.addi %add3A_269, %and3A_268 : vector<16xi32>
        %gather3A_271 = tpu.vector_load_idx %arg4[%add3A_136, %add3A_270] : memref<32x1024xi32, #tpu.memory_space<vmem>>[vector<16xi32>, vector<16xi32>], vector<16xi32>,
        %eq3A_272 = arith.constant 1 : i32
        %eq3A_273 = vector.broadcast %eq3A_272 : i32 to vector<16xi32>
        %eq3A_274 = arith.cmpi eq, %gather3A_271, %eq3A_273 : vector<16xi32>
        %convert_element_type3A_275 = arith.extui %eq3A_274 : vector<16xi1> to vector<16xi32>
        %add3A_276 = arith.addi %add3A_262, %convert_element_type3A_275 : vector<16xi32>
        %add3A_277 = arith.constant 9 : i32
        %add3A_278 = vector.broadcast %add3A_277 : i32 to vector<16xi32>
        %add3A_279 = arith.addi %iota3A, %add3A_278 : vector<16xi32>
        %and3A_280 = arith.constant 15 : i32
        %and3A_281 = vector.broadcast %and3A_280 : i32 to vector<16xi32>
        %and3A_282 = arith.andi %add3A_279, %and3A_281 : vector<16xi32>
        %add3A_283 = vector.broadcast %mul3A_154 : i32 to vector<16xi32>
        %add3A_284 = arith.addi %add3A_283, %and3A_282 : vector<16xi32>
        %gather3A_285 = tpu.vector_load_idx %arg4[%add3A_136, %add3A_284] : memref<32x1024xi32, #tpu.memory_space<vmem>>[vector<16xi32>, vector<16xi32>], vector<16xi32>,
        %eq3A_286 = arith.constant 1 : i32
        %eq3A_287 = vector.broadcast %eq3A_286 : i32 to vector<16xi32>
        %eq3A_288 = arith.cmpi eq, %gather3A_285, %eq3A_287 : vector<16xi32>
        %convert_element_type3A_289 = arith.extui %eq3A_288 : vector<16xi1> to vector<16xi32>
        %add3A_290 = arith.addi %add3A_276, %convert_element_type3A_289 : vector<16xi32>
        %add3A_291 = arith.constant 10 : i32
        %add3A_292 = vector.broadcast %add3A_291 : i32 to vector<16xi32>
        %add3A_293 = arith.addi %iota3A, %add3A_292 : vector<16xi32>
        %and3A_294 = arith.constant 15 : i32
        %and3A_295 = vector.broadcast %and3A_294 : i32 to vector<16xi32>
        %and3A_296 = arith.andi %add3A_293, %and3A_295 : vector<16xi32>
        %add3A_297 = vector.broadcast %mul3A_154 : i32 to vector<16xi32>
        %add3A_298 = arith.addi %add3A_297, %and3A_296 : vector<16xi32>
        %gather3A_299 = tpu.vector_load_idx %arg4[%add3A_136, %add3A_298] : memref<32x1024xi32, #tpu.memory_space<vmem>>[vector<16xi32>, vector<16xi32>], vector<16xi32>,
        %eq3A_300 = arith.constant 1 : i32
        %eq3A_301 = vector.broadcast %eq3A_300 : i32 to vector<16xi32>
        %eq3A_302 = arith.cmpi eq, %gather3A_299, %eq3A_301 : vector<16xi32>
        %convert_element_type3A_303 = arith.extui %eq3A_302 : vector<16xi1> to vector<16xi32>
        %add3A_304 = arith.addi %add3A_290, %convert_element_type3A_303 : vector<16xi32>
        %add3A_305 = arith.constant 11 : i32
        %add3A_306 = vector.broadcast %add3A_305 : i32 to vector<16xi32>
        %add3A_307 = arith.addi %iota3A, %add3A_306 : vector<16xi32>
        %and3A_308 = arith.constant 15 : i32
        %and3A_309 = vector.broadcast %and3A_308 : i32 to vector<16xi32>
        %and3A_310 = arith.andi %add3A_307, %and3A_309 : vector<16xi32>
        %add3A_311 = vector.broadcast %mul3A_154 : i32 to vector<16xi32>
        %add3A_312 = arith.addi %add3A_311, %and3A_310 : vector<16xi32>
        %gather3A_313 = tpu.vector_load_idx %arg4[%add3A_136, %add3A_312] : memref<32x1024xi32, #tpu.memory_space<vmem>>[vector<16xi32>, vector<16xi32>], vector<16xi32>,
        %eq3A_314 = arith.constant 1 : i32
        %eq3A_315 = vector.broadcast %eq3A_314 : i32 to vector<16xi32>
        %eq3A_316 = arith.cmpi eq, %gather3A_313, %eq3A_315 : vector<16xi32>
        %convert_element_type3A_317 = arith.extui %eq3A_316 : vector<16xi1> to vector<16xi32>
        %add3A_318 = arith.addi %add3A_304, %convert_element_type3A_317 : vector<16xi32>
        %add3A_319 = arith.constant 12 : i32
        %add3A_320 = vector.broadcast %add3A_319 : i32 to vector<16xi32>
        %add3A_321 = arith.addi %iota3A, %add3A_320 : vector<16xi32>
        %and3A_322 = arith.constant 15 : i32
        %and3A_323 = vector.broadcast %and3A_322 : i32 to vector<16xi32>
        %and3A_324 = arith.andi %add3A_321, %and3A_323 : vector<16xi32>
        %add3A_325 = vector.broadcast %mul3A_154 : i32 to vector<16xi32>
        %add3A_326 = arith.addi %add3A_325, %and3A_324 : vector<16xi32>
        %gather3A_327 = tpu.vector_load_idx %arg4[%add3A_136, %add3A_326] : memref<32x1024xi32, #tpu.memory_space<vmem>>[vector<16xi32>, vector<16xi32>], vector<16xi32>,
        %eq3A_328 = arith.constant 1 : i32
        %eq3A_329 = vector.broadcast %eq3A_328 : i32 to vector<16xi32>
        %eq3A_330 = arith.cmpi eq, %gather3A_327, %eq3A_329 : vector<16xi32>
        %convert_element_type3A_331 = arith.extui %eq3A_330 : vector<16xi1> to vector<16xi32>
        %add3A_332 = arith.addi %add3A_318, %convert_element_type3A_331 : vector<16xi32>
        %add3A_333 = arith.constant 13 : i32
        %add3A_334 = vector.broadcast %add3A_333 : i32 to vector<16xi32>
        %add3A_335 = arith.addi %iota3A, %add3A_334 : vector<16xi32>
        %and3A_336 = arith.constant 15 : i32
        %and3A_337 = vector.broadcast %and3A_336 : i32 to vector<16xi32>
        %and3A_338 = arith.andi %add3A_335, %and3A_337 : vector<16xi32>
        %add3A_339 = vector.broadcast %mul3A_154 : i32 to vector<16xi32>
        %add3A_340 = arith.addi %add3A_339, %and3A_338 : vector<16xi32>
        %gather3A_341 = tpu.vector_load_idx %arg4[%add3A_136, %add3A_340] : memref<32x1024xi32, #tpu.memory_space<vmem>>[vector<16xi32>, vector<16xi32>], vector<16xi32>,
        %eq3A_342 = arith.constant 1 : i32
        %eq3A_343 = vector.broadcast %eq3A_342 : i32 to vector<16xi32>
        %eq3A_344 = arith.cmpi eq, %gather3A_341, %eq3A_343 : vector<16xi32>
        %convert_element_type3A_345 = arith.extui %eq3A_344 : vector<16xi1> to vector<16xi32>
        %add3A_346 = arith.addi %add3A_332, %convert_element_type3A_345 : vector<16xi32>
        %add3A_347 = arith.constant 14 : i32
        %add3A_348 = vector.broadcast %add3A_347 : i32 to vector<16xi32>
        %add3A_349 = arith.addi %iota3A, %add3A_348 : vector<16xi32>
        %and3A_350 = arith.constant 15 : i32
        %and3A_351 = vector.broadcast %and3A_350 : i32 to vector<16xi32>
        %and3A_352 = arith.andi %add3A_349, %and3A_351 : vector<16xi32>
        %add3A_353 = vector.broadcast %mul3A_154 : i32 to vector<16xi32>
        %add3A_354 = arith.addi %add3A_353, %and3A_352 : vector<16xi32>
        %gather3A_355 = tpu.vector_load_idx %arg4[%add3A_136, %add3A_354] : memref<32x1024xi32, #tpu.memory_space<vmem>>[vector<16xi32>, vector<16xi32>], vector<16xi32>,
        %eq3A_356 = arith.constant 1 : i32
        %eq3A_357 = vector.broadcast %eq3A_356 : i32 to vector<16xi32>
        %eq3A_358 = arith.cmpi eq, %gather3A_355, %eq3A_357 : vector<16xi32>
        %convert_element_type3A_359 = arith.extui %eq3A_358 : vector<16xi1> to vector<16xi32>
        %add3A_360 = arith.addi %add3A_346, %convert_element_type3A_359 : vector<16xi32>
        %add3A_361 = arith.constant 15 : i32
        %add3A_362 = vector.broadcast %add3A_361 : i32 to vector<16xi32>
        %add3A_363 = arith.addi %iota3A, %add3A_362 : vector<16xi32>
        %and3A_364 = arith.constant 15 : i32
        %and3A_365 = vector.broadcast %and3A_364 : i32 to vector<16xi32>
        %and3A_366 = arith.andi %add3A_363, %and3A_365 : vector<16xi32>
        %add3A_367 = vector.broadcast %mul3A_154 : i32 to vector<16xi32>
        %add3A_368 = arith.addi %add3A_367, %and3A_366 : vector<16xi32>
        %gather3A_369 = tpu.vector_load_idx %arg4[%add3A_136, %add3A_368] : memref<32x1024xi32, #tpu.memory_space<vmem>>[vector<16xi32>, vector<16xi32>], vector<16xi32>,
        %eq3A_370 = arith.constant 1 : i32
        %eq3A_371 = vector.broadcast %eq3A_370 : i32 to vector<16xi32>
        %eq3A_372 = arith.cmpi eq, %gather3A_369, %eq3A_371 : vector<16xi32>
        %convert_element_type3A_373 = arith.extui %eq3A_372 : vector<16xi1> to vector<16xi32>
        %add3A_374 = arith.addi %add3A_360, %convert_element_type3A_373 : vector<16xi32>
        scf.yield %add3A_374 : vector<16xi32>
      }
      %scan3A_143 = arith.constant 64 : i32
      %min3A = arith.constant 511 : i32
      %min3A_144 = vector.broadcast %min3A : i32 to vector<16xi32>
      %min3A_145 = arith.minsi %scan3A_142, %min3A_144 : vector<16xi32>
      %mul3A_146 = arith.constant 16 : i32
      %mul3A_147 = arith.muli %scan3A_132, %mul3A_146 : i32
      %add3A_148 = arith.constant 128 : i32
      %add3A_149 = arith.addi %add3A_148, %mul3A_147 : i32
      %swap3A = arith.index_cast %add3A_149 : i32 to index
      %swap3A_150 = tpu.vector_load %arg6[%swap3A] {strides = array<i32>} : memref<256xi32, #tpu.memory_space<vmem>>, vector<16xi32>,
      tpu.vector_store %arg6[%swap3A], %min3A_145 {strides = array<i32>} : memref<256xi32, #tpu.memory_space<vmem>>, vector<16xi32>,
    }
    %scan3A_89 = arith.constant 2 : i32
    %add3A_90 = arith.constant 192 : i32
    %add3A_91 = arith.addi %add3A_6, %add3A_90 : i32
    %dma_start3A_92 = arith.constant 0 : i32
    %dma_start3A_93 = tpu.memref_slice %arg2[%add3A_91, %dma_start3A_92] : memref<8192x1024xi32, #tpu.memory_space<hbm>> -> memref<32x1024xi32, #tpu.memory_space<hbm>>
    %dma_start3A_94 = arith.constant 0 : i32
    %dma_start3A_95 = tpu.memref_slice %arg2[%add3A_91, %dma_start3A_94] : memref<8192x1024xi32, #tpu.memory_space<hbm>> -> memref<32x1024xi32, #tpu.memory_space<hbm>>
    tpu.enqueue_dma source(%dma_start3A_95 : memref<32x1024xi32, #tpu.memory_space<hbm>>) target(%arg4 : memref<32x1024xi32, #tpu.memory_space<vmem>>) target_semaphore(%arg7 : memref<!tpu.dma_semaphore, #tpu.memory_space<semaphore_mem>>)
    %dma_wait3A_96 = arith.constant 0 : i32
    %dma_wait3A_97 = tpu.memref_slice %arg2[%add3A_75, %dma_wait3A_96] : memref<8192x1024xi32, #tpu.memory_space<hbm>> -> memref<32x1024xi32, #tpu.memory_space<hbm>>
    %dma_wait3A_98 = arith.constant 0 : i32
    %dma_wait3A_99 = tpu.memref_slice %arg2[%add3A_75, %dma_wait3A_98] : memref<8192x1024xi32, #tpu.memory_space<hbm>> -> memref<32x1024xi32, #tpu.memory_space<hbm>>
    tpu.wait_dma2 semaphore(%arg8 : memref<!tpu.dma_semaphore, #tpu.memory_space<semaphore_mem>>) src(%dma_wait3A_99 : memref<32x1024xi32, #tpu.memory_space<hbm>>) dst(%arg5 : memref<32x1024xi32, #tpu.memory_space<vmem>>)
    %scan3A_100 = arith.constant 0 : i32
    %scan3A_101 = arith.constant 0 : i32
    %scan3A_102 = arith.constant 2 : i32
    %scan3A_103 = arith.addi %scan3A_101, %scan3A_102 : i32
    %scan3A_104 = arith.constant 1 : i32
    scf.for %scan3A_132 = %scan3A_101 to %scan3A_103 step %scan3A_104  : i32 {
      %mul3A_133 = arith.constant 16 : i32
      %mul3A_134 = arith.muli %scan3A_132, %mul3A_133 : i32
      %add3A_135 = vector.broadcast %mul3A_134 : i32 to vector<16xi32>
      %add3A_136 = arith.addi %add3A_135, %iota3A : vector<16xi32>
      %broadcast_in_dim3A = arith.constant 0 : i32
      %broadcast_in_dim3A_137 = vector.broadcast %broadcast_in_dim3A : i32 to vector<16xi32>
      %scan3A_138 = arith.constant 0 : i32
      %scan3A_139 = arith.constant 64 : i32
      %scan3A_140 = arith.addi %scan3A_138, %scan3A_139 : i32
      %scan3A_141 = arith.constant 1 : i32
      %scan3A_142 = scf.for %scan3A_151 = %scan3A_138 to %scan3A_140 step %scan3A_141 iter_args(%scan3A_152 = %broadcast_in_dim3A_137) -> (vector<16xi32>)  : i32 {
        %mul3A_153 = arith.constant 16 : i32
        %mul3A_154 = arith.muli %scan3A_151, %mul3A_153 : i32
        %add3A_155 = arith.constant 0 : i32
        %add3A_156 = vector.broadcast %add3A_155 : i32 to vector<16xi32>
        %add3A_157 = arith.addi %iota3A, %add3A_156 : vector<16xi32>
        %and3A = arith.constant 15 : i32
        %and3A_158 = vector.broadcast %and3A : i32 to vector<16xi32>
        %and3A_159 = arith.andi %add3A_157, %and3A_158 : vector<16xi32>
        %add3A_160 = vector.broadcast %mul3A_154 : i32 to vector<16xi32>
        %add3A_161 = arith.addi %add3A_160, %and3A_159 : vector<16xi32>
        %gather3A = tpu.vector_load_idx %arg5[%add3A_136, %add3A_161] : memref<32x1024xi32, #tpu.memory_space<vmem>>[vector<16xi32>, vector<16xi32>], vector<16xi32>,
        %eq3A = arith.constant 1 : i32
        %eq3A_162 = vector.broadcast %eq3A : i32 to vector<16xi32>
        %eq3A_163 = arith.cmpi eq, %gather3A, %eq3A_162 : vector<16xi32>
        %convert_element_type3A = arith.extui %eq3A_163 : vector<16xi1> to vector<16xi32>
        %add3A_164 = arith.addi %scan3A_152, %convert_element_type3A : vector<16xi32>
        %add3A_165 = arith.constant 1 : i32
        %add3A_166 = vector.broadcast %add3A_165 : i32 to vector<16xi32>
        %add3A_167 = arith.addi %iota3A, %add3A_166 : vector<16xi32>
        %and3A_168 = arith.constant 15 : i32
        %and3A_169 = vector.broadcast %and3A_168 : i32 to vector<16xi32>
        %and3A_170 = arith.andi %add3A_167, %and3A_169 : vector<16xi32>
        %add3A_171 = vector.broadcast %mul3A_154 : i32 to vector<16xi32>
        %add3A_172 = arith.addi %add3A_171, %and3A_170 : vector<16xi32>
        %gather3A_173 = tpu.vector_load_idx %arg5[%add3A_136, %add3A_172] : memref<32x1024xi32, #tpu.memory_space<vmem>>[vector<16xi32>, vector<16xi32>], vector<16xi32>,
        %eq3A_174 = arith.constant 1 : i32
        %eq3A_175 = vector.broadcast %eq3A_174 : i32 to vector<16xi32>
        %eq3A_176 = arith.cmpi eq, %gather3A_173, %eq3A_175 : vector<16xi32>
        %convert_element_type3A_177 = arith.extui %eq3A_176 : vector<16xi1> to vector<16xi32>
        %add3A_178 = arith.addi %add3A_164, %convert_element_type3A_177 : vector<16xi32>
        %add3A_179 = arith.constant 2 : i32
        %add3A_180 = vector.broadcast %add3A_179 : i32 to vector<16xi32>
        %add3A_181 = arith.addi %iota3A, %add3A_180 : vector<16xi32>
        %and3A_182 = arith.constant 15 : i32
        %and3A_183 = vector.broadcast %and3A_182 : i32 to vector<16xi32>
        %and3A_184 = arith.andi %add3A_181, %and3A_183 : vector<16xi32>
        %add3A_185 = vector.broadcast %mul3A_154 : i32 to vector<16xi32>
        %add3A_186 = arith.addi %add3A_185, %and3A_184 : vector<16xi32>
        %gather3A_187 = tpu.vector_load_idx %arg5[%add3A_136, %add3A_186] : memref<32x1024xi32, #tpu.memory_space<vmem>>[vector<16xi32>, vector<16xi32>], vector<16xi32>,
        %eq3A_188 = arith.constant 1 : i32
        %eq3A_189 = vector.broadcast %eq3A_188 : i32 to vector<16xi32>
        %eq3A_190 = arith.cmpi eq, %gather3A_187, %eq3A_189 : vector<16xi32>
        %convert_element_type3A_191 = arith.extui %eq3A_190 : vector<16xi1> to vector<16xi32>
        %add3A_192 = arith.addi %add3A_178, %convert_element_type3A_191 : vector<16xi32>
        %add3A_193 = arith.constant 3 : i32
        %add3A_194 = vector.broadcast %add3A_193 : i32 to vector<16xi32>
        %add3A_195 = arith.addi %iota3A, %add3A_194 : vector<16xi32>
        %and3A_196 = arith.constant 15 : i32
        %and3A_197 = vector.broadcast %and3A_196 : i32 to vector<16xi32>
        %and3A_198 = arith.andi %add3A_195, %and3A_197 : vector<16xi32>
        %add3A_199 = vector.broadcast %mul3A_154 : i32 to vector<16xi32>
        %add3A_200 = arith.addi %add3A_199, %and3A_198 : vector<16xi32>
        %gather3A_201 = tpu.vector_load_idx %arg5[%add3A_136, %add3A_200] : memref<32x1024xi32, #tpu.memory_space<vmem>>[vector<16xi32>, vector<16xi32>], vector<16xi32>,
        %eq3A_202 = arith.constant 1 : i32
        %eq3A_203 = vector.broadcast %eq3A_202 : i32 to vector<16xi32>
        %eq3A_204 = arith.cmpi eq, %gather3A_201, %eq3A_203 : vector<16xi32>
        %convert_element_type3A_205 = arith.extui %eq3A_204 : vector<16xi1> to vector<16xi32>
        %add3A_206 = arith.addi %add3A_192, %convert_element_type3A_205 : vector<16xi32>
        %add3A_207 = arith.constant 4 : i32
        %add3A_208 = vector.broadcast %add3A_207 : i32 to vector<16xi32>
        %add3A_209 = arith.addi %iota3A, %add3A_208 : vector<16xi32>
        %and3A_210 = arith.constant 15 : i32
        %and3A_211 = vector.broadcast %and3A_210 : i32 to vector<16xi32>
        %and3A_212 = arith.andi %add3A_209, %and3A_211 : vector<16xi32>
        %add3A_213 = vector.broadcast %mul3A_154 : i32 to vector<16xi32>
        %add3A_214 = arith.addi %add3A_213, %and3A_212 : vector<16xi32>
        %gather3A_215 = tpu.vector_load_idx %arg5[%add3A_136, %add3A_214] : memref<32x1024xi32, #tpu.memory_space<vmem>>[vector<16xi32>, vector<16xi32>], vector<16xi32>,
        %eq3A_216 = arith.constant 1 : i32
        %eq3A_217 = vector.broadcast %eq3A_216 : i32 to vector<16xi32>
        %eq3A_218 = arith.cmpi eq, %gather3A_215, %eq3A_217 : vector<16xi32>
        %convert_element_type3A_219 = arith.extui %eq3A_218 : vector<16xi1> to vector<16xi32>
        %add3A_220 = arith.addi %add3A_206, %convert_element_type3A_219 : vector<16xi32>
        %add3A_221 = arith.constant 5 : i32
        %add3A_222 = vector.broadcast %add3A_221 : i32 to vector<16xi32>
        %add3A_223 = arith.addi %iota3A, %add3A_222 : vector<16xi32>
        %and3A_224 = arith.constant 15 : i32
        %and3A_225 = vector.broadcast %and3A_224 : i32 to vector<16xi32>
        %and3A_226 = arith.andi %add3A_223, %and3A_225 : vector<16xi32>
        %add3A_227 = vector.broadcast %mul3A_154 : i32 to vector<16xi32>
        %add3A_228 = arith.addi %add3A_227, %and3A_226 : vector<16xi32>
        %gather3A_229 = tpu.vector_load_idx %arg5[%add3A_136, %add3A_228] : memref<32x1024xi32, #tpu.memory_space<vmem>>[vector<16xi32>, vector<16xi32>], vector<16xi32>,
        %eq3A_230 = arith.constant 1 : i32
        %eq3A_231 = vector.broadcast %eq3A_230 : i32 to vector<16xi32>
        %eq3A_232 = arith.cmpi eq, %gather3A_229, %eq3A_231 : vector<16xi32>
        %convert_element_type3A_233 = arith.extui %eq3A_232 : vector<16xi1> to vector<16xi32>
        %add3A_234 = arith.addi %add3A_220, %convert_element_type3A_233 : vector<16xi32>
        %add3A_235 = arith.constant 6 : i32
        %add3A_236 = vector.broadcast %add3A_235 : i32 to vector<16xi32>
        %add3A_237 = arith.addi %iota3A, %add3A_236 : vector<16xi32>
        %and3A_238 = arith.constant 15 : i32
        %and3A_239 = vector.broadcast %and3A_238 : i32 to vector<16xi32>
        %and3A_240 = arith.andi %add3A_237, %and3A_239 : vector<16xi32>
        %add3A_241 = vector.broadcast %mul3A_154 : i32 to vector<16xi32>
        %add3A_242 = arith.addi %add3A_241, %and3A_240 : vector<16xi32>
        %gather3A_243 = tpu.vector_load_idx %arg5[%add3A_136, %add3A_242] : memref<32x1024xi32, #tpu.memory_space<vmem>>[vector<16xi32>, vector<16xi32>], vector<16xi32>,
        %eq3A_244 = arith.constant 1 : i32
        %eq3A_245 = vector.broadcast %eq3A_244 : i32 to vector<16xi32>
        %eq3A_246 = arith.cmpi eq, %gather3A_243, %eq3A_245 : vector<16xi32>
        %convert_element_type3A_247 = arith.extui %eq3A_246 : vector<16xi1> to vector<16xi32>
        %add3A_248 = arith.addi %add3A_234, %convert_element_type3A_247 : vector<16xi32>
        %add3A_249 = arith.constant 7 : i32
        %add3A_250 = vector.broadcast %add3A_249 : i32 to vector<16xi32>
        %add3A_251 = arith.addi %iota3A, %add3A_250 : vector<16xi32>
        %and3A_252 = arith.constant 15 : i32
        %and3A_253 = vector.broadcast %and3A_252 : i32 to vector<16xi32>
        %and3A_254 = arith.andi %add3A_251, %and3A_253 : vector<16xi32>
        %add3A_255 = vector.broadcast %mul3A_154 : i32 to vector<16xi32>
        %add3A_256 = arith.addi %add3A_255, %and3A_254 : vector<16xi32>
        %gather3A_257 = tpu.vector_load_idx %arg5[%add3A_136, %add3A_256] : memref<32x1024xi32, #tpu.memory_space<vmem>>[vector<16xi32>, vector<16xi32>], vector<16xi32>,
        %eq3A_258 = arith.constant 1 : i32
        %eq3A_259 = vector.broadcast %eq3A_258 : i32 to vector<16xi32>
        %eq3A_260 = arith.cmpi eq, %gather3A_257, %eq3A_259 : vector<16xi32>
        %convert_element_type3A_261 = arith.extui %eq3A_260 : vector<16xi1> to vector<16xi32>
        %add3A_262 = arith.addi %add3A_248, %convert_element_type3A_261 : vector<16xi32>
        %add3A_263 = arith.constant 8 : i32
        %add3A_264 = vector.broadcast %add3A_263 : i32 to vector<16xi32>
        %add3A_265 = arith.addi %iota3A, %add3A_264 : vector<16xi32>
        %and3A_266 = arith.constant 15 : i32
        %and3A_267 = vector.broadcast %and3A_266 : i32 to vector<16xi32>
        %and3A_268 = arith.andi %add3A_265, %and3A_267 : vector<16xi32>
        %add3A_269 = vector.broadcast %mul3A_154 : i32 to vector<16xi32>
        %add3A_270 = arith.addi %add3A_269, %and3A_268 : vector<16xi32>
        %gather3A_271 = tpu.vector_load_idx %arg5[%add3A_136, %add3A_270] : memref<32x1024xi32, #tpu.memory_space<vmem>>[vector<16xi32>, vector<16xi32>], vector<16xi32>,
        %eq3A_272 = arith.constant 1 : i32
        %eq3A_273 = vector.broadcast %eq3A_272 : i32 to vector<16xi32>
        %eq3A_274 = arith.cmpi eq, %gather3A_271, %eq3A_273 : vector<16xi32>
        %convert_element_type3A_275 = arith.extui %eq3A_274 : vector<16xi1> to vector<16xi32>
        %add3A_276 = arith.addi %add3A_262, %convert_element_type3A_275 : vector<16xi32>
        %add3A_277 = arith.constant 9 : i32
        %add3A_278 = vector.broadcast %add3A_277 : i32 to vector<16xi32>
        %add3A_279 = arith.addi %iota3A, %add3A_278 : vector<16xi32>
        %and3A_280 = arith.constant 15 : i32
        %and3A_281 = vector.broadcast %and3A_280 : i32 to vector<16xi32>
        %and3A_282 = arith.andi %add3A_279, %and3A_281 : vector<16xi32>
        %add3A_283 = vector.broadcast %mul3A_154 : i32 to vector<16xi32>
        %add3A_284 = arith.addi %add3A_283, %and3A_282 : vector<16xi32>
        %gather3A_285 = tpu.vector_load_idx %arg5[%add3A_136, %add3A_284] : memref<32x1024xi32, #tpu.memory_space<vmem>>[vector<16xi32>, vector<16xi32>], vector<16xi32>,
        %eq3A_286 = arith.constant 1 : i32
        %eq3A_287 = vector.broadcast %eq3A_286 : i32 to vector<16xi32>
        %eq3A_288 = arith.cmpi eq, %gather3A_285, %eq3A_287 : vector<16xi32>
        %convert_element_type3A_289 = arith.extui %eq3A_288 : vector<16xi1> to vector<16xi32>
        %add3A_290 = arith.addi %add3A_276, %convert_element_type3A_289 : vector<16xi32>
        %add3A_291 = arith.constant 10 : i32
        %add3A_292 = vector.broadcast %add3A_291 : i32 to vector<16xi32>
        %add3A_293 = arith.addi %iota3A, %add3A_292 : vector<16xi32>
        %and3A_294 = arith.constant 15 : i32
        %and3A_295 = vector.broadcast %and3A_294 : i32 to vector<16xi32>
        %and3A_296 = arith.andi %add3A_293, %and3A_295 : vector<16xi32>
        %add3A_297 = vector.broadcast %mul3A_154 : i32 to vector<16xi32>
        %add3A_298 = arith.addi %add3A_297, %and3A_296 : vector<16xi32>
        %gather3A_299 = tpu.vector_load_idx %arg5[%add3A_136, %add3A_298] : memref<32x1024xi32, #tpu.memory_space<vmem>>[vector<16xi32>, vector<16xi32>], vector<16xi32>,
        %eq3A_300 = arith.constant 1 : i32
        %eq3A_301 = vector.broadcast %eq3A_300 : i32 to vector<16xi32>
        %eq3A_302 = arith.cmpi eq, %gather3A_299, %eq3A_301 : vector<16xi32>
        %convert_element_type3A_303 = arith.extui %eq3A_302 : vector<16xi1> to vector<16xi32>
        %add3A_304 = arith.addi %add3A_290, %convert_element_type3A_303 : vector<16xi32>
        %add3A_305 = arith.constant 11 : i32
        %add3A_306 = vector.broadcast %add3A_305 : i32 to vector<16xi32>
        %add3A_307 = arith.addi %iota3A, %add3A_306 : vector<16xi32>
        %and3A_308 = arith.constant 15 : i32
        %and3A_309 = vector.broadcast %and3A_308 : i32 to vector<16xi32>
        %and3A_310 = arith.andi %add3A_307, %and3A_309 : vector<16xi32>
        %add3A_311 = vector.broadcast %mul3A_154 : i32 to vector<16xi32>
        %add3A_312 = arith.addi %add3A_311, %and3A_310 : vector<16xi32>
        %gather3A_313 = tpu.vector_load_idx %arg5[%add3A_136, %add3A_312] : memref<32x1024xi32, #tpu.memory_space<vmem>>[vector<16xi32>, vector<16xi32>], vector<16xi32>,
        %eq3A_314 = arith.constant 1 : i32
        %eq3A_315 = vector.broadcast %eq3A_314 : i32 to vector<16xi32>
        %eq3A_316 = arith.cmpi eq, %gather3A_313, %eq3A_315 : vector<16xi32>
        %convert_element_type3A_317 = arith.extui %eq3A_316 : vector<16xi1> to vector<16xi32>
        %add3A_318 = arith.addi %add3A_304, %convert_element_type3A_317 : vector<16xi32>
        %add3A_319 = arith.constant 12 : i32
        %add3A_320 = vector.broadcast %add3A_319 : i32 to vector<16xi32>
        %add3A_321 = arith.addi %iota3A, %add3A_320 : vector<16xi32>
        %and3A_322 = arith.constant 15 : i32
        %and3A_323 = vector.broadcast %and3A_322 : i32 to vector<16xi32>
        %and3A_324 = arith.andi %add3A_321, %and3A_323 : vector<16xi32>
        %add3A_325 = vector.broadcast %mul3A_154 : i32 to vector<16xi32>
        %add3A_326 = arith.addi %add3A_325, %and3A_324 : vector<16xi32>
        %gather3A_327 = tpu.vector_load_idx %arg5[%add3A_136, %add3A_326] : memref<32x1024xi32, #tpu.memory_space<vmem>>[vector<16xi32>, vector<16xi32>], vector<16xi32>,
        %eq3A_328 = arith.constant 1 : i32
        %eq3A_329 = vector.broadcast %eq3A_328 : i32 to vector<16xi32>
        %eq3A_330 = arith.cmpi eq, %gather3A_327, %eq3A_329 : vector<16xi32>
        %convert_element_type3A_331 = arith.extui %eq3A_330 : vector<16xi1> to vector<16xi32>
        %add3A_332 = arith.addi %add3A_318, %convert_element_type3A_331 : vector<16xi32>
        %add3A_333 = arith.constant 13 : i32
        %add3A_334 = vector.broadcast %add3A_333 : i32 to vector<16xi32>
        %add3A_335 = arith.addi %iota3A, %add3A_334 : vector<16xi32>
        %and3A_336 = arith.constant 15 : i32
        %and3A_337 = vector.broadcast %and3A_336 : i32 to vector<16xi32>
        %and3A_338 = arith.andi %add3A_335, %and3A_337 : vector<16xi32>
        %add3A_339 = vector.broadcast %mul3A_154 : i32 to vector<16xi32>
        %add3A_340 = arith.addi %add3A_339, %and3A_338 : vector<16xi32>
        %gather3A_341 = tpu.vector_load_idx %arg5[%add3A_136, %add3A_340] : memref<32x1024xi32, #tpu.memory_space<vmem>>[vector<16xi32>, vector<16xi32>], vector<16xi32>,
        %eq3A_342 = arith.constant 1 : i32
        %eq3A_343 = vector.broadcast %eq3A_342 : i32 to vector<16xi32>
        %eq3A_344 = arith.cmpi eq, %gather3A_341, %eq3A_343 : vector<16xi32>
        %convert_element_type3A_345 = arith.extui %eq3A_344 : vector<16xi1> to vector<16xi32>
        %add3A_346 = arith.addi %add3A_332, %convert_element_type3A_345 : vector<16xi32>
        %add3A_347 = arith.constant 14 : i32
        %add3A_348 = vector.broadcast %add3A_347 : i32 to vector<16xi32>
        %add3A_349 = arith.addi %iota3A, %add3A_348 : vector<16xi32>
        %and3A_350 = arith.constant 15 : i32
        %and3A_351 = vector.broadcast %and3A_350 : i32 to vector<16xi32>
        %and3A_352 = arith.andi %add3A_349, %and3A_351 : vector<16xi32>
        %add3A_353 = vector.broadcast %mul3A_154 : i32 to vector<16xi32>
        %add3A_354 = arith.addi %add3A_353, %and3A_352 : vector<16xi32>
        %gather3A_355 = tpu.vector_load_idx %arg5[%add3A_136, %add3A_354] : memref<32x1024xi32, #tpu.memory_space<vmem>>[vector<16xi32>, vector<16xi32>], vector<16xi32>,
        %eq3A_356 = arith.constant 1 : i32
        %eq3A_357 = vector.broadcast %eq3A_356 : i32 to vector<16xi32>
        %eq3A_358 = arith.cmpi eq, %gather3A_355, %eq3A_357 : vector<16xi32>
        %convert_element_type3A_359 = arith.extui %eq3A_358 : vector<16xi1> to vector<16xi32>
        %add3A_360 = arith.addi %add3A_346, %convert_element_type3A_359 : vector<16xi32>
        %add3A_361 = arith.constant 15 : i32
        %add3A_362 = vector.broadcast %add3A_361 : i32 to vector<16xi32>
        %add3A_363 = arith.addi %iota3A, %add3A_362 : vector<16xi32>
        %and3A_364 = arith.constant 15 : i32
        %and3A_365 = vector.broadcast %and3A_364 : i32 to vector<16xi32>
        %and3A_366 = arith.andi %add3A_363, %and3A_365 : vector<16xi32>
        %add3A_367 = vector.broadcast %mul3A_154 : i32 to vector<16xi32>
        %add3A_368 = arith.addi %add3A_367, %and3A_366 : vector<16xi32>
        %gather3A_369 = tpu.vector_load_idx %arg5[%add3A_136, %add3A_368] : memref<32x1024xi32, #tpu.memory_space<vmem>>[vector<16xi32>, vector<16xi32>], vector<16xi32>,
        %eq3A_370 = arith.constant 1 : i32
        %eq3A_371 = vector.broadcast %eq3A_370 : i32 to vector<16xi32>
        %eq3A_372 = arith.cmpi eq, %gather3A_369, %eq3A_371 : vector<16xi32>
        %convert_element_type3A_373 = arith.extui %eq3A_372 : vector<16xi1> to vector<16xi32>
        %add3A_374 = arith.addi %add3A_360, %convert_element_type3A_373 : vector<16xi32>
        scf.yield %add3A_374 : vector<16xi32>
      }
      %scan3A_143 = arith.constant 64 : i32
      %min3A = arith.constant 511 : i32
      %min3A_144 = vector.broadcast %min3A : i32 to vector<16xi32>
      %min3A_145 = arith.minsi %scan3A_142, %min3A_144 : vector<16xi32>
      %mul3A_146 = arith.constant 16 : i32
      %mul3A_147 = arith.muli %scan3A_132, %mul3A_146 : i32
      %add3A_148 = arith.constant 160 : i32
      %add3A_149 = arith.addi %add3A_148, %mul3A_147 : i32
      %swap3A = arith.index_cast %add3A_149 : i32 to index
      %swap3A_150 = tpu.vector_load %arg6[%swap3A] {strides = array<i32>} : memref<256xi32, #tpu.memory_space<vmem>>, vector<16xi32>,
      tpu.vector_store %arg6[%swap3A], %min3A_145 {strides = array<i32>} : memref<256xi32, #tpu.memory_space<vmem>>, vector<16xi32>,
    }
    %scan3A_105 = arith.constant 2 : i32
    %add3A_106 = arith.constant 224 : i32
    %add3A_107 = arith.addi %add3A_6, %add3A_106 : i32
    %dma_start3A_108 = arith.constant 0 : i32
    %dma_start3A_109 = tpu.memref_slice %arg2[%add3A_107, %dma_start3A_108] : memref<8192x1024xi32, #tpu.memory_space<hbm>> -> memref<32x1024xi32, #tpu.memory_space<hbm>>
    %dma_start3A_110 = arith.constant 0 : i32
    %dma_start3A_111 = tpu.memref_slice %arg2[%add3A_107, %dma_start3A_110] : memref<8192x1024xi32, #tpu.memory_space<hbm>> -> memref<32x1024xi32, #tpu.memory_space<hbm>>
    tpu.enqueue_dma source(%dma_start3A_111 : memref<32x1024xi32, #tpu.memory_space<hbm>>) target(%arg5 : memref<32x1024xi32, #tpu.memory_space<vmem>>) target_semaphore(%arg8 : memref<!tpu.dma_semaphore, #tpu.memory_space<semaphore_mem>>)
    %dma_wait3A_112 = arith.constant 0 : i32
    %dma_wait3A_113 = tpu.memref_slice %arg2[%add3A_91, %dma_wait3A_112] : memref<8192x1024xi32, #tpu.memory_space<hbm>> -> memref<32x1024xi32, #tpu.memory_space<hbm>>
    %dma_wait3A_114 = arith.constant 0 : i32
    %dma_wait3A_115 = tpu.memref_slice %arg2[%add3A_91, %dma_wait3A_114] : memref<8192x1024xi32, #tpu.memory_space<hbm>> -> memref<32x1024xi32, #tpu.memory_space<hbm>>
    tpu.wait_dma2 semaphore(%arg7 : memref<!tpu.dma_semaphore, #tpu.memory_space<semaphore_mem>>) src(%dma_wait3A_115 : memref<32x1024xi32, #tpu.memory_space<hbm>>) dst(%arg4 : memref<32x1024xi32, #tpu.memory_space<vmem>>)
    %scan3A_116 = arith.constant 0 : i32
    %scan3A_117 = arith.constant 0 : i32
    %scan3A_118 = arith.constant 2 : i32
    %scan3A_119 = arith.addi %scan3A_117, %scan3A_118 : i32
    %scan3A_120 = arith.constant 1 : i32
    scf.for %scan3A_132 = %scan3A_117 to %scan3A_119 step %scan3A_120  : i32 {
      %mul3A_133 = arith.constant 16 : i32
      %mul3A_134 = arith.muli %scan3A_132, %mul3A_133 : i32
      %add3A_135 = vector.broadcast %mul3A_134 : i32 to vector<16xi32>
      %add3A_136 = arith.addi %add3A_135, %iota3A : vector<16xi32>
      %broadcast_in_dim3A = arith.constant 0 : i32
      %broadcast_in_dim3A_137 = vector.broadcast %broadcast_in_dim3A : i32 to vector<16xi32>
      %scan3A_138 = arith.constant 0 : i32
      %scan3A_139 = arith.constant 64 : i32
      %scan3A_140 = arith.addi %scan3A_138, %scan3A_139 : i32
      %scan3A_141 = arith.constant 1 : i32
      %scan3A_142 = scf.for %scan3A_151 = %scan3A_138 to %scan3A_140 step %scan3A_141 iter_args(%scan3A_152 = %broadcast_in_dim3A_137) -> (vector<16xi32>)  : i32 {
        %mul3A_153 = arith.constant 16 : i32
        %mul3A_154 = arith.muli %scan3A_151, %mul3A_153 : i32
        %add3A_155 = arith.constant 0 : i32
        %add3A_156 = vector.broadcast %add3A_155 : i32 to vector<16xi32>
        %add3A_157 = arith.addi %iota3A, %add3A_156 : vector<16xi32>
        %and3A = arith.constant 15 : i32
        %and3A_158 = vector.broadcast %and3A : i32 to vector<16xi32>
        %and3A_159 = arith.andi %add3A_157, %and3A_158 : vector<16xi32>
        %add3A_160 = vector.broadcast %mul3A_154 : i32 to vector<16xi32>
        %add3A_161 = arith.addi %add3A_160, %and3A_159 : vector<16xi32>
        %gather3A = tpu.vector_load_idx %arg4[%add3A_136, %add3A_161] : memref<32x1024xi32, #tpu.memory_space<vmem>>[vector<16xi32>, vector<16xi32>], vector<16xi32>,
        %eq3A = arith.constant 1 : i32
        %eq3A_162 = vector.broadcast %eq3A : i32 to vector<16xi32>
        %eq3A_163 = arith.cmpi eq, %gather3A, %eq3A_162 : vector<16xi32>
        %convert_element_type3A = arith.extui %eq3A_163 : vector<16xi1> to vector<16xi32>
        %add3A_164 = arith.addi %scan3A_152, %convert_element_type3A : vector<16xi32>
        %add3A_165 = arith.constant 1 : i32
        %add3A_166 = vector.broadcast %add3A_165 : i32 to vector<16xi32>
        %add3A_167 = arith.addi %iota3A, %add3A_166 : vector<16xi32>
        %and3A_168 = arith.constant 15 : i32
        %and3A_169 = vector.broadcast %and3A_168 : i32 to vector<16xi32>
        %and3A_170 = arith.andi %add3A_167, %and3A_169 : vector<16xi32>
        %add3A_171 = vector.broadcast %mul3A_154 : i32 to vector<16xi32>
        %add3A_172 = arith.addi %add3A_171, %and3A_170 : vector<16xi32>
        %gather3A_173 = tpu.vector_load_idx %arg4[%add3A_136, %add3A_172] : memref<32x1024xi32, #tpu.memory_space<vmem>>[vector<16xi32>, vector<16xi32>], vector<16xi32>,
        %eq3A_174 = arith.constant 1 : i32
        %eq3A_175 = vector.broadcast %eq3A_174 : i32 to vector<16xi32>
        %eq3A_176 = arith.cmpi eq, %gather3A_173, %eq3A_175 : vector<16xi32>
        %convert_element_type3A_177 = arith.extui %eq3A_176 : vector<16xi1> to vector<16xi32>
        %add3A_178 = arith.addi %add3A_164, %convert_element_type3A_177 : vector<16xi32>
        %add3A_179 = arith.constant 2 : i32
        %add3A_180 = vector.broadcast %add3A_179 : i32 to vector<16xi32>
        %add3A_181 = arith.addi %iota3A, %add3A_180 : vector<16xi32>
        %and3A_182 = arith.constant 15 : i32
        %and3A_183 = vector.broadcast %and3A_182 : i32 to vector<16xi32>
        %and3A_184 = arith.andi %add3A_181, %and3A_183 : vector<16xi32>
        %add3A_185 = vector.broadcast %mul3A_154 : i32 to vector<16xi32>
        %add3A_186 = arith.addi %add3A_185, %and3A_184 : vector<16xi32>
        %gather3A_187 = tpu.vector_load_idx %arg4[%add3A_136, %add3A_186] : memref<32x1024xi32, #tpu.memory_space<vmem>>[vector<16xi32>, vector<16xi32>], vector<16xi32>,
        %eq3A_188 = arith.constant 1 : i32
        %eq3A_189 = vector.broadcast %eq3A_188 : i32 to vector<16xi32>
        %eq3A_190 = arith.cmpi eq, %gather3A_187, %eq3A_189 : vector<16xi32>
        %convert_element_type3A_191 = arith.extui %eq3A_190 : vector<16xi1> to vector<16xi32>
        %add3A_192 = arith.addi %add3A_178, %convert_element_type3A_191 : vector<16xi32>
        %add3A_193 = arith.constant 3 : i32
        %add3A_194 = vector.broadcast %add3A_193 : i32 to vector<16xi32>
        %add3A_195 = arith.addi %iota3A, %add3A_194 : vector<16xi32>
        %and3A_196 = arith.constant 15 : i32
        %and3A_197 = vector.broadcast %and3A_196 : i32 to vector<16xi32>
        %and3A_198 = arith.andi %add3A_195, %and3A_197 : vector<16xi32>
        %add3A_199 = vector.broadcast %mul3A_154 : i32 to vector<16xi32>
        %add3A_200 = arith.addi %add3A_199, %and3A_198 : vector<16xi32>
        %gather3A_201 = tpu.vector_load_idx %arg4[%add3A_136, %add3A_200] : memref<32x1024xi32, #tpu.memory_space<vmem>>[vector<16xi32>, vector<16xi32>], vector<16xi32>,
        %eq3A_202 = arith.constant 1 : i32
        %eq3A_203 = vector.broadcast %eq3A_202 : i32 to vector<16xi32>
        %eq3A_204 = arith.cmpi eq, %gather3A_201, %eq3A_203 : vector<16xi32>
        %convert_element_type3A_205 = arith.extui %eq3A_204 : vector<16xi1> to vector<16xi32>
        %add3A_206 = arith.addi %add3A_192, %convert_element_type3A_205 : vector<16xi32>
        %add3A_207 = arith.constant 4 : i32
        %add3A_208 = vector.broadcast %add3A_207 : i32 to vector<16xi32>
        %add3A_209 = arith.addi %iota3A, %add3A_208 : vector<16xi32>
        %and3A_210 = arith.constant 15 : i32
        %and3A_211 = vector.broadcast %and3A_210 : i32 to vector<16xi32>
        %and3A_212 = arith.andi %add3A_209, %and3A_211 : vector<16xi32>
        %add3A_213 = vector.broadcast %mul3A_154 : i32 to vector<16xi32>
        %add3A_214 = arith.addi %add3A_213, %and3A_212 : vector<16xi32>
        %gather3A_215 = tpu.vector_load_idx %arg4[%add3A_136, %add3A_214] : memref<32x1024xi32, #tpu.memory_space<vmem>>[vector<16xi32>, vector<16xi32>], vector<16xi32>,
        %eq3A_216 = arith.constant 1 : i32
        %eq3A_217 = vector.broadcast %eq3A_216 : i32 to vector<16xi32>
        %eq3A_218 = arith.cmpi eq, %gather3A_215, %eq3A_217 : vector<16xi32>
        %convert_element_type3A_219 = arith.extui %eq3A_218 : vector<16xi1> to vector<16xi32>
        %add3A_220 = arith.addi %add3A_206, %convert_element_type3A_219 : vector<16xi32>
        %add3A_221 = arith.constant 5 : i32
        %add3A_222 = vector.broadcast %add3A_221 : i32 to vector<16xi32>
        %add3A_223 = arith.addi %iota3A, %add3A_222 : vector<16xi32>
        %and3A_224 = arith.constant 15 : i32
        %and3A_225 = vector.broadcast %and3A_224 : i32 to vector<16xi32>
        %and3A_226 = arith.andi %add3A_223, %and3A_225 : vector<16xi32>
        %add3A_227 = vector.broadcast %mul3A_154 : i32 to vector<16xi32>
        %add3A_228 = arith.addi %add3A_227, %and3A_226 : vector<16xi32>
        %gather3A_229 = tpu.vector_load_idx %arg4[%add3A_136, %add3A_228] : memref<32x1024xi32, #tpu.memory_space<vmem>>[vector<16xi32>, vector<16xi32>], vector<16xi32>,
        %eq3A_230 = arith.constant 1 : i32
        %eq3A_231 = vector.broadcast %eq3A_230 : i32 to vector<16xi32>
        %eq3A_232 = arith.cmpi eq, %gather3A_229, %eq3A_231 : vector<16xi32>
        %convert_element_type3A_233 = arith.extui %eq3A_232 : vector<16xi1> to vector<16xi32>
        %add3A_234 = arith.addi %add3A_220, %convert_element_type3A_233 : vector<16xi32>
        %add3A_235 = arith.constant 6 : i32
        %add3A_236 = vector.broadcast %add3A_235 : i32 to vector<16xi32>
        %add3A_237 = arith.addi %iota3A, %add3A_236 : vector<16xi32>
        %and3A_238 = arith.constant 15 : i32
        %and3A_239 = vector.broadcast %and3A_238 : i32 to vector<16xi32>
        %and3A_240 = arith.andi %add3A_237, %and3A_239 : vector<16xi32>
        %add3A_241 = vector.broadcast %mul3A_154 : i32 to vector<16xi32>
        %add3A_242 = arith.addi %add3A_241, %and3A_240 : vector<16xi32>
        %gather3A_243 = tpu.vector_load_idx %arg4[%add3A_136, %add3A_242] : memref<32x1024xi32, #tpu.memory_space<vmem>>[vector<16xi32>, vector<16xi32>], vector<16xi32>,
        %eq3A_244 = arith.constant 1 : i32
        %eq3A_245 = vector.broadcast %eq3A_244 : i32 to vector<16xi32>
        %eq3A_246 = arith.cmpi eq, %gather3A_243, %eq3A_245 : vector<16xi32>
        %convert_element_type3A_247 = arith.extui %eq3A_246 : vector<16xi1> to vector<16xi32>
        %add3A_248 = arith.addi %add3A_234, %convert_element_type3A_247 : vector<16xi32>
        %add3A_249 = arith.constant 7 : i32
        %add3A_250 = vector.broadcast %add3A_249 : i32 to vector<16xi32>
        %add3A_251 = arith.addi %iota3A, %add3A_250 : vector<16xi32>
        %and3A_252 = arith.constant 15 : i32
        %and3A_253 = vector.broadcast %and3A_252 : i32 to vector<16xi32>
        %and3A_254 = arith.andi %add3A_251, %and3A_253 : vector<16xi32>
        %add3A_255 = vector.broadcast %mul3A_154 : i32 to vector<16xi32>
        %add3A_256 = arith.addi %add3A_255, %and3A_254 : vector<16xi32>
        %gather3A_257 = tpu.vector_load_idx %arg4[%add3A_136, %add3A_256] : memref<32x1024xi32, #tpu.memory_space<vmem>>[vector<16xi32>, vector<16xi32>], vector<16xi32>,
        %eq3A_258 = arith.constant 1 : i32
        %eq3A_259 = vector.broadcast %eq3A_258 : i32 to vector<16xi32>
        %eq3A_260 = arith.cmpi eq, %gather3A_257, %eq3A_259 : vector<16xi32>
        %convert_element_type3A_261 = arith.extui %eq3A_260 : vector<16xi1> to vector<16xi32>
        %add3A_262 = arith.addi %add3A_248, %convert_element_type3A_261 : vector<16xi32>
        %add3A_263 = arith.constant 8 : i32
        %add3A_264 = vector.broadcast %add3A_263 : i32 to vector<16xi32>
        %add3A_265 = arith.addi %iota3A, %add3A_264 : vector<16xi32>
        %and3A_266 = arith.constant 15 : i32
        %and3A_267 = vector.broadcast %and3A_266 : i32 to vector<16xi32>
        %and3A_268 = arith.andi %add3A_265, %and3A_267 : vector<16xi32>
        %add3A_269 = vector.broadcast %mul3A_154 : i32 to vector<16xi32>
        %add3A_270 = arith.addi %add3A_269, %and3A_268 : vector<16xi32>
        %gather3A_271 = tpu.vector_load_idx %arg4[%add3A_136, %add3A_270] : memref<32x1024xi32, #tpu.memory_space<vmem>>[vector<16xi32>, vector<16xi32>], vector<16xi32>,
        %eq3A_272 = arith.constant 1 : i32
        %eq3A_273 = vector.broadcast %eq3A_272 : i32 to vector<16xi32>
        %eq3A_274 = arith.cmpi eq, %gather3A_271, %eq3A_273 : vector<16xi32>
        %convert_element_type3A_275 = arith.extui %eq3A_274 : vector<16xi1> to vector<16xi32>
        %add3A_276 = arith.addi %add3A_262, %convert_element_type3A_275 : vector<16xi32>
        %add3A_277 = arith.constant 9 : i32
        %add3A_278 = vector.broadcast %add3A_277 : i32 to vector<16xi32>
        %add3A_279 = arith.addi %iota3A, %add3A_278 : vector<16xi32>
        %and3A_280 = arith.constant 15 : i32
        %and3A_281 = vector.broadcast %and3A_280 : i32 to vector<16xi32>
        %and3A_282 = arith.andi %add3A_279, %and3A_281 : vector<16xi32>
        %add3A_283 = vector.broadcast %mul3A_154 : i32 to vector<16xi32>
        %add3A_284 = arith.addi %add3A_283, %and3A_282 : vector<16xi32>
        %gather3A_285 = tpu.vector_load_idx %arg4[%add3A_136, %add3A_284] : memref<32x1024xi32, #tpu.memory_space<vmem>>[vector<16xi32>, vector<16xi32>], vector<16xi32>,
        %eq3A_286 = arith.constant 1 : i32
        %eq3A_287 = vector.broadcast %eq3A_286 : i32 to vector<16xi32>
        %eq3A_288 = arith.cmpi eq, %gather3A_285, %eq3A_287 : vector<16xi32>
        %convert_element_type3A_289 = arith.extui %eq3A_288 : vector<16xi1> to vector<16xi32>
        %add3A_290 = arith.addi %add3A_276, %convert_element_type3A_289 : vector<16xi32>
        %add3A_291 = arith.constant 10 : i32
        %add3A_292 = vector.broadcast %add3A_291 : i32 to vector<16xi32>
        %add3A_293 = arith.addi %iota3A, %add3A_292 : vector<16xi32>
        %and3A_294 = arith.constant 15 : i32
        %and3A_295 = vector.broadcast %and3A_294 : i32 to vector<16xi32>
        %and3A_296 = arith.andi %add3A_293, %and3A_295 : vector<16xi32>
        %add3A_297 = vector.broadcast %mul3A_154 : i32 to vector<16xi32>
        %add3A_298 = arith.addi %add3A_297, %and3A_296 : vector<16xi32>
        %gather3A_299 = tpu.vector_load_idx %arg4[%add3A_136, %add3A_298] : memref<32x1024xi32, #tpu.memory_space<vmem>>[vector<16xi32>, vector<16xi32>], vector<16xi32>,
        %eq3A_300 = arith.constant 1 : i32
        %eq3A_301 = vector.broadcast %eq3A_300 : i32 to vector<16xi32>
        %eq3A_302 = arith.cmpi eq, %gather3A_299, %eq3A_301 : vector<16xi32>
        %convert_element_type3A_303 = arith.extui %eq3A_302 : vector<16xi1> to vector<16xi32>
        %add3A_304 = arith.addi %add3A_290, %convert_element_type3A_303 : vector<16xi32>
        %add3A_305 = arith.constant 11 : i32
        %add3A_306 = vector.broadcast %add3A_305 : i32 to vector<16xi32>
        %add3A_307 = arith.addi %iota3A, %add3A_306 : vector<16xi32>
        %and3A_308 = arith.constant 15 : i32
        %and3A_309 = vector.broadcast %and3A_308 : i32 to vector<16xi32>
        %and3A_310 = arith.andi %add3A_307, %and3A_309 : vector<16xi32>
        %add3A_311 = vector.broadcast %mul3A_154 : i32 to vector<16xi32>
        %add3A_312 = arith.addi %add3A_311, %and3A_310 : vector<16xi32>
        %gather3A_313 = tpu.vector_load_idx %arg4[%add3A_136, %add3A_312] : memref<32x1024xi32, #tpu.memory_space<vmem>>[vector<16xi32>, vector<16xi32>], vector<16xi32>,
        %eq3A_314 = arith.constant 1 : i32
        %eq3A_315 = vector.broadcast %eq3A_314 : i32 to vector<16xi32>
        %eq3A_316 = arith.cmpi eq, %gather3A_313, %eq3A_315 : vector<16xi32>
        %convert_element_type3A_317 = arith.extui %eq3A_316 : vector<16xi1> to vector<16xi32>
        %add3A_318 = arith.addi %add3A_304, %convert_element_type3A_317 : vector<16xi32>
        %add3A_319 = arith.constant 12 : i32
        %add3A_320 = vector.broadcast %add3A_319 : i32 to vector<16xi32>
        %add3A_321 = arith.addi %iota3A, %add3A_320 : vector<16xi32>
        %and3A_322 = arith.constant 15 : i32
        %and3A_323 = vector.broadcast %and3A_322 : i32 to vector<16xi32>
        %and3A_324 = arith.andi %add3A_321, %and3A_323 : vector<16xi32>
        %add3A_325 = vector.broadcast %mul3A_154 : i32 to vector<16xi32>
        %add3A_326 = arith.addi %add3A_325, %and3A_324 : vector<16xi32>
        %gather3A_327 = tpu.vector_load_idx %arg4[%add3A_136, %add3A_326] : memref<32x1024xi32, #tpu.memory_space<vmem>>[vector<16xi32>, vector<16xi32>], vector<16xi32>,
        %eq3A_328 = arith.constant 1 : i32
        %eq3A_329 = vector.broadcast %eq3A_328 : i32 to vector<16xi32>
        %eq3A_330 = arith.cmpi eq, %gather3A_327, %eq3A_329 : vector<16xi32>
        %convert_element_type3A_331 = arith.extui %eq3A_330 : vector<16xi1> to vector<16xi32>
        %add3A_332 = arith.addi %add3A_318, %convert_element_type3A_331 : vector<16xi32>
        %add3A_333 = arith.constant 13 : i32
        %add3A_334 = vector.broadcast %add3A_333 : i32 to vector<16xi32>
        %add3A_335 = arith.addi %iota3A, %add3A_334 : vector<16xi32>
        %and3A_336 = arith.constant 15 : i32
        %and3A_337 = vector.broadcast %and3A_336 : i32 to vector<16xi32>
        %and3A_338 = arith.andi %add3A_335, %and3A_337 : vector<16xi32>
        %add3A_339 = vector.broadcast %mul3A_154 : i32 to vector<16xi32>
        %add3A_340 = arith.addi %add3A_339, %and3A_338 : vector<16xi32>
        %gather3A_341 = tpu.vector_load_idx %arg4[%add3A_136, %add3A_340] : memref<32x1024xi32, #tpu.memory_space<vmem>>[vector<16xi32>, vector<16xi32>], vector<16xi32>,
        %eq3A_342 = arith.constant 1 : i32
        %eq3A_343 = vector.broadcast %eq3A_342 : i32 to vector<16xi32>
        %eq3A_344 = arith.cmpi eq, %gather3A_341, %eq3A_343 : vector<16xi32>
        %convert_element_type3A_345 = arith.extui %eq3A_344 : vector<16xi1> to vector<16xi32>
        %add3A_346 = arith.addi %add3A_332, %convert_element_type3A_345 : vector<16xi32>
        %add3A_347 = arith.constant 14 : i32
        %add3A_348 = vector.broadcast %add3A_347 : i32 to vector<16xi32>
        %add3A_349 = arith.addi %iota3A, %add3A_348 : vector<16xi32>
        %and3A_350 = arith.constant 15 : i32
        %and3A_351 = vector.broadcast %and3A_350 : i32 to vector<16xi32>
        %and3A_352 = arith.andi %add3A_349, %and3A_351 : vector<16xi32>
        %add3A_353 = vector.broadcast %mul3A_154 : i32 to vector<16xi32>
        %add3A_354 = arith.addi %add3A_353, %and3A_352 : vector<16xi32>
        %gather3A_355 = tpu.vector_load_idx %arg4[%add3A_136, %add3A_354] : memref<32x1024xi32, #tpu.memory_space<vmem>>[vector<16xi32>, vector<16xi32>], vector<16xi32>,
        %eq3A_356 = arith.constant 1 : i32
        %eq3A_357 = vector.broadcast %eq3A_356 : i32 to vector<16xi32>
        %eq3A_358 = arith.cmpi eq, %gather3A_355, %eq3A_357 : vector<16xi32>
        %convert_element_type3A_359 = arith.extui %eq3A_358 : vector<16xi1> to vector<16xi32>
        %add3A_360 = arith.addi %add3A_346, %convert_element_type3A_359 : vector<16xi32>
        %add3A_361 = arith.constant 15 : i32
        %add3A_362 = vector.broadcast %add3A_361 : i32 to vector<16xi32>
        %add3A_363 = arith.addi %iota3A, %add3A_362 : vector<16xi32>
        %and3A_364 = arith.constant 15 : i32
        %and3A_365 = vector.broadcast %and3A_364 : i32 to vector<16xi32>
        %and3A_366 = arith.andi %add3A_363, %and3A_365 : vector<16xi32>
        %add3A_367 = vector.broadcast %mul3A_154 : i32 to vector<16xi32>
        %add3A_368 = arith.addi %add3A_367, %and3A_366 : vector<16xi32>
        %gather3A_369 = tpu.vector_load_idx %arg4[%add3A_136, %add3A_368] : memref<32x1024xi32, #tpu.memory_space<vmem>>[vector<16xi32>, vector<16xi32>], vector<16xi32>,
        %eq3A_370 = arith.constant 1 : i32
        %eq3A_371 = vector.broadcast %eq3A_370 : i32 to vector<16xi32>
        %eq3A_372 = arith.cmpi eq, %gather3A_369, %eq3A_371 : vector<16xi32>
        %convert_element_type3A_373 = arith.extui %eq3A_372 : vector<16xi1> to vector<16xi32>
        %add3A_374 = arith.addi %add3A_360, %convert_element_type3A_373 : vector<16xi32>
        scf.yield %add3A_374 : vector<16xi32>
      }
      %scan3A_143 = arith.constant 64 : i32
      %min3A = arith.constant 511 : i32
      %min3A_144 = vector.broadcast %min3A : i32 to vector<16xi32>
      %min3A_145 = arith.minsi %scan3A_142, %min3A_144 : vector<16xi32>
      %mul3A_146 = arith.constant 16 : i32
      %mul3A_147 = arith.muli %scan3A_132, %mul3A_146 : i32
      %add3A_148 = arith.constant 192 : i32
      %add3A_149 = arith.addi %add3A_148, %mul3A_147 : i32
      %swap3A = arith.index_cast %add3A_149 : i32 to index
      %swap3A_150 = tpu.vector_load %arg6[%swap3A] {strides = array<i32>} : memref<256xi32, #tpu.memory_space<vmem>>, vector<16xi32>,
      tpu.vector_store %arg6[%swap3A], %min3A_145 {strides = array<i32>} : memref<256xi32, #tpu.memory_space<vmem>>, vector<16xi32>,
    }
    %scan3A_121 = arith.constant 2 : i32
    %dma_wait3A_122 = arith.constant 0 : i32
    %dma_wait3A_123 = tpu.memref_slice %arg2[%add3A_107, %dma_wait3A_122] : memref<8192x1024xi32, #tpu.memory_space<hbm>> -> memref<32x1024xi32, #tpu.memory_space<hbm>>
    %dma_wait3A_124 = arith.constant 0 : i32
    %dma_wait3A_125 = tpu.memref_slice %arg2[%add3A_107, %dma_wait3A_124] : memref<8192x1024xi32, #tpu.memory_space<hbm>> -> memref<32x1024xi32, #tpu.memory_space<hbm>>
    tpu.wait_dma2 semaphore(%arg8 : memref<!tpu.dma_semaphore, #tpu.memory_space<semaphore_mem>>) src(%dma_wait3A_125 : memref<32x1024xi32, #tpu.memory_space<hbm>>) dst(%arg5 : memref<32x1024xi32, #tpu.memory_space<vmem>>)
    %scan3A_126 = arith.constant 0 : i32
    %scan3A_127 = arith.constant 0 : i32
    %scan3A_128 = arith.constant 2 : i32
    %scan3A_129 = arith.addi %scan3A_127, %scan3A_128 : i32
    %scan3A_130 = arith.constant 1 : i32
    scf.for %scan3A_132 = %scan3A_127 to %scan3A_129 step %scan3A_130  : i32 {
      %mul3A_133 = arith.constant 16 : i32
      %mul3A_134 = arith.muli %scan3A_132, %mul3A_133 : i32
      %add3A_135 = vector.broadcast %mul3A_134 : i32 to vector<16xi32>
      %add3A_136 = arith.addi %add3A_135, %iota3A : vector<16xi32>
      %broadcast_in_dim3A = arith.constant 0 : i32
      %broadcast_in_dim3A_137 = vector.broadcast %broadcast_in_dim3A : i32 to vector<16xi32>
      %scan3A_138 = arith.constant 0 : i32
      %scan3A_139 = arith.constant 64 : i32
      %scan3A_140 = arith.addi %scan3A_138, %scan3A_139 : i32
      %scan3A_141 = arith.constant 1 : i32
      %scan3A_142 = scf.for %scan3A_151 = %scan3A_138 to %scan3A_140 step %scan3A_141 iter_args(%scan3A_152 = %broadcast_in_dim3A_137) -> (vector<16xi32>)  : i32 {
        %mul3A_153 = arith.constant 16 : i32
        %mul3A_154 = arith.muli %scan3A_151, %mul3A_153 : i32
        %add3A_155 = arith.constant 0 : i32
        %add3A_156 = vector.broadcast %add3A_155 : i32 to vector<16xi32>
        %add3A_157 = arith.addi %iota3A, %add3A_156 : vector<16xi32>
        %and3A = arith.constant 15 : i32
        %and3A_158 = vector.broadcast %and3A : i32 to vector<16xi32>
        %and3A_159 = arith.andi %add3A_157, %and3A_158 : vector<16xi32>
        %add3A_160 = vector.broadcast %mul3A_154 : i32 to vector<16xi32>
        %add3A_161 = arith.addi %add3A_160, %and3A_159 : vector<16xi32>
        %gather3A = tpu.vector_load_idx %arg5[%add3A_136, %add3A_161] : memref<32x1024xi32, #tpu.memory_space<vmem>>[vector<16xi32>, vector<16xi32>], vector<16xi32>,
        %eq3A = arith.constant 1 : i32
        %eq3A_162 = vector.broadcast %eq3A : i32 to vector<16xi32>
        %eq3A_163 = arith.cmpi eq, %gather3A, %eq3A_162 : vector<16xi32>
        %convert_element_type3A = arith.extui %eq3A_163 : vector<16xi1> to vector<16xi32>
        %add3A_164 = arith.addi %scan3A_152, %convert_element_type3A : vector<16xi32>
        %add3A_165 = arith.constant 1 : i32
        %add3A_166 = vector.broadcast %add3A_165 : i32 to vector<16xi32>
        %add3A_167 = arith.addi %iota3A, %add3A_166 : vector<16xi32>
        %and3A_168 = arith.constant 15 : i32
        %and3A_169 = vector.broadcast %and3A_168 : i32 to vector<16xi32>
        %and3A_170 = arith.andi %add3A_167, %and3A_169 : vector<16xi32>
        %add3A_171 = vector.broadcast %mul3A_154 : i32 to vector<16xi32>
        %add3A_172 = arith.addi %add3A_171, %and3A_170 : vector<16xi32>
        %gather3A_173 = tpu.vector_load_idx %arg5[%add3A_136, %add3A_172] : memref<32x1024xi32, #tpu.memory_space<vmem>>[vector<16xi32>, vector<16xi32>], vector<16xi32>,
        %eq3A_174 = arith.constant 1 : i32
        %eq3A_175 = vector.broadcast %eq3A_174 : i32 to vector<16xi32>
        %eq3A_176 = arith.cmpi eq, %gather3A_173, %eq3A_175 : vector<16xi32>
        %convert_element_type3A_177 = arith.extui %eq3A_176 : vector<16xi1> to vector<16xi32>
        %add3A_178 = arith.addi %add3A_164, %convert_element_type3A_177 : vector<16xi32>
        %add3A_179 = arith.constant 2 : i32
        %add3A_180 = vector.broadcast %add3A_179 : i32 to vector<16xi32>
        %add3A_181 = arith.addi %iota3A, %add3A_180 : vector<16xi32>
        %and3A_182 = arith.constant 15 : i32
        %and3A_183 = vector.broadcast %and3A_182 : i32 to vector<16xi32>
        %and3A_184 = arith.andi %add3A_181, %and3A_183 : vector<16xi32>
        %add3A_185 = vector.broadcast %mul3A_154 : i32 to vector<16xi32>
        %add3A_186 = arith.addi %add3A_185, %and3A_184 : vector<16xi32>
        %gather3A_187 = tpu.vector_load_idx %arg5[%add3A_136, %add3A_186] : memref<32x1024xi32, #tpu.memory_space<vmem>>[vector<16xi32>, vector<16xi32>], vector<16xi32>,
        %eq3A_188 = arith.constant 1 : i32
        %eq3A_189 = vector.broadcast %eq3A_188 : i32 to vector<16xi32>
        %eq3A_190 = arith.cmpi eq, %gather3A_187, %eq3A_189 : vector<16xi32>
        %convert_element_type3A_191 = arith.extui %eq3A_190 : vector<16xi1> to vector<16xi32>
        %add3A_192 = arith.addi %add3A_178, %convert_element_type3A_191 : vector<16xi32>
        %add3A_193 = arith.constant 3 : i32
        %add3A_194 = vector.broadcast %add3A_193 : i32 to vector<16xi32>
        %add3A_195 = arith.addi %iota3A, %add3A_194 : vector<16xi32>
        %and3A_196 = arith.constant 15 : i32
        %and3A_197 = vector.broadcast %and3A_196 : i32 to vector<16xi32>
        %and3A_198 = arith.andi %add3A_195, %and3A_197 : vector<16xi32>
        %add3A_199 = vector.broadcast %mul3A_154 : i32 to vector<16xi32>
        %add3A_200 = arith.addi %add3A_199, %and3A_198 : vector<16xi32>
        %gather3A_201 = tpu.vector_load_idx %arg5[%add3A_136, %add3A_200] : memref<32x1024xi32, #tpu.memory_space<vmem>>[vector<16xi32>, vector<16xi32>], vector<16xi32>,
        %eq3A_202 = arith.constant 1 : i32
        %eq3A_203 = vector.broadcast %eq3A_202 : i32 to vector<16xi32>
        %eq3A_204 = arith.cmpi eq, %gather3A_201, %eq3A_203 : vector<16xi32>
        %convert_element_type3A_205 = arith.extui %eq3A_204 : vector<16xi1> to vector<16xi32>
        %add3A_206 = arith.addi %add3A_192, %convert_element_type3A_205 : vector<16xi32>
        %add3A_207 = arith.constant 4 : i32
        %add3A_208 = vector.broadcast %add3A_207 : i32 to vector<16xi32>
        %add3A_209 = arith.addi %iota3A, %add3A_208 : vector<16xi32>
        %and3A_210 = arith.constant 15 : i32
        %and3A_211 = vector.broadcast %and3A_210 : i32 to vector<16xi32>
        %and3A_212 = arith.andi %add3A_209, %and3A_211 : vector<16xi32>
        %add3A_213 = vector.broadcast %mul3A_154 : i32 to vector<16xi32>
        %add3A_214 = arith.addi %add3A_213, %and3A_212 : vector<16xi32>
        %gather3A_215 = tpu.vector_load_idx %arg5[%add3A_136, %add3A_214] : memref<32x1024xi32, #tpu.memory_space<vmem>>[vector<16xi32>, vector<16xi32>], vector<16xi32>,
        %eq3A_216 = arith.constant 1 : i32
        %eq3A_217 = vector.broadcast %eq3A_216 : i32 to vector<16xi32>
        %eq3A_218 = arith.cmpi eq, %gather3A_215, %eq3A_217 : vector<16xi32>
        %convert_element_type3A_219 = arith.extui %eq3A_218 : vector<16xi1> to vector<16xi32>
        %add3A_220 = arith.addi %add3A_206, %convert_element_type3A_219 : vector<16xi32>
        %add3A_221 = arith.constant 5 : i32
        %add3A_222 = vector.broadcast %add3A_221 : i32 to vector<16xi32>
        %add3A_223 = arith.addi %iota3A, %add3A_222 : vector<16xi32>
        %and3A_224 = arith.constant 15 : i32
        %and3A_225 = vector.broadcast %and3A_224 : i32 to vector<16xi32>
        %and3A_226 = arith.andi %add3A_223, %and3A_225 : vector<16xi32>
        %add3A_227 = vector.broadcast %mul3A_154 : i32 to vector<16xi32>
        %add3A_228 = arith.addi %add3A_227, %and3A_226 : vector<16xi32>
        %gather3A_229 = tpu.vector_load_idx %arg5[%add3A_136, %add3A_228] : memref<32x1024xi32, #tpu.memory_space<vmem>>[vector<16xi32>, vector<16xi32>], vector<16xi32>,
        %eq3A_230 = arith.constant 1 : i32
        %eq3A_231 = vector.broadcast %eq3A_230 : i32 to vector<16xi32>
        %eq3A_232 = arith.cmpi eq, %gather3A_229, %eq3A_231 : vector<16xi32>
        %convert_element_type3A_233 = arith.extui %eq3A_232 : vector<16xi1> to vector<16xi32>
        %add3A_234 = arith.addi %add3A_220, %convert_element_type3A_233 : vector<16xi32>
        %add3A_235 = arith.constant 6 : i32
        %add3A_236 = vector.broadcast %add3A_235 : i32 to vector<16xi32>
        %add3A_237 = arith.addi %iota3A, %add3A_236 : vector<16xi32>
        %and3A_238 = arith.constant 15 : i32
        %and3A_239 = vector.broadcast %and3A_238 : i32 to vector<16xi32>
        %and3A_240 = arith.andi %add3A_237, %and3A_239 : vector<16xi32>
        %add3A_241 = vector.broadcast %mul3A_154 : i32 to vector<16xi32>
        %add3A_242 = arith.addi %add3A_241, %and3A_240 : vector<16xi32>
        %gather3A_243 = tpu.vector_load_idx %arg5[%add3A_136, %add3A_242] : memref<32x1024xi32, #tpu.memory_space<vmem>>[vector<16xi32>, vector<16xi32>], vector<16xi32>,
        %eq3A_244 = arith.constant 1 : i32
        %eq3A_245 = vector.broadcast %eq3A_244 : i32 to vector<16xi32>
        %eq3A_246 = arith.cmpi eq, %gather3A_243, %eq3A_245 : vector<16xi32>
        %convert_element_type3A_247 = arith.extui %eq3A_246 : vector<16xi1> to vector<16xi32>
        %add3A_248 = arith.addi %add3A_234, %convert_element_type3A_247 : vector<16xi32>
        %add3A_249 = arith.constant 7 : i32
        %add3A_250 = vector.broadcast %add3A_249 : i32 to vector<16xi32>
        %add3A_251 = arith.addi %iota3A, %add3A_250 : vector<16xi32>
        %and3A_252 = arith.constant 15 : i32
        %and3A_253 = vector.broadcast %and3A_252 : i32 to vector<16xi32>
        %and3A_254 = arith.andi %add3A_251, %and3A_253 : vector<16xi32>
        %add3A_255 = vector.broadcast %mul3A_154 : i32 to vector<16xi32>
        %add3A_256 = arith.addi %add3A_255, %and3A_254 : vector<16xi32>
        %gather3A_257 = tpu.vector_load_idx %arg5[%add3A_136, %add3A_256] : memref<32x1024xi32, #tpu.memory_space<vmem>>[vector<16xi32>, vector<16xi32>], vector<16xi32>,
        %eq3A_258 = arith.constant 1 : i32
        %eq3A_259 = vector.broadcast %eq3A_258 : i32 to vector<16xi32>
        %eq3A_260 = arith.cmpi eq, %gather3A_257, %eq3A_259 : vector<16xi32>
        %convert_element_type3A_261 = arith.extui %eq3A_260 : vector<16xi1> to vector<16xi32>
        %add3A_262 = arith.addi %add3A_248, %convert_element_type3A_261 : vector<16xi32>
        %add3A_263 = arith.constant 8 : i32
        %add3A_264 = vector.broadcast %add3A_263 : i32 to vector<16xi32>
        %add3A_265 = arith.addi %iota3A, %add3A_264 : vector<16xi32>
        %and3A_266 = arith.constant 15 : i32
        %and3A_267 = vector.broadcast %and3A_266 : i32 to vector<16xi32>
        %and3A_268 = arith.andi %add3A_265, %and3A_267 : vector<16xi32>
        %add3A_269 = vector.broadcast %mul3A_154 : i32 to vector<16xi32>
        %add3A_270 = arith.addi %add3A_269, %and3A_268 : vector<16xi32>
        %gather3A_271 = tpu.vector_load_idx %arg5[%add3A_136, %add3A_270] : memref<32x1024xi32, #tpu.memory_space<vmem>>[vector<16xi32>, vector<16xi32>], vector<16xi32>,
        %eq3A_272 = arith.constant 1 : i32
        %eq3A_273 = vector.broadcast %eq3A_272 : i32 to vector<16xi32>
        %eq3A_274 = arith.cmpi eq, %gather3A_271, %eq3A_273 : vector<16xi32>
        %convert_element_type3A_275 = arith.extui %eq3A_274 : vector<16xi1> to vector<16xi32>
        %add3A_276 = arith.addi %add3A_262, %convert_element_type3A_275 : vector<16xi32>
        %add3A_277 = arith.constant 9 : i32
        %add3A_278 = vector.broadcast %add3A_277 : i32 to vector<16xi32>
        %add3A_279 = arith.addi %iota3A, %add3A_278 : vector<16xi32>
        %and3A_280 = arith.constant 15 : i32
        %and3A_281 = vector.broadcast %and3A_280 : i32 to vector<16xi32>
        %and3A_282 = arith.andi %add3A_279, %and3A_281 : vector<16xi32>
        %add3A_283 = vector.broadcast %mul3A_154 : i32 to vector<16xi32>
        %add3A_284 = arith.addi %add3A_283, %and3A_282 : vector<16xi32>
        %gather3A_285 = tpu.vector_load_idx %arg5[%add3A_136, %add3A_284] : memref<32x1024xi32, #tpu.memory_space<vmem>>[vector<16xi32>, vector<16xi32>], vector<16xi32>,
        %eq3A_286 = arith.constant 1 : i32
        %eq3A_287 = vector.broadcast %eq3A_286 : i32 to vector<16xi32>
        %eq3A_288 = arith.cmpi eq, %gather3A_285, %eq3A_287 : vector<16xi32>
        %convert_element_type3A_289 = arith.extui %eq3A_288 : vector<16xi1> to vector<16xi32>
        %add3A_290 = arith.addi %add3A_276, %convert_element_type3A_289 : vector<16xi32>
        %add3A_291 = arith.constant 10 : i32
        %add3A_292 = vector.broadcast %add3A_291 : i32 to vector<16xi32>
        %add3A_293 = arith.addi %iota3A, %add3A_292 : vector<16xi32>
        %and3A_294 = arith.constant 15 : i32
        %and3A_295 = vector.broadcast %and3A_294 : i32 to vector<16xi32>
        %and3A_296 = arith.andi %add3A_293, %and3A_295 : vector<16xi32>
        %add3A_297 = vector.broadcast %mul3A_154 : i32 to vector<16xi32>
        %add3A_298 = arith.addi %add3A_297, %and3A_296 : vector<16xi32>
        %gather3A_299 = tpu.vector_load_idx %arg5[%add3A_136, %add3A_298] : memref<32x1024xi32, #tpu.memory_space<vmem>>[vector<16xi32>, vector<16xi32>], vector<16xi32>,
        %eq3A_300 = arith.constant 1 : i32
        %eq3A_301 = vector.broadcast %eq3A_300 : i32 to vector<16xi32>
        %eq3A_302 = arith.cmpi eq, %gather3A_299, %eq3A_301 : vector<16xi32>
        %convert_element_type3A_303 = arith.extui %eq3A_302 : vector<16xi1> to vector<16xi32>
        %add3A_304 = arith.addi %add3A_290, %convert_element_type3A_303 : vector<16xi32>
        %add3A_305 = arith.constant 11 : i32
        %add3A_306 = vector.broadcast %add3A_305 : i32 to vector<16xi32>
        %add3A_307 = arith.addi %iota3A, %add3A_306 : vector<16xi32>
        %and3A_308 = arith.constant 15 : i32
        %and3A_309 = vector.broadcast %and3A_308 : i32 to vector<16xi32>
        %and3A_310 = arith.andi %add3A_307, %and3A_309 : vector<16xi32>
        %add3A_311 = vector.broadcast %mul3A_154 : i32 to vector<16xi32>
        %add3A_312 = arith.addi %add3A_311, %and3A_310 : vector<16xi32>
        %gather3A_313 = tpu.vector_load_idx %arg5[%add3A_136, %add3A_312] : memref<32x1024xi32, #tpu.memory_space<vmem>>[vector<16xi32>, vector<16xi32>], vector<16xi32>,
        %eq3A_314 = arith.constant 1 : i32
        %eq3A_315 = vector.broadcast %eq3A_314 : i32 to vector<16xi32>
        %eq3A_316 = arith.cmpi eq, %gather3A_313, %eq3A_315 : vector<16xi32>
        %convert_element_type3A_317 = arith.extui %eq3A_316 : vector<16xi1> to vector<16xi32>
        %add3A_318 = arith.addi %add3A_304, %convert_element_type3A_317 : vector<16xi32>
        %add3A_319 = arith.constant 12 : i32
        %add3A_320 = vector.broadcast %add3A_319 : i32 to vector<16xi32>
        %add3A_321 = arith.addi %iota3A, %add3A_320 : vector<16xi32>
        %and3A_322 = arith.constant 15 : i32
        %and3A_323 = vector.broadcast %and3A_322 : i32 to vector<16xi32>
        %and3A_324 = arith.andi %add3A_321, %and3A_323 : vector<16xi32>
        %add3A_325 = vector.broadcast %mul3A_154 : i32 to vector<16xi32>
        %add3A_326 = arith.addi %add3A_325, %and3A_324 : vector<16xi32>
        %gather3A_327 = tpu.vector_load_idx %arg5[%add3A_136, %add3A_326] : memref<32x1024xi32, #tpu.memory_space<vmem>>[vector<16xi32>, vector<16xi32>], vector<16xi32>,
        %eq3A_328 = arith.constant 1 : i32
        %eq3A_329 = vector.broadcast %eq3A_328 : i32 to vector<16xi32>
        %eq3A_330 = arith.cmpi eq, %gather3A_327, %eq3A_329 : vector<16xi32>
        %convert_element_type3A_331 = arith.extui %eq3A_330 : vector<16xi1> to vector<16xi32>
        %add3A_332 = arith.addi %add3A_318, %convert_element_type3A_331 : vector<16xi32>
        %add3A_333 = arith.constant 13 : i32
        %add3A_334 = vector.broadcast %add3A_333 : i32 to vector<16xi32>
        %add3A_335 = arith.addi %iota3A, %add3A_334 : vector<16xi32>
        %and3A_336 = arith.constant 15 : i32
        %and3A_337 = vector.broadcast %and3A_336 : i32 to vector<16xi32>
        %and3A_338 = arith.andi %add3A_335, %and3A_337 : vector<16xi32>
        %add3A_339 = vector.broadcast %mul3A_154 : i32 to vector<16xi32>
        %add3A_340 = arith.addi %add3A_339, %and3A_338 : vector<16xi32>
        %gather3A_341 = tpu.vector_load_idx %arg5[%add3A_136, %add3A_340] : memref<32x1024xi32, #tpu.memory_space<vmem>>[vector<16xi32>, vector<16xi32>], vector<16xi32>,
        %eq3A_342 = arith.constant 1 : i32
        %eq3A_343 = vector.broadcast %eq3A_342 : i32 to vector<16xi32>
        %eq3A_344 = arith.cmpi eq, %gather3A_341, %eq3A_343 : vector<16xi32>
        %convert_element_type3A_345 = arith.extui %eq3A_344 : vector<16xi1> to vector<16xi32>
        %add3A_346 = arith.addi %add3A_332, %convert_element_type3A_345 : vector<16xi32>
        %add3A_347 = arith.constant 14 : i32
        %add3A_348 = vector.broadcast %add3A_347 : i32 to vector<16xi32>
        %add3A_349 = arith.addi %iota3A, %add3A_348 : vector<16xi32>
        %and3A_350 = arith.constant 15 : i32
        %and3A_351 = vector.broadcast %and3A_350 : i32 to vector<16xi32>
        %and3A_352 = arith.andi %add3A_349, %and3A_351 : vector<16xi32>
        %add3A_353 = vector.broadcast %mul3A_154 : i32 to vector<16xi32>
        %add3A_354 = arith.addi %add3A_353, %and3A_352 : vector<16xi32>
        %gather3A_355 = tpu.vector_load_idx %arg5[%add3A_136, %add3A_354] : memref<32x1024xi32, #tpu.memory_space<vmem>>[vector<16xi32>, vector<16xi32>], vector<16xi32>,
        %eq3A_356 = arith.constant 1 : i32
        %eq3A_357 = vector.broadcast %eq3A_356 : i32 to vector<16xi32>
        %eq3A_358 = arith.cmpi eq, %gather3A_355, %eq3A_357 : vector<16xi32>
        %convert_element_type3A_359 = arith.extui %eq3A_358 : vector<16xi1> to vector<16xi32>
        %add3A_360 = arith.addi %add3A_346, %convert_element_type3A_359 : vector<16xi32>
        %add3A_361 = arith.constant 15 : i32
        %add3A_362 = vector.broadcast %add3A_361 : i32 to vector<16xi32>
        %add3A_363 = arith.addi %iota3A, %add3A_362 : vector<16xi32>
        %and3A_364 = arith.constant 15 : i32
        %and3A_365 = vector.broadcast %and3A_364 : i32 to vector<16xi32>
        %and3A_366 = arith.andi %add3A_363, %and3A_365 : vector<16xi32>
        %add3A_367 = vector.broadcast %mul3A_154 : i32 to vector<16xi32>
        %add3A_368 = arith.addi %add3A_367, %and3A_366 : vector<16xi32>
        %gather3A_369 = tpu.vector_load_idx %arg5[%add3A_136, %add3A_368] : memref<32x1024xi32, #tpu.memory_space<vmem>>[vector<16xi32>, vector<16xi32>], vector<16xi32>,
        %eq3A_370 = arith.constant 1 : i32
        %eq3A_371 = vector.broadcast %eq3A_370 : i32 to vector<16xi32>
        %eq3A_372 = arith.cmpi eq, %gather3A_369, %eq3A_371 : vector<16xi32>
        %convert_element_type3A_373 = arith.extui %eq3A_372 : vector<16xi1> to vector<16xi32>
        %add3A_374 = arith.addi %add3A_360, %convert_element_type3A_373 : vector<16xi32>
        scf.yield %add3A_374 : vector<16xi32>
      }
      %scan3A_143 = arith.constant 64 : i32
      %min3A = arith.constant 511 : i32
      %min3A_144 = vector.broadcast %min3A : i32 to vector<16xi32>
      %min3A_145 = arith.minsi %scan3A_142, %min3A_144 : vector<16xi32>
      %mul3A_146 = arith.constant 16 : i32
      %mul3A_147 = arith.muli %scan3A_132, %mul3A_146 : i32
      %add3A_148 = arith.constant 224 : i32
      %add3A_149 = arith.addi %add3A_148, %mul3A_147 : i32
      %swap3A = arith.index_cast %add3A_149 : i32 to index
      %swap3A_150 = tpu.vector_load %arg6[%swap3A] {strides = array<i32>} : memref<256xi32, #tpu.memory_space<vmem>>, vector<16xi32>,
      tpu.vector_store %arg6[%swap3A], %min3A_145 {strides = array<i32>} : memref<256xi32, #tpu.memory_space<vmem>>, vector<16xi32>,
    }
    %scan3A_131 = arith.constant 2 : i32
    "tpu.region"() ({
      %run_scoped3A = tpu.sem_alloc : memref<!tpu.dma_semaphore, #tpu.memory_space<semaphore_mem>>
      %dma_start3A_132 = tpu.memref_slice %arg3[%mul3A_2] : memref<8192xi32, #tpu.memory_space<hbm>> -> memref<256xi32, #tpu.memory_space<hbm>>
      %dma_start3A_133 = tpu.memref_slice %arg3[%mul3A_2] : memref<8192xi32, #tpu.memory_space<hbm>> -> memref<256xi32, #tpu.memory_space<hbm>>
      tpu.enqueue_dma source(%arg6 : memref<256xi32, #tpu.memory_space<vmem>>) target(%dma_start3A_133 : memref<256xi32, #tpu.memory_space<hbm>>) target_semaphore(%run_scoped3A : memref<!tpu.dma_semaphore, #tpu.memory_space<semaphore_mem>>)
      %dma_wait3A_134 = tpu.memref_slice %arg3[%mul3A_2] : memref<8192xi32, #tpu.memory_space<hbm>> -> memref<256xi32, #tpu.memory_space<hbm>>
      %dma_wait3A_135 = tpu.memref_slice %arg3[%mul3A_2] : memref<8192xi32, #tpu.memory_space<hbm>> -> memref<256xi32, #tpu.memory_space<hbm>>
      tpu.wait_dma2 semaphore(%run_scoped3A : memref<!tpu.dma_semaphore, #tpu.memory_space<semaphore_mem>>) src(%arg6 : memref<256xi32, #tpu.memory_space<vmem>>) dst(%dma_wait3A_135 : memref<256xi32, #tpu.memory_space<hbm>>)
      tpu.yield
    }) : () -> ()
    return
  }
}

module attributes {stable_mosaic.version = 14 : i64} {
  func.func @_lookup_body(%arg0: i32, %arg1: memref<1x1x4096xi32, #tpu.memory_space<vmem>>, %arg2: memref<512x512xf32, #tpu.memory_space<vmem>>, %arg3: memref<4096x512xf32, #tpu.memory_space<vmem>>) attributes {dimension_semantics = [#tpu.dimension_semantics<arbitrary>], iteration_bounds = array<i64: 2>, scalar_prefetch = 0 : i64, scratch_operands = 0 : i64, tpu.core_type = #tpu.core_type<tc>, window_params = [{transform_indices = @transform_0, window_bounds = array<i64: 1, 1, 4096>}, {pipeline_mode = #tpu.pipeline_mode<synchronous>, transform_indices = @transform_1, window_bounds = array<i64: 512, 512>}, {transform_indices = @transform_2, window_bounds = array<i64: 4096, 512>}]} {
    %get3A = arith.constant 0 : index
    %get3A_0 = arith.constant 0 : index
    %get3A_1 = arith.constant 0 : index
    %get3A_2 = vector.load %arg1[%get3A, %get3A_0, %get3A_1] : memref<1x1x4096xi32, #tpu.memory_space<vmem>>, vector<1x1x4096xi32>
    %reshape3A = vector.shape_cast %get3A_2 : vector<1x1x4096xi32> to vector<4096x1xi32>
    %iota3A = tpu.iota {dimensions = array<i32: 1>} : vector<4096x512xi32>
    %eq3A = vector.broadcast %reshape3A : vector<4096x1xi32> to vector<4096x512xi32>
    %eq3A_3 = arith.cmpi eq, %iota3A, %eq3A : vector<4096x512xi32>
    %convert_element_type3A = arith.extui %eq3A_3 : vector<4096x512xi1> to vector<4096x512xi32>
    %convert_element_type3A_4 = arith.sitofp %convert_element_type3A : vector<4096x512xi32> to vector<4096x512xf32>
    %get3A_5 = arith.constant 0 : index
    %get3A_6 = arith.constant 0 : index
    %get3A_7 = vector.load %arg2[%get3A_5, %get3A_6] : memref<512x512xf32, #tpu.memory_space<vmem>>, vector<512x512xf32>
    %dot_general3A = arith.constant dense<0.000000e+00> : vector<4096x512xf32>
    %dot_general3A_8 = tpu.matmul %convert_element_type3A_4, %get3A_7, %dot_general3A {dimension_numbers = #tpu.dot_dimension_numbers<[1], [0], [0], [1], [0, 0, 1, 1], [], []>, transpose_lhs_hint = false} : vector<4096x512xf32>, vector<512x512xf32>, vector<4096x512xf32> -> vector<4096x512xf32>
    %swap3A = arith.constant 0 : index
    %swap3A_9 = arith.constant 0 : index
    %swap3A_10 = vector.load %arg3[%swap3A, %swap3A_9] : memref<4096x512xf32, #tpu.memory_space<vmem>>, vector<4096x512xf32>
    tpu.vector_store %arg3[%swap3A, %swap3A_9], %dot_general3A_8 {strides = array<i32>} : memref<4096x512xf32, #tpu.memory_space<vmem>>, vector<4096x512xf32>,
    return
  }
  func.func @transform_0(%arg0: i32) -> (i32, i32, i32) {
    %c0_i32 = arith.constant 0 : i32
    %c0_i32_0 = arith.constant 0 : i32
    %c0_i32_1 = arith.constant 0 : i32
    return %arg0, %c0_i32, %c0_i32_0 : i32, i32, i32
  }
  func.func @transform_1(%arg0: i32) -> (i32, i32) {
    %c0_i32 = arith.constant 0 : i32
    %c0_i32_0 = arith.constant 0 : i32
    %c0_i32_1 = arith.constant 0 : i32
    return %c0_i32, %c0_i32_0 : i32, i32
  }
  func.func @transform_2(%arg0: i32) -> (i32, i32) {
    %c0_i32 = arith.constant 0 : i32
    %c0_i32_0 = arith.constant 0 : i32
    return %arg0, %c0_i32 : i32, i32
  }
}

</mosaic_0001>

<sc_bundles>
// kernel: kernel.4.cloned.1.call-start
scs
__scs_entry_jumppad:
0x0: {  	(pc) =	sbr.rel $0x88, $3  }
0x1: {  	(tag) =	ssettag $0x0;
	lr =	simm.s32 $0x1  }
0x2: {  	[smem:$0x3F9F] =	sst lr;
	_ =	strace $0xD0000000  }
0x3: {  	_ = 	snop  }
0x4: {  	_ = 	snop  }
0x5: {  	_ = 	snop  }
0x6: {  	_ = 	snop  }
0x7: {  	_ = 	snop  }
__scs_overlays_trampoline_lowered:
0x8: {  	[smem:$0x3FAE] =	sst s0  }
0x9: {  	[smem:$0x3FAF] =	sst s1  }
0xa: {  	[smem:$0x3FB0] =	sst s2  }
0xb: {  	[smem:$0x3FB1] =	sst s3  }
0xc: {  	[smem:$0x3FB2] =	sst s4  }
0xd: {  	[smem:$0x3FB3] =	sst s5  }
0xe: {  	[smem:$0x3FB4] =	sst s6  }
0xf: {  	[smem:$0x3FB5] =	sst s7  }
0x10: {  	[smem:$0x3FB6] =	sst s8  }
0x11: {  	[smem:$0x3FB7] =	sst s9;
	s0 =	simm.s32 @!p0 $0x0  }
0x12: {  	s1 =	sld [smem:$0x3F9D];
	s0 =	simm.s32 @p0 $0x1  }
0x13: {  	[smem:$0x3FB8] =	sst s0;
	s0 =	simm.s32 @!p1 $0x0  }
0x14: {  	s2 =	sld [smem:$0x3F9C];
	s0 =	simm.s32 @p1 $0x1  }
0x15: {  	[smem:$0x3FB9] =	sst s0;
	s0 =	simm.s32 @!p2 $0x0  }
0x16: {  	s3 =	sld [smem:$0x3FDB];
	s0 =	simm.s32 @p2 $0x1  }
0x17: {  	s4 =	simm.s32 $0x1BF5;
	[smem:$0x3FBB] =	sst s0  }
0x18: {  	s0 =	sld [smem:$0x3F9E];
	_ =	swait.ge [sflag:s4], $0x0  }
0x19: {  	s7 =	sld [smem:$0x3F9F]  }
0x1a: {  	s8 =	sadd.s32 $0xFFFFE003, lr  }
0x1b: {  	s9 =	sadd.s32 $0xFFFFFEF7, lr;
	s5 =	simm.s32 $0xFFFFFFFF;
	p2 =	slt.u32 s8, $0xFFFFF086  }
0x1c: {  	p1 =	slt.u32 s9, $0xF7A;
	s5 =	simm.s32 @!p2 $0x0  }
0x1d: {  	s5 =	simm.s32 @p1 $0x1;
	p0 =	seq.s32 s7, s2  }
0x1e: {  	s7 =	smul.u32 @!p0 $0xF7A, s2;
	p2 =	seq.s32 @!p0 s5, $0x0  }
0x1f: {  	s9 =	smul.u32 $0xF7A, s1;
	s8 =	simm.s32 @!p0 $0x1BF5;
	p2 =	por !p2, p0  }
0x20: {  	[sflag:s8] =	ssyncset.s32 @!p0 $0xFFFFF086;
	s6 =	sadd.s32 @!p0 s3, s7;
	s7 =	simm.s32 @!p0 $0x108  }
0x21: {  	s3 =	sadd.s32 s3, s9;
	s6 =	sadd.s32 @!p0 $0x88, s6;
	s7 =	simm.s32 @p2 $0x1082  }
0x22: {  	[simem:s7], [sflag:s8] =	dma.local @!p0 [hbm:s6], $0xF7A  }
0x23: {  	s9 =	sor.u32 $0xD0000000, s2;
	s6 =	simm.s32 $0x108;
	_ =	swait.ge @!p0 [sflag:s8], $0x0  }
0x24: {  	s3 =	sadd.s32 $0x88, s3;
	s6 =	simm.s32 @!p1 $0x1082;
	[sflag:s4] =	ssyncset.s32 $0xFFFFF086  }
0x25: {  	[simem:s6], [sflag:s4] =	dma.local [hbm:s3], $0xF7A  }
0x26: {  	[smem:$0x3F9F] =	sst s1;
	(tag) =	ssettag s2;
	_ =	strace s9  }
0x27: {  	s1 =	sld [smem:$0x3FAF]  }
0x28: {  	s2 =	sld [smem:$0x3FB0]  }
0x29: {  	s4 =	sld [smem:$0x3FB2]  }
0x2a: {  	p0 =	seq.s32 s5, $0x0;
	s5 =	sld [smem:$0x3FB3]  }
0x2b: {  	s6 =	sld [smem:$0x3FB4]  }
0x2c: {  	s7 =	sld [smem:$0x3FB5]  }
0x2d: {  	s3 =	simm.s32 $0x108;
	s8 =	sld [smem:$0x3FB6]  }
0x2e: {  	s3 =	simm.s32 @!p0 $0x1082;
	s9 =	sld [smem:$0x3FB7]  }
0x2f: {  	lr =	sadd.s32 s0, s3;
	s0 =	sld [smem:$0x3FAE]  }
0x30: {  	s3 =	sld [smem:$0x3FB1]  }
0x31: {  	[smem:$0x3FBA] =	sst s10  }
0x32: {  	s10 =	sld [smem:$0x3FB8];
	_ =	sdelay $0x3  }
0x33: {  	p0 =	seq.s32 s10, $0x1;
	s10 =	sld [smem:$0x3FBA];
	_ =	sdelay $0x3  }
0x34: {  	[smem:$0x3FBA] =	sst s10  }
0x35: {  	s10 =	sld [smem:$0x3FB9];
	_ =	sdelay $0x3  }
0x36: {  	p1 =	seq.s32 s10, $0x1;
	s10 =	sld [smem:$0x3FBA];
	_ =	sdelay $0x3  }
0x37: {  	[smem:$0x3FBA] =	sst s10  }
0x38: {  	s10 =	sld [smem:$0x3FBB]  }
0x39: {  	_ = 	snop;
	(pc) =	sbr.ind lr, $3  }
0x3a: {  	_ = 	snop  }
0x3b: {  	_ = 	snop  }
0x3c: {  	p2 =	seq.s32 s10, $0x1;
	s10 =	sld [smem:$0x3FBA]  }
0x3d: {  	_ =	shalt  }
0x3e: {  	_ =	shalt  }
0x3f: {  	_ =	shalt  }
0x40: {  	_ =	shalt  }
0x41: {  	_ =	shalt  }
0x42: {  	_ =	shalt  }
0x43: {  	_ =	shalt  }
0x44: {  	_ =	shalt  }
0x45: {  	_ =	shalt  }
0x46: {  	_ =	shalt  }
0x47: {  	_ =	shalt  }
0x48: {  	_ =	shalt  }
0x49: {  	_ =	shalt  }
0x4a: {  	_ =	shalt  }
0x4b: {  	_ =	shalt  }
0x4c: {  	_ =	shalt  }
0x4d: {  	_ =	shalt  }
0x4e: {  	_ =	shalt  }
0x4f: {  	_ =	shalt  }
0x50: {  	_ =	shalt  }
0x51: {  	_ =	shalt  }
0x52: {  	_ =	shalt  }
0x53: {  	_ =	shalt  }
0x54: {  	_ =	shalt  }
0x55: {  	_ =	shalt  }
0x56: {  	_ =	shalt  }
0x57: {  	_ =	shalt  }
0x58: {  	_ =	shalt  }
0x59: {  	_ =	shalt  }
0x5a: {  	_ =	shalt  }
0x5b: {  	_ =	shalt  }
0x5c: {  	_ =	shalt  }
0x5d: {  	_ =	shalt  }
0x5e: {  	_ =	shalt  }
0x5f: {  	_ =	shalt  }
0x60: {  	_ =	shalt  }
0x61: {  	_ =	shalt  }
0x62: {  	_ =	shalt  }
0x63: {  	_ =	shalt  }
0x64: {  	_ =	shalt  }
0x65: {  	_ =	shalt  }
0x66: {  	_ =	shalt  }
0x67: {  	_ =	shalt  }
0x68: {  	_ =	shalt  }
0x69: {  	_ =	shalt  }
0x6a: {  	_ =	shalt  }
0x6b: {  	_ =	shalt  }
0x6c: {  	_ =	shalt  }
0x6d: {  	_ =	shalt  }
0x6e: {  	_ =	shalt  }
0x6f: {  	_ =	shalt  }
0x70: {  	_ =	shalt  }
0x71: {  	_ =	shalt  }
0x72: {  	_ =	shalt  }
0x73: {  	_ =	shalt  }
0x74: {  	_ =	shalt  }
0x75: {  	_ =	shalt  }
0x76: {  	_ =	shalt  }
0x77: {  	_ =	shalt  }
0x78: {  	_ =	shalt  }
0x79: {  	_ =	shalt  }
0x7a: {  	_ =	shalt  }
0x7b: {  	_ =	shalt  }
0x7c: {  	_ =	shalt  }
0x7d: {  	_ =	shalt  }
0x7e: {  	_ =	shalt  }
0x7f: {  	_ =	shalt  }
0x80: {  	_ =	shalt  }
0x81: {  	_ =	shalt  }
0x82: {  	_ =	shalt  }
0x83: {  	_ =	shalt  }
0x84: {  	_ =	shalt  }
0x85: {  	_ =	shalt  }
0x86: {  	_ =	shalt  }
0x87: {  	_ =	shalt  }
.Lfunc_end0:
.L_simem_size_0:
called_computation_lowered:
.L_overlay_start_0:
0x88: {  	s2 =	sld [smem:$0x3FD9]  }
0x89: {  	s3 =	sld [smem:$0x3FFE];
	_ =	sdelay $0x1  }
0x8a: {  	s1 =	srdreg.scid  }
0x8b: {  	s0 =	sand.u32 $0x1, s1  }
0x8c: {  	s18 =	sshll.u32 s0, $0xA;
	s2 =	sadd.s32 s3, s2  }
0x8d: {  	s2 =	sadd.s32 s2, s18  }
0x8e: {  	[smem:$0x3FC6] =	sst s2  }
0x8f: {  	_ = 	snop  }
0x90: {  	s2 =	sld [smem:$0x3FC9]  }
0x91: {  	s19 =	sld [smem:$0x3FD0];
	(tm) =	ssettm $0x1  }
0x92: {  	s4 =	sld [smem:$0x3FFB];
	_ =	sdelay $0x3  }
0x93: {  	_ =	strace s4  }
0x94: {  	s4 =	sld [smem:$0x3FFC];
	_ =	sdelay $0x3  }
0x95: {  	_ =	strace s4  }
0x96: {  	s4 =	sld [smem:$0x3FFD];
	_ =	sdelay $0x3  }
0x97: {  	_ =	strace s4  }
0x98: {  	_ =	strace $0x8FFFFFFF  }
0x99: {  	s20 =	sld [smem:$0x3FDB];
	_ =	sdelay $0x1  }
0x9a: {  	s5 =	simm.s32 $_scs_section_size  }
0x9b: {  	s6 =	simm.s32 $_size__tile_overlayer_lowered;
	s7 =	simm.s32 $_tile_overlayer_lowered  }
0x9c: {  	s23 =	simm.s32 $0x1BFF;
	s22 =	sshll.u32 s7, $0x1;
	s4 =	sadd.s32 s5, s20  }
0x9d: {  	s8 =	simm.s32 $0x0;
	s21 =	sshll.u32 s6, $0x1;
	s6 =	sadd.s32 s22, s4  }
0x9e: {  	[timem:s8], [sflag:s23] =	dma.local [hbm:s6], s21  }
0x9f: {  	_ =	swait.ge [sflag:s23], s21  }
0xa0: {  	s5 =	ssub.s32 $0x0, s21;
	[sflag:s23] =	ssyncset.done $0x0  }
0xa1: {  	[sflag:s23] =	ssyncadd.s32 s5;
	_ =	sdelay $0x1  }
0xa2: {  	s24 =	simm.s32 $0x1B8B  }
0xa3: {  	_ =	swait.ge [sflag:s24], $0x1  }
0xa4: {  	[sflag:s24] =	ssyncset.done $0x0  }
0xa5: {  	s25 =	simm.s32 $0x1B8E;
	[sflag:s24] =	ssyncadd.s32 $0xFFFFFFFF  }
0xa6: {  	s26 =	simm.s32 $execute0_lowered;
	[smem:$0x3FD2] =	sst s25  }
0xa7: {  	s5 =	sshll.u32 s26, $0x1;
	_ =	strace $0x80000046;
	[dreg:$0x1] =	wrdreg $0xFFFFFFFF  }
0xa8: {  	s28 =	simm.s32 $_size_execute0_lowered;
	s4 =	sadd.s32 s4, s5;
	[dreg:$0x0] =	wrdreg $0x0  }
0xa9: {  	s5 =	sshll.u32 s28, $0x1;
	[dreg:$0x2] =	wrdreg s4  }
0xaa: {  	[dreg:$0x3] =	wrdreg s5  }
0xab: {  	[dreg:$0x4] =	wrdreg $0xC0  }
0xac: {  	_ =	task [dreg:s8], $0x5FFFF  }
0xad: {  	[dreg:$0x1] =	wrdreg $0xFFFFFFFF  }
0xae: {  	[dreg:$0x0] =	wrdreg $0x60  }
0xaf: {  	[dreg:$0x2] =	wrdreg s2  }
0xb0: {  	[dreg:$0x3] =	wrdreg s19  }
0xb1: {  	[dreg:$0x4] =	wrdreg $0x9  }
0xb2: {  	_ =	task.clear_ibuf [dreg:s8], $0x5FFFF;
	_ =	strace $0x90000046  }
0xb3: {  	s29 =	simm.s32 $0x9;
	_ =	strace $0x80000048  }
0xb4: {  	_ =	swait.ge [sflag:s29], $0x1  }
0xb5: {  	[sflag:s29] =	ssyncadd.s32 $0xFFFFFFFF  }
0xb6: {  	_ =	strace $0x90000048  }
0xb7: {  	_ =	sfence  }
0xb8: {  	s30 =	sld [smem:$0x0];
	_ =	sdelay $0x2  }
0xb9: {  	s31 =	sshll.u32 s1, $0xD;
	s1 =	sshrl.u32 s1, $0x2  }
0xba: {  	s3 =	sand.u32 $0x4000, s31;
	s1 =	sadd.s32 s1, s30  }
0xbb: {  	s0 =	sor.u32 s3, s0;
	s1 =	sshll.u32 s1, $0x11  }
0xbc: {  	s0 =	sor.u32 s1, s0  }
0xbd: {  	s0 =	sadd.s32 $0x8F2B, s0  }
0xbe: {  	[sflag:s0] =	ssyncadd.remote.s32 $0x1  }
0xbf: {  	_ =	sfence.sel $0xFFFF  }
0xc0: {  	[dreg:$0x0] =	wrdreg $0xFFFFFFFF;
	(pc) =	sbr.abs _section_cstart, $3  }
0xc1: {  	[dreg:$0x1] =	wrdreg $0xFFFFFFFF  }
0xc2: {  	_ =	task.clear_ibuf [dreg:s8], $0x2FFFF;
	_ =	strace $0x9FFFFFFF  }
0xc3: {  	(tm) =	ssettm $0x7FFFFFFF  }
tec
execute0_lowered:
.L_overlay_start_1:
0x0: {  	(tag) =	ssettag $0x1  }
0x1: {  	v0 =	vlaneseq.u32;
	v2 =	vimm.s32 $0xFEDCBA9  }
0x2: {  	v5 =	vimm.s32 $0x87654321;
	v6 =	vimm.s32 $0x98765432;
	v7 =	vimm.s32 $0x210FEDCB  }
0x3: {  	v8 =	vimm.s32 $0xA9876543;
	v18 =	vimm.s32 $0xCBA98765;
	v20 =	vimm.s32 $0x6543210F  }
0x4: {  	v21 =	vimm.s32 $0xEDCBA987;
	v22 =	vimm.s32 $0xFEDCBA98;
	v23 =	vimm.s32 $0x76543210  }
0x5: {  	v1 =	vmul.u32 $0x400, v0;
	v3 =	vand.u32 $0x7, v0;
	v4 =	vunpack.c.l.s4.s8 v2  }
0x6: {  	v6 =	vunpack.c.l.s4.s8 v6;
	v7 =	vunpack.c.l.s4.s8 v7;
	v20 =	vunpack.c.l.s4.s8 v20  }
0x7: {  	v21 =	vunpack.c.l.s4.s8 v21;
	v22 =	vunpack.c.l.s4.s8 v22;
	v2 =	vmul.u32 $0x80, v3  }
0x8: {  	v3 =	vimm.s32 $0x0;
	v10 =	vunpack.c.0.s8.s32 v4;
	v4 =	vunpack.c.l.s4.s8 v5  }
0x9: {  	v5 =	vimm.s32 $0x10FEDCBA;
	v13 =	vunpack.c.0.s8.s32 v6;
	v14 =	vunpack.c.0.s8.s32 v7  }
0xa: {  	v20 =	vunpack.c.0.s8.s32 v20;
	v21 =	vunpack.c.0.s8.s32 v21;
	v5 =	vunpack.c.l.s4.s8 v5  }
0xb: {  	v22 =	vunpack.c.0.s8.s32 v22;
	v11 =	vunpack.c.0.s8.s32 v4;
	v4 =	vunpack.c.l.s4.s8 v8  }
0xc: {  	v26 =	vcombine.low v21, v20;
	v12 =	vunpack.c.0.s8.s32 v5;
	v5 =	vimm.s32 $0x3210FEDC  }
0xd: {  	v22 =	vand.u32 $0xF, v22;
	v15 =	vunpack.c.0.s8.s32 v4;
	v4 =	vunpack.c.l.s4.s8 v5  }
0xe: {  	v5 =	vimm.s32 $0xBA987654;
	v6 =	vcombine.low v11, v10;
	v63 =	vcombine.low v10, v11  }
0xf: {  	v11 =	vand.u32 $0xF, v26;
	v7 =	vcombine.low v13, v12;
	v5 =	vunpack.c.l.s4.s8 v5  }
0x10: {  	v13 =	vcombine.low v12, v13;
	v8 =	vcombine.low v15, v14;
	v16 =	vunpack.c.0.s8.s32 v4  }
0x11: {  	s1 =	srdreg.scid;
	v4 =	vimm.s32 $0x43210FED;
	v14 =	vcombine.low v14, v15;
	v12 =	vand.u32 $0xF, v63  }
0x12: {  	s3 =	rddreg [dreg:$0x0];
	s0 =	stileid.u32;
	v17 =	vunpack.c.0.s8.s32 v5;
	v9 =	vunpack.c.l.s4.s8 v4;
	v4 =	vand.u32 $0xF, v6  }
0x13: {  	s11 =	rddreg [dreg:$0x1];
	s14 =	simm.s32 $0x1;
	s15 =	simm.s32 $0x2;
	v5 =	vand.u32 $0xF, v7;
	v7 =	vunpack.c.l.s4.s8 v18;
	v13 =	vand.u32 $0xF, v13  }
0x14: {  	s16 =	simm.s32 $0x10000;
	s17 =	simm.s32 $0x3;
	s4 =	sand.u32 $0x1, s1;
	v6 =	vand.u32 $0xF, v8;
	v18 =	vunpack.c.0.s8.s32 v9;
	v9 =	vimm.s32 $0xDCBA9876  }
0x15: {  	s18 =	simm.s32 $0x0;
	s2 =	sshll.u32 s0, $0x9;
	s5 =	sshll.u32 s4, $0x8;
	v19 =	vunpack.c.0.s8.s32 v7;
	v7 =	vimm.s32 $0x543210FE;
	v9 =	vunpack.c.l.s4.s8 v9  }
0x16: {  	s1 =	rddreg [dreg:$0x2];
	s4 =	ssub.s32 $0x2, s4;
	s10 =	sor.u32 s5, s2;
	v14 =	vand.u32 $0xF, v14;
	v8 =	vcombine.low v17, v16;
	v7 =	vunpack.c.l.s4.s8 v7  }
0x17: {  	s2 =	simm.s32 $0x0;
	s6 =	sshrl.u32 s4, $0x1;
	s5 =	sshll.u32 s10, $0x7;
	v15 =	vcombine.low v16, v17;
	v25 =	vunpack.c.0.s8.s32 v9;
	v9 =	vunpack.c.l.s4.s8 v23  }
0x18: {  	[smem:$0x7FF] =	sst s2;
	s12 =	ssub.s32 s4, s6;
	s13 =	sshrl.u32 s10, $0x3;
	v16 =	vcombine.low v18, v19;
	v24 =	vunpack.c.0.s8.s32 v7;
	v7 =	vand.u32 $0xF, v8  }
0x19: {  	s3 =	sadd.s32 s3, s5;
	_ =	strace $0x80000047;
	s11 =	sadd.s32 s11, s13;
	v8 =	vcombine.low v19, v18;
	v18 =	vcombine.low v20, v21;
	v9 =	vunpack.c.0.s8.s32 v9  }
0x1a: {  	s12 =	smax.u32 s12, $0x1;
	s13 =	simm.s32 $0x8000;
	s4 =	sadd.s32 $0x1000, s3;
	v15 =	vand.u32 $0xF, v15;
	v62 =	vcombine.low v25, v24;
	v17 =	vcombine.low v24, v25  }
0x1b: {  	s5 =	sadd.s32 $0x2000, s3;
	s6 =	sadd.s32 $0x3000, s3;
	s7 =	sadd.s32 $0x4000, s3;
	v16 =	vand.u32 $0xF, v16;
	v8 =	vand.u32 $0xF, v8;
	v9 =	vcombine.low v22, v9  }
0x1c: {  	s8 =	sadd.s32 $0x5000, s3;
	s9 =	sadd.s32 $0x6000, s3;
	s10 =	sadd.s32 $0x7000, s3;
	v18 =	vand.u32 $0xF, v18;
	v10 =	vand.u32 $0xF, v62;
	v17 =	vand.u32 $0xF, v17  }
.LBB2_1:
0x1d: {  	[tilespmem:s2], [sflag:$0x1] =	stream.linear.gather [hbm4b:s3+s2], $0x8000, $0x38;
	[tilespmem:$0x10100] =	vst v63  }
0x1e: {  	_ = 	snop  }
0x1f: {  	[tilespmem:s13], [sflag:$0x2] =	stream.linear.gather [hbm4b:s4+s2], $0x8000, $0x38;
	[tilespmem:$0x10100] =	vst v63  }
0x20: {  	_ =	swait.ge [sflag:s14], $0x8000  }
0x21: {  	[sflag:s14] =	ssyncset.done $0x0  }
0x22: {  	p1 =	por $0x1, $0x1;
	s19 =	simm.s32 $0x0;
	[sflag:s14] =	ssyncadd.s32 $0xFFFF8000  }
.LBB2_2:
0x23: {  	v19 =	vmov s19;
	s20 =	simm.s32 $0x0  }
0x24: {  	v20 =	vimm.s32 $0x0;
	v19 =	vshll.u32 v19, $0xA;
	v26 =	vor.u32 s20, v18  }
0x25: {  	v21 =	vor.u32 s20, v15;
	v24 =	vor.u32 s20, v16;
	v19 =	vor.u32 v1, v19  }
0x26: {  	v25 =	vor.u32 s20, v17;
	v27 =	vmov s20;
	v19 =	vand.u32 $0x6000, v19  }
0x27: {  	p0 =	por p1, p1;
	s21 =	simm.s32 $0x10;
	v22 =	vor.u32 s20, v13;
	v23 =	vor.u32 s20, v14;
	v19 =	vor.u32 v2, v19  }
.LBB2_3:
0x28: {  	p1 =	sne.s32 s21, $0x3F0;
	v27 =	vshll.u32 v27, $0x3;
	v28 =	vor.u32 s20, v9;
	v29 =	vor.u32 s20, v12  }
0x29: {  	v30 =	vor.u32 s20, v0;
	v31 =	vor.u32 s20, v11;
	v27 =	vand.u32 $0x1C00, v27  }
0x2a: {  	v32 =	vor.u32 s20, v4;
	v30 =	vand.u32 $0x7F, v30;
	v27 =	vor.u32 v27, v19  }
0x2b: {  	v33 =	vor.u32 s20, v5;
	v32 =	vand.u32 $0x7F, v32;
	v30 =	vor.u32 v30, v27  }
0x2c: {  	v34 =	vor.u32 s20, v6;
	v33 =	vand.u32 $0x7F, v33;
	v32 =	vor.u32 v32, v27  }
0x2d: {  	v35 =	vor.u32 s20, v7;
	v34 =	vand.u32 $0x7F, v34;
	v33 =	vor.u32 v33, v27  }
0x2e: {  	v36 =	vor.u32 s20, v8;
	v35 =	vand.u32 $0x7F, v35;
	v34 =	vor.u32 v34, v27  }
0x2f: {  	v37 =	vor.u32 s20, v10;
	s20 =	smov.u32 s21;
	v36 =	vand.u32 $0x7F, v36;
	v35 =	vor.u32 v35, v27  }
0x30: {  	v26 =	vand.u32 $0x7F, v26;
	v37 =	vand.u32 $0x7F, v37;
	v36 =	vor.u32 v36, v27;
	v30 =	vld.idx.msk [tilespmem:v30+s2+$0x0], $0xffff  }
0x31: {  	v25 =	vand.u32 $0x7F, v25;
	v31 =	vand.u32 $0x7F, v31;
	v37 =	vor.u32 v37, v27;
	v32 =	vld.idx.msk [tilespmem:v32+s2+$0x0], $0xffff  }
0x32: {  	v24 =	vand.u32 $0x7F, v24;
	v28 =	vand.u32 $0x7F, v28;
	v31 =	vor.u32 v31, v27;
	v33 =	vld.idx.msk [tilespmem:v33+s2+$0x0], $0xffff  }
0x33: {  	v21 =	vand.u32 $0x7F, v21;
	v29 =	vand.u32 $0x7F, v29;
	v28 =	vor.u32 v28, v27;
	v34 =	vld.idx.msk [tilespmem:v34+s2+$0x0], $0xffff  }
0x34: {  	v22 =	vand.u32 $0x7F, v22;
	v23 =	vand.u32 $0x7F, v23;
	v29 =	vor.u32 v29, v27;
	v35 =	vld.idx.msk [tilespmem:v35+s2+$0x0], $0xffff  }
0x35: {  	v22 =	vor.u32 v22, v27;
	v25 =	vor.u32 v25, v27;
	v26 =	vor.u32 v26, v27;
	v36 =	vld.idx.msk [tilespmem:v36+s2+$0x0], $0xffff  }
0x36: {  	v23 =	vor.u32 v23, v27;
	v24 =	vor.u32 v24, v27;
	vm0 =	veq.s32 v30, $0x1;
	v30 =	vld.idx.msk [tilespmem:v37+s2+$0x0], $0xffff  }
0x37: {  	v21 =	vor.u32 v21, v27;
	v37 =	vsel vm0, $0x1, v3;
	vm0 =	veq.s32 v32, $0x1;
	v31 =	vld.idx.msk [tilespmem:v31+s2+$0x0], $0xffff  }
0x38: {  	v20 =	vadd.s32 v37, v20;
	v27 =	vsel vm0, $0x1, v3;
	vm0 =	veq.s32 v33, $0x1;
	v28 =	vld.idx.msk [tilespmem:v28+s2+$0x0], $0xffff  }
0x39: {  	v20 =	vadd.s32 v27, v20;
	v27 =	vsel vm0, $0x1, v3;
	vm0 =	veq.s32 v34, $0x1;
	v29 =	vld.idx.msk [tilespmem:v29+s2+$0x0], $0xffff  }
0x3a: {  	v20 =	vadd.s32 v27, v20;
	v27 =	vsel vm0, $0x1, v3;
	vm0 =	veq.s32 v35, $0x1;
	v22 =	vld.idx.msk [tilespmem:v22+s2+$0x0], $0xffff  }
0x3b: {  	v20 =	vadd.s32 v27, v20;
	v27 =	vsel vm0, $0x1, v3;
	vm0 =	veq.s32 v36, $0x1;
	v23 =	vld.idx.msk [tilespmem:v23+s2+$0x0], $0xffff  }
0x3c: {  	v20 =	vadd.s32 v27, v20;
	v27 =	vsel vm0, $0x1, v3;
	vm0 =	veq.s32 v30, $0x1;
	v21 =	vld.idx.msk [tilespmem:v21+s2+$0x0], $0xffff  }
0x3d: {  	v20 =	vadd.s32 v27, v20;
	v27 =	vsel vm0, $0x1, v3;
	vm0 =	veq.s32 v31, $0x1;
	v24 =	vld.idx.msk [tilespmem:v24+s2+$0x0], $0xffff  }
0x3e: {  	v20 =	vadd.s32 v27, v20;
	v27 =	vsel vm0, $0x1, v3;
	vm0 =	veq.s32 v28, $0x1;
	v25 =	vld.idx.msk [tilespmem:v25+s2+$0x0], $0xffff  }
0x3f: {  	v20 =	vadd.s32 v27, v20;
	v27 =	vsel vm0, $0x1, v3;
	vm0 =	veq.s32 v29, $0x1;
	v26 =	vld.idx.msk [tilespmem:v26+s2+$0x0], $0xffff  }
0x40: {  	v20 =	vadd.s32 v27, v20;
	v27 =	vsel vm0, $0x1, v3;
	vm0 =	veq.s32 v22, $0x1  }
0x41: {  	v20 =	vadd.s32 v27, v20;
	v22 =	vsel vm0, $0x1, v3;
	vm0 =	veq.s32 v23, $0x1  }
0x42: {  	v20 =	vadd.s32 v22, v20;
	v22 =	vsel vm0, $0x1, v3;
	vm0 =	veq.s32 v21, $0x1  }
0x43: {  	v20 =	vadd.s32 v22, v20;
	v21 =	vsel vm0, $0x1, v3;
	vm0 =	veq.s32 v24, $0x1  }
0x44: {  	v20 =	vadd.s32 v21, v20;
	v21 =	vsel vm0, $0x1, v3;
	vm0 =	veq.s32 v25, $0x1  }
.Ltmp0:
0x45: {  	v20 =	vadd.s32 v21, v20;
	v21 =	vsel vm0, $0x1, v3;
	vm0 =	veq.s32 v26, $0x1;
	(pc) =	sbr.rel @p1 .LBB2_3-.Ltmp0, $4  }
0x46: {  	v20 =	vadd.s32 v21, v20;
	v21 =	vsel vm0, $0x1, v3  }
0x47: {  	v26 =	vor.u32 s21, v18;
	v20 =	vadd.s32 v21, v20  }
0x48: {  	v24 =	vor.u32 s21, v16;
	v25 =	vor.u32 s21, v17;
	v21 =	vor.u32 s21, v15  }
0x49: {  	v27 =	vmov s20;
	v23 =	vor.u32 s20, v14;
	v22 =	vor.u32 s20, v13;
	s21 =	sadd.s32 $0x10, s21  }
0x4a: {  	v27 =	vshll.u32 v27, $0x3;
	v28 =	vor.u32 s20, v9;
	v29 =	vor.u32 s20, v12  }
0x4b: {  	v30 =	vor.u32 s20, v0;
	v31 =	vor.u32 s20, v11;
	v50 =	vor.u32 s20, v4  }
0x4c: {  	v32 =	vor.u32 s20, v5;
	v33 =	vor.u32 s20, v6;
	v27 =	vand.u32 $0x1C00, v27  }
0x4d: {  	v34 =	vor.u32 s20, v7;
	v30 =	vand.u32 $0x7F, v30;
	v19 =	vor.u32 v27, v19  }
0x4e: {  	v35 =	vor.u32 s20, v8;
	v27 =	vand.u32 $0x7F, v50;
	v30 =	vor.u32 v30, v19  }
0x4f: {  	v36 =	vor.u32 s20, v10;
	v32 =	vand.u32 $0x7F, v32;
	v27 =	vor.u32 v27, v19  }
0x50: {  	v26 =	vand.u32 $0x7F, v26;
	v33 =	vand.u32 $0x7F, v33;
	v32 =	vor.u32 v32, v19  }
0x51: {  	v25 =	vand.u32 $0x7F, v25;
	v34 =	vand.u32 $0x7F, v34;
	v33 =	vor.u32 v33, v19  }
0x52: {  	v24 =	vand.u32 $0x7F, v24;
	v35 =	vand.u32 $0x7F, v35;
	v34 =	vor.u32 v34, v19  }
0x53: {  	v21 =	vand.u32 $0x7F, v21;
	v36 =	vand.u32 $0x7F, v36;
	v35 =	vor.u32 v35, v19;
	v30 =	vld.idx.msk [tilespmem:v30+s2+$0x0], $0xffff  }
0x54: {  	v22 =	vand.u32 $0x7F, v22;
	v31 =	vand.u32 $0x7F, v31;
	v36 =	vor.u32 v36, v19;
	v27 =	vld.idx.msk [tilespmem:v27+s2+$0x0], $0xffff  }
0x55: {  	v28 =	vand.u32 $0x7F, v28;
	v29 =	vand.u32 $0x7F, v29;
	v31 =	vor.u32 v31, v19;
	v32 =	vld.idx.msk [tilespmem:v32+s2+$0x0], $0xffff  }
0x56: {  	v23 =	vand.u32 $0x7F, v23;
	v28 =	vor.u32 v28, v19;
	v29 =	vor.u32 v29, v19;
	v33 =	vld.idx.msk [tilespmem:v33+s2+$0x0], $0xffff  }
0x57: {  	v22 =	vor.u32 v22, v19;
	v25 =	vor.u32 v25, v19;
	v26 =	vor.u32 v26, v19;
	v34 =	vld.idx.msk [tilespmem:v34+s2+$0x0], $0xffff  }
0x58: {  	v23 =	vor.u32 v23, v19;
	v24 =	vor.u32 v24, v19;
	v35 =	vld.idx.msk [tilespmem:v35+s2+$0x0], $0xffff;
	vm0 =	veq.s32 v30, $0x1  }
0x59: {  	v19 =	vor.u32 v21, v19;
	v51 =	vld.idx.msk [tilespmem:v36+s2+$0x0], $0xffff;
	vm12 =	veq.s32 v27, $0x1;
	v52 =	vsel vm0, $0x1, v3  }
0x5a: {  	v53 =	vld.idx.msk [tilespmem:v31+s2+$0x0], $0xffff;
	vm13 =	veq.s32 v32, $0x1;
	v27 =	vsel vm12, $0x1, v3;
	v20 =	vadd.s32 v52, v20  }
0x5b: {  	v28 =	vld.idx.msk [tilespmem:v28+s2+$0x0], $0xffff;
	vm14 =	veq.s32 v33, $0x1;
	v54 =	vsel vm13, $0x1, v3;
	v20 =	vadd.s32 v27, v20  }
0x5c: {  	v29 =	vld.idx.msk [tilespmem:v29+s2+$0x0], $0xffff;
	vm15 =	veq.s32 v34, $0x1;
	v55 =	vsel vm14, $0x1, v3;
	v20 =	vadd.s32 v54, v20  }
0x5d: {  	v22 =	vld.idx.msk [tilespmem:v22+s2+$0x0], $0xffff;
	vm4 =	veq.s32 v35, $0x1;
	v56 =	vsel vm15, $0x1, v3;
	v20 =	vadd.s32 v55, v20  }
0x5e: {  	v23 =	vld.idx.msk [tilespmem:v23+s2+$0x0], $0xffff;
	vm5 =	veq.s32 v51, $0x1;
	v57 =	vsel vm4, $0x1, v3;
	v20 =	vadd.s32 v56, v20  }
0x5f: {  	v19 =	vld.idx.msk [tilespmem:v19+s2+$0x0], $0xffff;
	vm6 =	veq.s32 v53, $0x1;
	v58 =	vsel vm5, $0x1, v3;
	v20 =	vadd.s32 v57, v20  }
0x60: {  	v59 =	vld.idx.msk [tilespmem:v24+s2+$0x0], $0xffff;
	vm7 =	veq.s32 v28, $0x1;
	v60 =	vsel vm6, $0x1, v3;
	v20 =	vadd.s32 v58, v20  }
0x61: {  	v25 =	vld.idx.msk [tilespmem:v25+s2+$0x0], $0xffff;
	vm8 =	veq.s32 v29, $0x1;
	v61 =	vsel vm7, $0x1, v3;
	v20 =	vadd.s32 v60, v20  }
0x62: {  	v26 =	vld.idx.msk [tilespmem:v26+s2+$0x0], $0xffff;
	vm9 =	veq.s32 v22, $0x1;
	v62 =	vsel vm8, $0x1, v3;
	v20 =	vadd.s32 v61, v20  }
0x63: {  	vm10 =	veq.s32 v23, $0x1;
	v22 =	vsel vm9, $0x1, v3;
	v20 =	vadd.s32 v62, v20  }
0x64: {  	vm11 =	veq.s32 v19, $0x1;
	v63 =	vsel vm10, $0x1, v3;
	v20 =	vadd.s32 v22, v20  }
0x65: {  	vm12 =	veq.s32 v59, $0x1;
	v19 =	vadd.s32 v63, v20;
	v20 =	vsel vm11, $0x1, v3  }
0x66: {  	vm13 =	veq.s32 v25, $0x1;
	v19 =	vadd.s32 v20, v19;
	v20 =	vsel vm12, $0x1, v3  }
0x67: {  	vm14 =	veq.s32 v26, $0x1;
	v19 =	vadd.s32 v20, v19;
	v20 =	vsel vm13, $0x1, v3  }
.Ltmp1:
0x68: {  	v19 =	vadd.s32 v20, v19;
	v20 =	vsel vm14, $0x1, v3;
	(pc) =	sbr.rel @p0 .LBB2_2-.Ltmp1, $4  }
0x69: {  	v19 =	vadd.s32 v20, v19  }
0x6a: {  	vm15 =	vlt.s32 v19, $0x1FF  }
0x6b: {  	v19 =	vnsel vm15, $0x1FF, v19  }
0x6c: {  	p1 =	por $0x0, $0x0;
	[tilespmem:s19+$0x10000] =	vst v19;
	s19 =	simm.s32 $0x10  }
0x6d: {  	s19 =	simm.s32 $0x0  }
0x6e: {  	[tilespmem:s19], [sflag:$0x1] =	stream.linear.gather [hbm4b:s5+s19], $0x8000, $0x38;
	[tilespmem:$0x10100] =	vst v63  }
0x6f: {  	_ =	swait.ge [sflag:s15], $0x8000  }
0x70: {  	[sflag:s15] =	ssyncset.done $0x0  }
0x71: {  	p1 =	por $0x1, $0x1;
	s20 =	simm.s32 $0x0;
	[sflag:s15] =	ssyncadd.s32 $0xFFFF8000  }
.LBB2_6:
0x72: {  	v19 =	vmov s20  }
0x73: {  	v20 =	vimm.s32 $0x0;
	v26 =	vor.u32 s19, v18;
	v19 =	vshll.u32 v19, $0xA  }
0x74: {  	v21 =	vor.u32 s19, v15;
	v24 =	vor.u32 s19, v16;
	v19 =	vor.u32 v1, v19  }
0x75: {  	v25 =	vor.u32 s19, v17;
	v27 =	vmov s19;
	v19 =	vand.u32 $0x6000, v19  }
0x76: {  	p0 =	por p1, p1;
	v22 =	vor.u32 s19, v13;
	v23 =	vor.u32 s19, v14;
	s22 =	simm.s32 $0x10;
	s21 =	simm.s32 $0x0;
	v19 =	vor.u32 v2, v19  }
.LBB2_7:
0x77: {  	p1 =	sne.s32 s22, $0x3F0;
	v27 =	vshll.u32 v27, $0x3;
	v28 =	vor.u32 s21, v9;
	v29 =	vor.u32 s21, v12  }
0x78: {  	v30 =	vor.u32 s21, v0;
	v31 =	vor.u32 s21, v11;
	v27 =	vand.u32 $0x1C00, v27  }
0x79: {  	v32 =	vor.u32 s21, v4;
	v30 =	vand.u32 $0x7F, v30;
	v27 =	vor.u32 v27, v19  }
0x7a: {  	v33 =	vor.u32 s21, v5;
	v32 =	vand.u32 $0x7F, v32;
	v30 =	vor.u32 v30, v27  }
0x7b: {  	v34 =	vor.u32 s21, v6;
	v33 =	vand.u32 $0x7F, v33;
	v32 =	vor.u32 v32, v27  }
0x7c: {  	v35 =	vor.u32 s21, v7;
	v34 =	vand.u32 $0x7F, v34;
	v33 =	vor.u32 v33, v27  }
0x7d: {  	v36 =	vor.u32 s21, v8;
	v35 =	vand.u32 $0x7F, v35;
	v34 =	vor.u32 v34, v27  }
0x7e: {  	v37 =	vor.u32 s21, v10;
	s21 =	smov.u32 s22;
	v36 =	vand.u32 $0x7F, v36;
	v35 =	vor.u32 v35, v27  }
0x7f: {  	v26 =	vand.u32 $0x7F, v26;
	v37 =	vand.u32 $0x7F, v37;
	v36 =	vor.u32 v36, v27;
	v30 =	vld.idx.msk [tilespmem:v30+s13+$0x0], $0xffff  }
0x80: {  	v25 =	vand.u32 $0x7F, v25;
	v31 =	vand.u32 $0x7F, v31;
	v37 =	vor.u32 v37, v27;
	v32 =	vld.idx.msk [tilespmem:v32+s13+$0x0], $0xffff  }
0x81: {  	v24 =	vand.u32 $0x7F, v24;
	v28 =	vand.u32 $0x7F, v28;
	v31 =	vor.u32 v31, v27;
	v33 =	vld.idx.msk [tilespmem:v33+s13+$0x0], $0xffff  }
0x82: {  	v21 =	vand.u32 $0x7F, v21;
	v29 =	vand.u32 $0x7F, v29;
	v28 =	vor.u32 v28, v27;
	v34 =	vld.idx.msk [tilespmem:v34+s13+$0x0], $0xffff  }
0x83: {  	v22 =	vand.u32 $0x7F, v22;
	v23 =	vand.u32 $0x7F, v23;
	v29 =	vor.u32 v29, v27;
	v35 =	vld.idx.msk [tilespmem:v35+s13+$0x0], $0xffff  }
0x84: {  	v22 =	vor.u32 v22, v27;
	v25 =	vor.u32 v25, v27;
	v26 =	vor.u32 v26, v27;
	v36 =	vld.idx.msk [tilespmem:v36+s13+$0x0], $0xffff  }
0x85: {  	v23 =	vor.u32 v23, v27;
	v24 =	vor.u32 v24, v27;
	vm0 =	veq.s32 v30, $0x1;
	v30 =	vld.idx.msk [tilespmem:v37+s13+$0x0], $0xffff  }
0x86: {  	v21 =	vor.u32 v21, v27;
	v37 =	vsel vm0, $0x1, v3;
	vm0 =	veq.s32 v32, $0x1;
	v31 =	vld.idx.msk [tilespmem:v31+s13+$0x0], $0xffff  }
0x87: {  	v20 =	vadd.s32 v37, v20;
	v27 =	vsel vm0, $0x1, v3;
	vm0 =	veq.s32 v33, $0x1;
	v28 =	vld.idx.msk [tilespmem:v28+s13+$0x0], $0xffff  }
0x88: {  	v20 =	vadd.s32 v27, v20;
	v27 =	vsel vm0, $0x1, v3;
	vm0 =	veq.s32 v34, $0x1;
	v29 =	vld.idx.msk [tilespmem:v29+s13+$0x0], $0xffff  }
0x89: {  	v20 =	vadd.s32 v27, v20;
	v27 =	vsel vm0, $0x1, v3;
	vm0 =	veq.s32 v35, $0x1;
	v22 =	vld.idx.msk [tilespmem:v22+s13+$0x0], $0xffff  }
0x8a: {  	v20 =	vadd.s32 v27, v20;
	v27 =	vsel vm0, $0x1, v3;
	vm0 =	veq.s32 v36, $0x1;
	v23 =	vld.idx.msk [tilespmem:v23+s13+$0x0], $0xffff  }
0x8b: {  	v20 =	vadd.s32 v27, v20;
	v27 =	vsel vm0, $0x1, v3;
	vm0 =	veq.s32 v30, $0x1;
	v21 =	vld.idx.msk [tilespmem:v21+s13+$0x0], $0xffff  }
0x8c: {  	v20 =	vadd.s32 v27, v20;
	v27 =	vsel vm0, $0x1, v3;
	vm0 =	veq.s32 v31, $0x1;
	v24 =	vld.idx.msk [tilespmem:v24+s13+$0x0], $0xffff  }
0x8d: {  	v20 =	vadd.s32 v27, v20;
	v27 =	vsel vm0, $0x1, v3;
	vm0 =	veq.s32 v28, $0x1;
	v25 =	vld.idx.msk [tilespmem:v25+s13+$0x0], $0xffff  }
0x8e: {  	v20 =	vadd.s32 v27, v20;
	v27 =	vsel vm0, $0x1, v3;
	vm0 =	veq.s32 v29, $0x1;
	v26 =	vld.idx.msk [tilespmem:v26+s13+$0x0], $0xffff  }
0x8f: {  	v20 =	vadd.s32 v27, v20;
	v27 =	vsel vm0, $0x1, v3;
	vm0 =	veq.s32 v22, $0x1  }
0x90: {  	v20 =	vadd.s32 v27, v20;
	v22 =	vsel vm0, $0x1, v3;
	vm0 =	veq.s32 v23, $0x1  }
0x91: {  	v20 =	vadd.s32 v22, v20;
	v22 =	vsel vm0, $0x1, v3;
	vm0 =	veq.s32 v21, $0x1  }
0x92: {  	v20 =	vadd.s32 v22, v20;
	v21 =	vsel vm0, $0x1, v3;
	vm0 =	veq.s32 v24, $0x1  }
0x93: {  	v20 =	vadd.s32 v21, v20;
	v21 =	vsel vm0, $0x1, v3;
	vm0 =	veq.s32 v25, $0x1  }
.Ltmp2:
0x94: {  	v20 =	vadd.s32 v21, v20;
	v21 =	vsel vm0, $0x1, v3;
	vm0 =	veq.s32 v26, $0x1;
	(pc) =	sbr.rel @p1 .LBB2_7-.Ltmp2, $4  }
0x95: {  	v20 =	vadd.s32 v21, v20;
	v21 =	vsel vm0, $0x1, v3  }
0x96: {  	v26 =	vor.u32 s22, v18;
	v20 =	vadd.s32 v21, v20  }
0x97: {  	v24 =	vor.u32 s22, v16;
	v25 =	vor.u32 s22, v17;
	v21 =	vor.u32 s22, v15  }
0x98: {  	v27 =	vmov s21;
	v23 =	vor.u32 s21, v14;
	v22 =	vor.u32 s21, v13;
	s22 =	sadd.s32 $0x10, s22  }
0x99: {  	v27 =	vshll.u32 v27, $0x3;
	v28 =	vor.u32 s21, v9;
	v29 =	vor.u32 s21, v12  }
0x9a: {  	v30 =	vor.u32 s21, v0;
	v31 =	vor.u32 s21, v11;
	v50 =	vor.u32 s21, v4  }
0x9b: {  	v32 =	vor.u32 s21, v5;
	v33 =	vor.u32 s21, v6;
	v27 =	vand.u32 $0x1C00, v27  }
0x9c: {  	v34 =	vor.u32 s21, v7;
	v30 =	vand.u32 $0x7F, v30;
	v19 =	vor.u32 v27, v19  }
0x9d: {  	v35 =	vor.u32 s21, v8;
	v27 =	vand.u32 $0x7F, v50;
	v30 =	vor.u32 v30, v19  }
0x9e: {  	v36 =	vor.u32 s21, v10;
	v32 =	vand.u32 $0x7F, v32;
	v27 =	vor.u32 v27, v19  }
0x9f: {  	v26 =	vand.u32 $0x7F, v26;
	v33 =	vand.u32 $0x7F, v33;
	v32 =	vor.u32 v32, v19  }
0xa0: {  	v25 =	vand.u32 $0x7F, v25;
	v34 =	vand.u32 $0x7F, v34;
	v33 =	vor.u32 v33, v19  }
0xa1: {  	v24 =	vand.u32 $0x7F, v24;
	v35 =	vand.u32 $0x7F, v35;
	v34 =	vor.u32 v34, v19  }
0xa2: {  	v21 =	vand.u32 $0x7F, v21;
	v36 =	vand.u32 $0x7F, v36;
	v35 =	vor.u32 v35, v19;
	v30 =	vld.idx.msk [tilespmem:v30+s13+$0x0], $0xffff  }
0xa3: {  	v22 =	vand.u32 $0x7F, v22;
	v31 =	vand.u32 $0x7F, v31;
	v36 =	vor.u32 v36, v19;
	v27 =	vld.idx.msk [tilespmem:v27+s13+$0x0], $0xffff  }
0xa4: {  	v28 =	vand.u32 $0x7F, v28;
	v29 =	vand.u32 $0x7F, v29;
	v31 =	vor.u32 v31, v19;
	v32 =	vld.idx.msk [tilespmem:v32+s13+$0x0], $0xffff  }
0xa5: {  	v23 =	vand.u32 $0x7F, v23;
	v28 =	vor.u32 v28, v19;
	v29 =	vor.u32 v29, v19;
	v33 =	vld.idx.msk [tilespmem:v33+s13+$0x0], $0xffff  }
0xa6: {  	v22 =	vor.u32 v22, v19;
	v25 =	vor.u32 v25, v19;
	v26 =	vor.u32 v26, v19;
	v34 =	vld.idx.msk [tilespmem:v34+s13+$0x0], $0xffff  }
0xa7: {  	v23 =	vor.u32 v23, v19;
	v24 =	vor.u32 v24, v19;
	v35 =	vld.idx.msk [tilespmem:v35+s13+$0x0], $0xffff;
	vm0 =	veq.s32 v30, $0x1  }
0xa8: {  	v19 =	vor.u32 v21, v19;
	v51 =	vld.idx.msk [tilespmem:v36+s13+$0x0], $0xffff;
	vm12 =	veq.s32 v27, $0x1;
	v52 =	vsel vm0, $0x1, v3  }
0xa9: {  	v53 =	vld.idx.msk [tilespmem:v31+s13+$0x0], $0xffff;
	vm13 =	veq.s32 v32, $0x1;
	v27 =	vsel vm12, $0x1, v3;
	v20 =	vadd.s32 v52, v20  }
0xaa: {  	v28 =	vld.idx.msk [tilespmem:v28+s13+$0x0], $0xffff;
	vm14 =	veq.s32 v33, $0x1;
	v54 =	vsel vm13, $0x1, v3;
	v20 =	vadd.s32 v27, v20  }
0xab: {  	v29 =	vld.idx.msk [tilespmem:v29+s13+$0x0], $0xffff;
	vm15 =	veq.s32 v34, $0x1;
	v55 =	vsel vm14, $0x1, v3;
	v20 =	vadd.s32 v54, v20  }
0xac: {  	v22 =	vld.idx.msk [tilespmem:v22+s13+$0x0], $0xffff;
	vm4 =	veq.s32 v35, $0x1;
	v56 =	vsel vm15, $0x1, v3;
	v20 =	vadd.s32 v55, v20  }
0xad: {  	v23 =	vld.idx.msk [tilespmem:v23+s13+$0x0], $0xffff;
	vm5 =	veq.s32 v51, $0x1;
	v57 =	vsel vm4, $0x1, v3;
	v20 =	vadd.s32 v56, v20  }
0xae: {  	v19 =	vld.idx.msk [tilespmem:v19+s13+$0x0], $0xffff;
	vm6 =	veq.s32 v53, $0x1;
	v58 =	vsel vm5, $0x1, v3;
	v20 =	vadd.s32 v57, v20  }
0xaf: {  	v59 =	vld.idx.msk [tilespmem:v24+s13+$0x0], $0xffff;
	vm7 =	veq.s32 v28, $0x1;
	v60 =	vsel vm6, $0x1, v3;
	v20 =	vadd.s32 v58, v20  }
0xb0: {  	v25 =	vld.idx.msk [tilespmem:v25+s13+$0x0], $0xffff;
	vm8 =	veq.s32 v29, $0x1;
	v61 =	vsel vm7, $0x1, v3;
	v20 =	vadd.s32 v60, v20  }
0xb1: {  	v26 =	vld.idx.msk [tilespmem:v26+s13+$0x0], $0xffff;
	vm9 =	veq.s32 v22, $0x1;
	v62 =	vsel vm8, $0x1, v3;
	v20 =	vadd.s32 v61, v20  }
0xb2: {  	vm10 =	veq.s32 v23, $0x1;
	v22 =	vsel vm9, $0x1, v3;
	v20 =	vadd.s32 v62, v20  }
0xb3: {  	vm11 =	veq.s32 v19, $0x1;
	v63 =	vsel vm10, $0x1, v3;
	v20 =	vadd.s32 v22, v20  }
0xb4: {  	vm12 =	veq.s32 v59, $0x1;
	v19 =	vadd.s32 v63, v20;
	v20 =	vsel vm11, $0x1, v3  }
0xb5: {  	vm13 =	veq.s32 v25, $0x1;
	v19 =	vadd.s32 v20, v19;
	v20 =	vsel vm12, $0x1, v3  }
0xb6: {  	vm14 =	veq.s32 v26, $0x1;
	v19 =	vadd.s32 v20, v19;
	v20 =	vsel vm13, $0x1, v3  }
.Ltmp3:
0xb7: {  	v19 =	vadd.s32 v20, v19;
	v20 =	vsel vm14, $0x1, v3;
	(pc) =	sbr.rel @p0 .LBB2_6-.Ltmp3, $4  }
0xb8: {  	v19 =	vadd.s32 v20, v19  }
0xb9: {  	vm15 =	vlt.s32 v19, $0x1FF  }
0xba: {  	v19 =	vnsel vm15, $0x1FF, v19  }
0xbb: {  	p1 =	por $0x0, $0x0;
	[tilespmem:s20+$0x10020] =	vst v19;
	s20 =	simm.s32 $0x10  }
0xbc: {  	s19 =	simm.s32 $0x0  }
0xbd: {  	[tilespmem:s13], [sflag:$0x2] =	stream.linear.gather [hbm4b:s6+s19], $0x8000, $0x38;
	[tilespmem:$0x10100] =	vst v63  }
0xbe: {  	_ =	swait.ge [sflag:s14], $0x8000  }
0xbf: {  	[sflag:s14] =	ssyncset.done $0x0  }
0xc0: {  	p1 =	por $0x1, $0x1;
	s20 =	simm.s32 $0x0;
	[sflag:s14] =	ssyncadd.s32 $0xFFFF8000  }
.LBB2_10:
0xc1: {  	v19 =	vmov s20  }
0xc2: {  	v20 =	vimm.s32 $0x0;
	v26 =	vor.u32 s19, v18;
	v19 =	vshll.u32 v19, $0xA  }
0xc3: {  	v21 =	vor.u32 s19, v15;
	v24 =	vor.u32 s19, v16;
	v19 =	vor.u32 v1, v19  }
0xc4: {  	v25 =	vor.u32 s19, v17;
	v27 =	vmov s19;
	v19 =	vand.u32 $0x6000, v19  }
0xc5: {  	p0 =	por p1, p1;
	v22 =	vor.u32 s19, v13;
	v23 =	vor.u32 s19, v14;
	s22 =	simm.s32 $0x10;
	s21 =	simm.s32 $0x0;
	v19 =	vor.u32 v2, v19  }
.LBB2_11:
0xc6: {  	p1 =	sne.s32 s22, $0x3F0;
	v27 =	vshll.u32 v27, $0x3;
	v28 =	vor.u32 s21, v9;
	v29 =	vor.u32 s21, v12  }
0xc7: {  	v30 =	vor.u32 s21, v0;
	v31 =	vor.u32 s21, v11;
	v27 =	vand.u32 $0x1C00, v27  }
0xc8: {  	v32 =	vor.u32 s21, v4;
	v30 =	vand.u32 $0x7F, v30;
	v27 =	vor.u32 v27, v19  }
0xc9: {  	v33 =	vor.u32 s21, v5;
	v32 =	vand.u32 $0x7F, v32;
	v30 =	vor.u32 v30, v27  }
0xca: {  	v34 =	vor.u32 s21, v6;
	v33 =	vand.u32 $0x7F, v33;
	v32 =	vor.u32 v32, v27  }
0xcb: {  	v35 =	vor.u32 s21, v7;
	v34 =	vand.u32 $0x7F, v34;
	v33 =	vor.u32 v33, v27  }
0xcc: {  	v36 =	vor.u32 s21, v8;
	v35 =	vand.u32 $0x7F, v35;
	v34 =	vor.u32 v34, v27  }
0xcd: {  	v37 =	vor.u32 s21, v10;
	s21 =	smov.u32 s22;
	v36 =	vand.u32 $0x7F, v36;
	v35 =	vor.u32 v35, v27  }
0xce: {  	v26 =	vand.u32 $0x7F, v26;
	v37 =	vand.u32 $0x7F, v37;
	v36 =	vor.u32 v36, v27;
	v30 =	vld.idx.msk [tilespmem:v30+s2+$0x0], $0xffff  }
0xcf: {  	v25 =	vand.u32 $0x7F, v25;
	v31 =	vand.u32 $0x7F, v31;
	v37 =	vor.u32 v37, v27;
	v32 =	vld.idx.msk [tilespmem:v32+s2+$0x0], $0xffff  }
0xd0: {  	v24 =	vand.u32 $0x7F, v24;
	v28 =	vand.u32 $0x7F, v28;
	v31 =	vor.u32 v31, v27;
	v33 =	vld.idx.msk [tilespmem:v33+s2+$0x0], $0xffff  }
0xd1: {  	v21 =	vand.u32 $0x7F, v21;
	v29 =	vand.u32 $0x7F, v29;
	v28 =	vor.u32 v28, v27;
	v34 =	vld.idx.msk [tilespmem:v34+s2+$0x0], $0xffff  }
0xd2: {  	v22 =	vand.u32 $0x7F, v22;
	v23 =	vand.u32 $0x7F, v23;
	v29 =	vor.u32 v29, v27;
	v35 =	vld.idx.msk [tilespmem:v35+s2+$0x0], $0xffff  }
0xd3: {  	v22 =	vor.u32 v22, v27;
	v25 =	vor.u32 v25, v27;
	v26 =	vor.u32 v26, v27;
	v36 =	vld.idx.msk [tilespmem:v36+s2+$0x0], $0xffff  }
0xd4: {  	v23 =	vor.u32 v23, v27;
	v24 =	vor.u32 v24, v27;
	vm0 =	veq.s32 v30, $0x1;
	v30 =	vld.idx.msk [tilespmem:v37+s2+$0x0], $0xffff  }
0xd5: {  	v21 =	vor.u32 v21, v27;
	v37 =	vsel vm0, $0x1, v3;
	vm0 =	veq.s32 v32, $0x1;
	v31 =	vld.idx.msk [tilespmem:v31+s2+$0x0], $0xffff  }
0xd6: {  	v20 =	vadd.s32 v37, v20;
	v27 =	vsel vm0, $0x1, v3;
	vm0 =	veq.s32 v33, $0x1;
	v28 =	vld.idx.msk [tilespmem:v28+s2+$0x0], $0xffff  }
0xd7: {  	v20 =	vadd.s32 v27, v20;
	v27 =	vsel vm0, $0x1, v3;
	vm0 =	veq.s32 v34, $0x1;
	v29 =	vld.idx.msk [tilespmem:v29+s2+$0x0], $0xffff  }
0xd8: {  	v20 =	vadd.s32 v27, v20;
	v27 =	vsel vm0, $0x1, v3;
	vm0 =	veq.s32 v35, $0x1;
	v22 =	vld.idx.msk [tilespmem:v22+s2+$0x0], $0xffff  }
0xd9: {  	v20 =	vadd.s32 v27, v20;
	v27 =	vsel vm0, $0x1, v3;
	vm0 =	veq.s32 v36, $0x1;
	v23 =	vld.idx.msk [tilespmem:v23+s2+$0x0], $0xffff  }
0xda: {  	v20 =	vadd.s32 v27, v20;
	v27 =	vsel vm0, $0x1, v3;
	vm0 =	veq.s32 v30, $0x1;
	v21 =	vld.idx.msk [tilespmem:v21+s2+$0x0], $0xffff  }
0xdb: {  	v20 =	vadd.s32 v27, v20;
	v27 =	vsel vm0, $0x1, v3;
	vm0 =	veq.s32 v31, $0x1;
	v24 =	vld.idx.msk [tilespmem:v24+s2+$0x0], $0xffff  }
0xdc: {  	v20 =	vadd.s32 v27, v20;
	v27 =	vsel vm0, $0x1, v3;
	vm0 =	veq.s32 v28, $0x1;
	v25 =	vld.idx.msk [tilespmem:v25+s2+$0x0], $0xffff  }
0xdd: {  	v20 =	vadd.s32 v27, v20;
	v27 =	vsel vm0, $0x1, v3;
	vm0 =	veq.s32 v29, $0x1;
	v26 =	vld.idx.msk [tilespmem:v26+s2+$0x0], $0xffff  }
0xde: {  	v20 =	vadd.s32 v27, v20;
	v27 =	vsel vm0, $0x1, v3;
	vm0 =	veq.s32 v22, $0x1  }
0xdf: {  	v20 =	vadd.s32 v27, v20;
	v22 =	vsel vm0, $0x1, v3;
	vm0 =	veq.s32 v23, $0x1  }
0xe0: {  	v20 =	vadd.s32 v22, v20;
	v22 =	vsel vm0, $0x1, v3;
	vm0 =	veq.s32 v21, $0x1  }
0xe1: {  	v20 =	vadd.s32 v22, v20;
	v21 =	vsel vm0, $0x1, v3;
	vm0 =	veq.s32 v24, $0x1  }
0xe2: {  	v20 =	vadd.s32 v21, v20;
	v21 =	vsel vm0, $0x1, v3;
	vm0 =	veq.s32 v25, $0x1  }
.Ltmp4:
0xe3: {  	v20 =	vadd.s32 v21, v20;
	v21 =	vsel vm0, $0x1, v3;
	vm0 =	veq.s32 v26, $0x1;
	(pc) =	sbr.rel @p1 .LBB2_11-.Ltmp4, $4  }
0xe4: {  	v20 =	vadd.s32 v21, v20;
	v21 =	vsel vm0, $0x1, v3  }
0xe5: {  	v26 =	vor.u32 s22, v18;
	v20 =	vadd.s32 v21, v20  }
0xe6: {  	v24 =	vor.u32 s22, v16;
	v25 =	vor.u32 s22, v17;
	v21 =	vor.u32 s22, v15  }
0xe7: {  	v27 =	vmov s21;
	v23 =	vor.u32 s21, v14;
	v22 =	vor.u32 s21, v13;
	s22 =	sadd.s32 $0x10, s22  }
0xe8: {  	v27 =	vshll.u32 v27, $0x3;
	v28 =	vor.u32 s21, v9;
	v29 =	vor.u32 s21, v12  }
0xe9: {  	v30 =	vor.u32 s21, v0;
	v31 =	vor.u32 s21, v11;
	v50 =	vor.u32 s21, v4  }
0xea: {  	v32 =	vor.u32 s21, v5;
	v33 =	vor.u32 s21, v6;
	v27 =	vand.u32 $0x1C00, v27  }
0xeb: {  	v34 =	vor.u32 s21, v7;
	v30 =	vand.u32 $0x7F, v30;
	v19 =	vor.u32 v27, v19  }
0xec: {  	v35 =	vor.u32 s21, v8;
	v27 =	vand.u32 $0x7F, v50;
	v30 =	vor.u32 v30, v19  }
0xed: {  	v36 =	vor.u32 s21, v10;
	v32 =	vand.u32 $0x7F, v32;
	v27 =	vor.u32 v27, v19  }
0xee: {  	v26 =	vand.u32 $0x7F, v26;
	v33 =	vand.u32 $0x7F, v33;
	v32 =	vor.u32 v32, v19  }
0xef: {  	v25 =	vand.u32 $0x7F, v25;
	v34 =	vand.u32 $0x7F, v34;
	v33 =	vor.u32 v33, v19  }
0xf0: {  	v24 =	vand.u32 $0x7F, v24;
	v35 =	vand.u32 $0x7F, v35;
	v34 =	vor.u32 v34, v19  }
0xf1: {  	v21 =	vand.u32 $0x7F, v21;
	v36 =	vand.u32 $0x7F, v36;
	v35 =	vor.u32 v35, v19;
	v30 =	vld.idx.msk [tilespmem:v30+s2+$0x0], $0xffff  }
0xf2: {  	v22 =	vand.u32 $0x7F, v22;
	v31 =	vand.u32 $0x7F, v31;
	v36 =	vor.u32 v36, v19;
	v27 =	vld.idx.msk [tilespmem:v27+s2+$0x0], $0xffff  }
0xf3: {  	v28 =	vand.u32 $0x7F, v28;
	v29 =	vand.u32 $0x7F, v29;
	v31 =	vor.u32 v31, v19;
	v32 =	vld.idx.msk [tilespmem:v32+s2+$0x0], $0xffff  }
0xf4: {  	v23 =	vand.u32 $0x7F, v23;
	v28 =	vor.u32 v28, v19;
	v29 =	vor.u32 v29, v19;
	v33 =	vld.idx.msk [tilespmem:v33+s2+$0x0], $0xffff  }
0xf5: {  	v22 =	vor.u32 v22, v19;
	v25 =	vor.u32 v25, v19;
	v26 =	vor.u32 v26, v19;
	v34 =	vld.idx.msk [tilespmem:v34+s2+$0x0], $0xffff  }
0xf6: {  	v23 =	vor.u32 v23, v19;
	v24 =	vor.u32 v24, v19;
	v35 =	vld.idx.msk [tilespmem:v35+s2+$0x0], $0xffff;
	vm0 =	veq.s32 v30, $0x1  }
0xf7: {  	v19 =	vor.u32 v21, v19;
	v51 =	vld.idx.msk [tilespmem:v36+s2+$0x0], $0xffff;
	vm12 =	veq.s32 v27, $0x1;
	v52 =	vsel vm0, $0x1, v3  }
0xf8: {  	v53 =	vld.idx.msk [tilespmem:v31+s2+$0x0], $0xffff;
	vm13 =	veq.s32 v32, $0x1;
	v27 =	vsel vm12, $0x1, v3;
	v20 =	vadd.s32 v52, v20  }
0xf9: {  	v28 =	vld.idx.msk [tilespmem:v28+s2+$0x0], $0xffff;
	vm14 =	veq.s32 v33, $0x1;
	v54 =	vsel vm13, $0x1, v3;
	v20 =	vadd.s32 v27, v20  }
0xfa: {  	v29 =	vld.idx.msk [tilespmem:v29+s2+$0x0], $0xffff;
	vm15 =	veq.s32 v34, $0x1;
	v55 =	vsel vm14, $0x1, v3;
	v20 =	vadd.s32 v54, v20  }
0xfb: {  	v22 =	vld.idx.msk [tilespmem:v22+s2+$0x0], $0xffff;
	vm4 =	veq.s32 v35, $0x1;
	v56 =	vsel vm15, $0x1, v3;
	v20 =	vadd.s32 v55, v20  }
0xfc: {  	v23 =	vld.idx.msk [tilespmem:v23+s2+$0x0], $0xffff;
	vm5 =	veq.s32 v51, $0x1;
	v57 =	vsel vm4, $0x1, v3;
	v20 =	vadd.s32 v56, v20  }
0xfd: {  	v19 =	vld.idx.msk [tilespmem:v19+s2+$0x0], $0xffff;
	vm6 =	veq.s32 v53, $0x1;
	v58 =	vsel vm5, $0x1, v3;
	v20 =	vadd.s32 v57, v20  }
0xfe: {  	v59 =	vld.idx.msk [tilespmem:v24+s2+$0x0], $0xffff;
	vm7 =	veq.s32 v28, $0x1;
	v60 =	vsel vm6, $0x1, v3;
	v20 =	vadd.s32 v58, v20  }
0xff: {  	v25 =	vld.idx.msk [tilespmem:v25+s2+$0x0], $0xffff;
	vm8 =	veq.s32 v29, $0x1;
	v61 =	vsel vm7, $0x1, v3;
	v20 =	vadd.s32 v60, v20  }
0x100: {  	v26 =	vld.idx.msk [tilespmem:v26+s2+$0x0], $0xffff;
	vm9 =	veq.s32 v22, $0x1;
	v62 =	vsel vm8, $0x1, v3;
	v20 =	vadd.s32 v61, v20  }
0x101: {  	vm10 =	veq.s32 v23, $0x1;
	v22 =	vsel vm9, $0x1, v3;
	v20 =	vadd.s32 v62, v20  }
0x102: {  	vm11 =	veq.s32 v19, $0x1;
	v63 =	vsel vm10, $0x1, v3;
	v20 =	vadd.s32 v22, v20  }
0x103: {  	vm12 =	veq.s32 v59, $0x1;
	v19 =	vadd.s32 v63, v20;
	v20 =	vsel vm11, $0x1, v3  }
0x104: {  	vm13 =	veq.s32 v25, $0x1;
	v19 =	vadd.s32 v20, v19;
	v20 =	vsel vm12, $0x1, v3  }
0x105: {  	vm14 =	veq.s32 v26, $0x1;
	v19 =	vadd.s32 v20, v19;
	v20 =	vsel vm13, $0x1, v3  }
.Ltmp5:
0x106: {  	v19 =	vadd.s32 v20, v19;
	v20 =	vsel vm14, $0x1, v3;
	(pc) =	sbr.rel @p0 .LBB2_10-.Ltmp5, $4  }
0x107: {  	v19 =	vadd.s32 v20, v19  }
0x108: {  	vm15 =	vlt.s32 v19, $0x1FF  }
0x109: {  	v19 =	vnsel vm15, $0x1FF, v19  }
0x10a: {  	p1 =	por $0x0, $0x0;
	[tilespmem:s20+$0x10040] =	vst v19;
	s20 =	simm.s32 $0x10  }
0x10b: {  	s19 =	simm.s32 $0x0  }
0x10c: {  	[tilespmem:s19], [sflag:$0x1] =	stream.linear.gather [hbm4b:s7+s19], $0x8000, $0x38;
	[tilespmem:$0x10100] =	vst v63  }
0x10d: {  	_ =	swait.ge [sflag:s15], $0x8000  }
0x10e: {  	[sflag:s15] =	ssyncset.done $0x0  }
0x10f: {  	p1 =	por $0x1, $0x1;
	s20 =	simm.s32 $0x0;
	[sflag:s15] =	ssyncadd.s32 $0xFFFF8000  }
.LBB2_14:
0x110: {  	v19 =	vmov s20  }
0x111: {  	v20 =	vimm.s32 $0x0;
	v26 =	vor.u32 s19, v18;
	v19 =	vshll.u32 v19, $0xA  }
0x112: {  	v21 =	vor.u32 s19, v15;
	v24 =	vor.u32 s19, v16;
	v19 =	vor.u32 v1, v19  }
0x113: {  	v25 =	vor.u32 s19, v17;
	v27 =	vmov s19;
	v19 =	vand.u32 $0x6000, v19  }
0x114: {  	p0 =	por p1, p1;
	v22 =	vor.u32 s19, v13;
	v23 =	vor.u32 s19, v14;
	s22 =	simm.s32 $0x10;
	s21 =	simm.s32 $0x0;
	v19 =	vor.u32 v2, v19  }
.LBB2_15:
0x115: {  	p1 =	sne.s32 s22, $0x3F0;
	v27 =	vshll.u32 v27, $0x3;
	v28 =	vor.u32 s21, v9;
	v29 =	vor.u32 s21, v12  }
0x116: {  	v30 =	vor.u32 s21, v0;
	v31 =	vor.u32 s21, v11;
	v27 =	vand.u32 $0x1C00, v27  }
0x117: {  	v32 =	vor.u32 s21, v4;
	v30 =	vand.u32 $0x7F, v30;
	v27 =	vor.u32 v27, v19  }
0x118: {  	v33 =	vor.u32 s21, v5;
	v32 =	vand.u32 $0x7F, v32;
	v30 =	vor.u32 v30, v27  }
0x119: {  	v34 =	vor.u32 s21, v6;
	v33 =	vand.u32 $0x7F, v33;
	v32 =	vor.u32 v32, v27  }
0x11a: {  	v35 =	vor.u32 s21, v7;
	v34 =	vand.u32 $0x7F, v34;
	v33 =	vor.u32 v33, v27  }
0x11b: {  	v36 =	vor.u32 s21, v8;
	v35 =	vand.u32 $0x7F, v35;
	v34 =	vor.u32 v34, v27  }
0x11c: {  	v37 =	vor.u32 s21, v10;
	s21 =	smov.u32 s22;
	v36 =	vand.u32 $0x7F, v36;
	v35 =	vor.u32 v35, v27  }
0x11d: {  	v26 =	vand.u32 $0x7F, v26;
	v37 =	vand.u32 $0x7F, v37;
	v36 =	vor.u32 v36, v27;
	v30 =	vld.idx.msk [tilespmem:v30+s13+$0x0], $0xffff  }
0x11e: {  	v25 =	vand.u32 $0x7F, v25;
	v31 =	vand.u32 $0x7F, v31;
	v37 =	vor.u32 v37, v27;
	v32 =	vld.idx.msk [tilespmem:v32+s13+$0x0], $0xffff  }
0x11f: {  	v24 =	vand.u32 $0x7F, v24;
	v28 =	vand.u32 $0x7F, v28;
	v31 =	vor.u32 v31, v27;
	v33 =	vld.idx.msk [tilespmem:v33+s13+$0x0], $0xffff  }
0x120: {  	v21 =	vand.u32 $0x7F, v21;
	v29 =	vand.u32 $0x7F, v29;
	v28 =	vor.u32 v28, v27;
	v34 =	vld.idx.msk [tilespmem:v34+s13+$0x0], $0xffff  }
0x121: {  	v22 =	vand.u32 $0x7F, v22;
	v23 =	vand.u32 $0x7F, v23;
	v29 =	vor.u32 v29, v27;
	v35 =	vld.idx.msk [tilespmem:v35+s13+$0x0], $0xffff  }
0x122: {  	v22 =	vor.u32 v22, v27;
	v25 =	vor.u32 v25, v27;
	v26 =	vor.u32 v26, v27;
	v36 =	vld.idx.msk [tilespmem:v36+s13+$0x0], $0xffff  }
0x123: {  	v23 =	vor.u32 v23, v27;
	v24 =	vor.u32 v24, v27;
	vm0 =	veq.s32 v30, $0x1;
	v30 =	vld.idx.msk [tilespmem:v37+s13+$0x0], $0xffff  }
0x124: {  	v21 =	vor.u32 v21, v27;
	v37 =	vsel vm0, $0x1, v3;
	vm0 =	veq.s32 v32, $0x1;
	v31 =	vld.idx.msk [tilespmem:v31+s13+$0x0], $0xffff  }
0x125: {  	v20 =	vadd.s32 v37, v20;
	v27 =	vsel vm0, $0x1, v3;
	vm0 =	veq.s32 v33, $0x1;
	v28 =	vld.idx.msk [tilespmem:v28+s13+$0x0], $0xffff  }
0x126: {  	v20 =	vadd.s32 v27, v20;
	v27 =	vsel vm0, $0x1, v3;
	vm0 =	veq.s32 v34, $0x1;
	v29 =	vld.idx.msk [tilespmem:v29+s13+$0x0], $0xffff  }
0x127: {  	v20 =	vadd.s32 v27, v20;
	v27 =	vsel vm0, $0x1, v3;
	vm0 =	veq.s32 v35, $0x1;
	v22 =	vld.idx.msk [tilespmem:v22+s13+$0x0], $0xffff  }
0x128: {  	v20 =	vadd.s32 v27, v20;
	v27 =	vsel vm0, $0x1, v3;
	vm0 =	veq.s32 v36, $0x1;
	v23 =	vld.idx.msk [tilespmem:v23+s13+$0x0], $0xffff  }
0x129: {  	v20 =	vadd.s32 v27, v20;
	v27 =	vsel vm0, $0x1, v3;
	vm0 =	veq.s32 v30, $0x1;
	v21 =	vld.idx.msk [tilespmem:v21+s13+$0x0], $0xffff  }
0x12a: {  	v20 =	vadd.s32 v27, v20;
	v27 =	vsel vm0, $0x1, v3;
	vm0 =	veq.s32 v31, $0x1;
	v24 =	vld.idx.msk [tilespmem:v24+s13+$0x0], $0xffff  }
0x12b: {  	v20 =	vadd.s32 v27, v20;
	v27 =	vsel vm0, $0x1, v3;
	vm0 =	veq.s32 v28, $0x1;
	v25 =	vld.idx.msk [tilespmem:v25+s13+$0x0], $0xffff  }
0x12c: {  	v20 =	vadd.s32 v27, v20;
	v27 =	vsel vm0, $0x1, v3;
	vm0 =	veq.s32 v29, $0x1;
	v26 =	vld.idx.msk [tilespmem:v26+s13+$0x0], $0xffff  }
0x12d: {  	v20 =	vadd.s32 v27, v20;
	v27 =	vsel vm0, $0x1, v3;
	vm0 =	veq.s32 v22, $0x1  }
0x12e: {  	v20 =	vadd.s32 v27, v20;
	v22 =	vsel vm0, $0x1, v3;
	vm0 =	veq.s32 v23, $0x1  }
0x12f: {  	v20 =	vadd.s32 v22, v20;
	v22 =	vsel vm0, $0x1, v3;
	vm0 =	veq.s32 v21, $0x1  }
0x130: {  	v20 =	vadd.s32 v22, v20;
	v21 =	vsel vm0, $0x1, v3;
	vm0 =	veq.s32 v24, $0x1  }
0x131: {  	v20 =	vadd.s32 v21, v20;
	v21 =	vsel vm0, $0x1, v3;
	vm0 =	veq.s32 v25, $0x1  }
.Ltmp6:
0x132: {  	v20 =	vadd.s32 v21, v20;
	v21 =	vsel vm0, $0x1, v3;
	vm0 =	veq.s32 v26, $0x1;
	(pc) =	sbr.rel @p1 .LBB2_15-.Ltmp6, $4  }
0x133: {  	v20 =	vadd.s32 v21, v20;
	v21 =	vsel vm0, $0x1, v3  }
0x134: {  	v26 =	vor.u32 s22, v18;
	v20 =	vadd.s32 v21, v20  }
0x135: {  	v24 =	vor.u32 s22, v16;
	v25 =	vor.u32 s22, v17;
	v21 =	vor.u32 s22, v15  }
0x136: {  	v27 =	vmov s21;
	v23 =	vor.u32 s21, v14;
	v22 =	vor.u32 s21, v13;
	s22 =	sadd.s32 $0x10, s22  }
0x137: {  	v27 =	vshll.u32 v27, $0x3;
	v28 =	vor.u32 s21, v9;
	v29 =	vor.u32 s21, v12  }
0x138: {  	v30 =	vor.u32 s21, v0;
	v31 =	vor.u32 s21, v11;
	v50 =	vor.u32 s21, v4  }
0x139: {  	v32 =	vor.u32 s21, v5;
	v33 =	vor.u32 s21, v6;
	v27 =	vand.u32 $0x1C00, v27  }
0x13a: {  	v34 =	vor.u32 s21, v7;
	v30 =	vand.u32 $0x7F, v30;
	v19 =	vor.u32 v27, v19  }
0x13b: {  	v35 =	vor.u32 s21, v8;
	v27 =	vand.u32 $0x7F, v50;
	v30 =	vor.u32 v30, v19  }
0x13c: {  	v36 =	vor.u32 s21, v10;
	v32 =	vand.u32 $0x7F, v32;
	v27 =	vor.u32 v27, v19  }
0x13d: {  	v26 =	vand.u32 $0x7F, v26;
	v33 =	vand.u32 $0x7F, v33;
	v32 =	vor.u32 v32, v19  }
0x13e: {  	v25 =	vand.u32 $0x7F, v25;
	v34 =	vand.u32 $0x7F, v34;
	v33 =	vor.u32 v33, v19  }
0x13f: {  	v24 =	vand.u32 $0x7F, v24;
	v35 =	vand.u32 $0x7F, v35;
	v34 =	vor.u32 v34, v19  }
0x140: {  	v21 =	vand.u32 $0x7F, v21;
	v36 =	vand.u32 $0x7F, v36;
	v35 =	vor.u32 v35, v19;
	v30 =	vld.idx.msk [tilespmem:v30+s13+$0x0], $0xffff  }
0x141: {  	v22 =	vand.u32 $0x7F, v22;
	v31 =	vand.u32 $0x7F, v31;
	v36 =	vor.u32 v36, v19;
	v27 =	vld.idx.msk [tilespmem:v27+s13+$0x0], $0xffff  }
0x142: {  	v28 =	vand.u32 $0x7F, v28;
	v29 =	vand.u32 $0x7F, v29;
	v31 =	vor.u32 v31, v19;
	v32 =	vld.idx.msk [tilespmem:v32+s13+$0x0], $0xffff  }
0x143: {  	v23 =	vand.u32 $0x7F, v23;
	v28 =	vor.u32 v28, v19;
	v29 =	vor.u32 v29, v19;
	v33 =	vld.idx.msk [tilespmem:v33+s13+$0x0], $0xffff  }
0x144: {  	v22 =	vor.u32 v22, v19;
	v25 =	vor.u32 v25, v19;
	v26 =	vor.u32 v26, v19;
	v34 =	vld.idx.msk [tilespmem:v34+s13+$0x0], $0xffff  }
0x145: {  	v23 =	vor.u32 v23, v19;
	v24 =	vor.u32 v24, v19;
	v35 =	vld.idx.msk [tilespmem:v35+s13+$0x0], $0xffff;
	vm0 =	veq.s32 v30, $0x1  }
0x146: {  	v19 =	vor.u32 v21, v19;
	v51 =	vld.idx.msk [tilespmem:v36+s13+$0x0], $0xffff;
	vm12 =	veq.s32 v27, $0x1;
	v52 =	vsel vm0, $0x1, v3  }
0x147: {  	v53 =	vld.idx.msk [tilespmem:v31+s13+$0x0], $0xffff;
	vm13 =	veq.s32 v32, $0x1;
	v27 =	vsel vm12, $0x1, v3;
	v20 =	vadd.s32 v52, v20  }
0x148: {  	v28 =	vld.idx.msk [tilespmem:v28+s13+$0x0], $0xffff;
	vm14 =	veq.s32 v33, $0x1;
	v54 =	vsel vm13, $0x1, v3;
	v20 =	vadd.s32 v27, v20  }
0x149: {  	v29 =	vld.idx.msk [tilespmem:v29+s13+$0x0], $0xffff;
	vm15 =	veq.s32 v34, $0x1;
	v55 =	vsel vm14, $0x1, v3;
	v20 =	vadd.s32 v54, v20  }
0x14a: {  	v22 =	vld.idx.msk [tilespmem:v22+s13+$0x0], $0xffff;
	vm4 =	veq.s32 v35, $0x1;
	v56 =	vsel vm15, $0x1, v3;
	v20 =	vadd.s32 v55, v20  }
0x14b: {  	v23 =	vld.idx.msk [tilespmem:v23+s13+$0x0], $0xffff;
	vm5 =	veq.s32 v51, $0x1;
	v57 =	vsel vm4, $0x1, v3;
	v20 =	vadd.s32 v56, v20  }
0x14c: {  	v19 =	vld.idx.msk [tilespmem:v19+s13+$0x0], $0xffff;
	vm6 =	veq.s32 v53, $0x1;
	v58 =	vsel vm5, $0x1, v3;
	v20 =	vadd.s32 v57, v20  }
0x14d: {  	v59 =	vld.idx.msk [tilespmem:v24+s13+$0x0], $0xffff;
	vm7 =	veq.s32 v28, $0x1;
	v60 =	vsel vm6, $0x1, v3;
	v20 =	vadd.s32 v58, v20  }
0x14e: {  	v25 =	vld.idx.msk [tilespmem:v25+s13+$0x0], $0xffff;
	vm8 =	veq.s32 v29, $0x1;
	v61 =	vsel vm7, $0x1, v3;
	v20 =	vadd.s32 v60, v20  }
0x14f: {  	v26 =	vld.idx.msk [tilespmem:v26+s13+$0x0], $0xffff;
	vm9 =	veq.s32 v22, $0x1;
	v62 =	vsel vm8, $0x1, v3;
	v20 =	vadd.s32 v61, v20  }
0x150: {  	vm10 =	veq.s32 v23, $0x1;
	v22 =	vsel vm9, $0x1, v3;
	v20 =	vadd.s32 v62, v20  }
0x151: {  	vm11 =	veq.s32 v19, $0x1;
	v63 =	vsel vm10, $0x1, v3;
	v20 =	vadd.s32 v22, v20  }
0x152: {  	vm12 =	veq.s32 v59, $0x1;
	v19 =	vadd.s32 v63, v20;
	v20 =	vsel vm11, $0x1, v3  }
0x153: {  	vm13 =	veq.s32 v25, $0x1;
	v19 =	vadd.s32 v20, v19;
	v20 =	vsel vm12, $0x1, v3  }
0x154: {  	vm14 =	veq.s32 v26, $0x1;
	v19 =	vadd.s32 v20, v19;
	v20 =	vsel vm13, $0x1, v3  }
.Ltmp7:
0x155: {  	v19 =	vadd.s32 v20, v19;
	v20 =	vsel vm14, $0x1, v3;
	(pc) =	sbr.rel @p0 .LBB2_14-.Ltmp7, $4  }
0x156: {  	v19 =	vadd.s32 v20, v19  }
0x157: {  	vm15 =	vlt.s32 v19, $0x1FF  }
0x158: {  	v19 =	vnsel vm15, $0x1FF, v19  }
0x159: {  	p1 =	por $0x0, $0x0;
	[tilespmem:s20+$0x10060] =	vst v19;
	s20 =	simm.s32 $0x10  }
0x15a: {  	s19 =	simm.s32 $0x0  }
0x15b: {  	[tilespmem:s13], [sflag:$0x2] =	stream.linear.gather [hbm4b:s8+s19], $0x8000, $0x38;
	[tilespmem:$0x10100] =	vst v63  }
0x15c: {  	_ =	swait.ge [sflag:s14], $0x8000  }
0x15d: {  	[sflag:s14] =	ssyncset.done $0x0  }
0x15e: {  	p1 =	por $0x1, $0x1;
	s20 =	simm.s32 $0x0;
	[sflag:s14] =	ssyncadd.s32 $0xFFFF8000  }
.LBB2_18:
0x15f: {  	v19 =	vmov s20  }
0x160: {  	v20 =	vimm.s32 $0x0;
	v26 =	vor.u32 s19, v18;
	v19 =	vshll.u32 v19, $0xA  }
0x161: {  	v21 =	vor.u32 s19, v15;
	v24 =	vor.u32 s19, v16;
	v19 =	vor.u32 v1, v19  }
0x162: {  	v25 =	vor.u32 s19, v17;
	v27 =	vmov s19;
	v19 =	vand.u32 $0x6000, v19  }
0x163: {  	p0 =	por p1, p1;
	v22 =	vor.u32 s19, v13;
	v23 =	vor.u32 s19, v14;
	s22 =	simm.s32 $0x10;
	s21 =	simm.s32 $0x0;
	v19 =	vor.u32 v2, v19  }
.LBB2_19:
0x164: {  	p1 =	sne.s32 s22, $0x3F0;
	v27 =	vshll.u32 v27, $0x3;
	v28 =	vor.u32 s21, v9;
	v29 =	vor.u32 s21, v12  }
0x165: {  	v30 =	vor.u32 s21, v0;
	v31 =	vor.u32 s21, v11;
	v27 =	vand.u32 $0x1C00, v27  }
0x166: {  	v32 =	vor.u32 s21, v4;
	v30 =	vand.u32 $0x7F, v30;
	v27 =	vor.u32 v27, v19  }
0x167: {  	v33 =	vor.u32 s21, v5;
	v32 =	vand.u32 $0x7F, v32;
	v30 =	vor.u32 v30, v27  }
0x168: {  	v34 =	vor.u32 s21, v6;
	v33 =	vand.u32 $0x7F, v33;
	v32 =	vor.u32 v32, v27  }
0x169: {  	v35 =	vor.u32 s21, v7;
	v34 =	vand.u32 $0x7F, v34;
	v33 =	vor.u32 v33, v27  }
0x16a: {  	v36 =	vor.u32 s21, v8;
	v35 =	vand.u32 $0x7F, v35;
	v34 =	vor.u32 v34, v27  }
0x16b: {  	v37 =	vor.u32 s21, v10;
	s21 =	smov.u32 s22;
	v36 =	vand.u32 $0x7F, v36;
	v35 =	vor.u32 v35, v27  }
0x16c: {  	v26 =	vand.u32 $0x7F, v26;
	v37 =	vand.u32 $0x7F, v37;
	v36 =	vor.u32 v36, v27;
	v30 =	vld.idx.msk [tilespmem:v30+s2+$0x0], $0xffff  }
0x16d: {  	v25 =	vand.u32 $0x7F, v25;
	v31 =	vand.u32 $0x7F, v31;
	v37 =	vor.u32 v37, v27;
	v32 =	vld.idx.msk [tilespmem:v32+s2+$0x0], $0xffff  }
0x16e: {  	v24 =	vand.u32 $0x7F, v24;
	v28 =	vand.u32 $0x7F, v28;
	v31 =	vor.u32 v31, v27;
	v33 =	vld.idx.msk [tilespmem:v33+s2+$0x0], $0xffff  }
0x16f: {  	v21 =	vand.u32 $0x7F, v21;
	v29 =	vand.u32 $0x7F, v29;
	v28 =	vor.u32 v28, v27;
	v34 =	vld.idx.msk [tilespmem:v34+s2+$0x0], $0xffff  }
0x170: {  	v22 =	vand.u32 $0x7F, v22;
	v23 =	vand.u32 $0x7F, v23;
	v29 =	vor.u32 v29, v27;
	v35 =	vld.idx.msk [tilespmem:v35+s2+$0x0], $0xffff  }
0x171: {  	v22 =	vor.u32 v22, v27;
	v25 =	vor.u32 v25, v27;
	v26 =	vor.u32 v26, v27;
	v36 =	vld.idx.msk [tilespmem:v36+s2+$0x0], $0xffff  }
0x172: {  	v23 =	vor.u32 v23, v27;
	v24 =	vor.u32 v24, v27;
	vm0 =	veq.s32 v30, $0x1;
	v30 =	vld.idx.msk [tilespmem:v37+s2+$0x0], $0xffff  }
0x173: {  	v21 =	vor.u32 v21, v27;
	v37 =	vsel vm0, $0x1, v3;
	vm0 =	veq.s32 v32, $0x1;
	v31 =	vld.idx.msk [tilespmem:v31+s2+$0x0], $0xffff  }
0x174: {  	v20 =	vadd.s32 v37, v20;
	v27 =	vsel vm0, $0x1, v3;
	vm0 =	veq.s32 v33, $0x1;
	v28 =	vld.idx.msk [tilespmem:v28+s2+$0x0], $0xffff  }
0x175: {  	v20 =	vadd.s32 v27, v20;
	v27 =	vsel vm0, $0x1, v3;
	vm0 =	veq.s32 v34, $0x1;
	v29 =	vld.idx.msk [tilespmem:v29+s2+$0x0], $0xffff  }
0x176: {  	v20 =	vadd.s32 v27, v20;
	v27 =	vsel vm0, $0x1, v3;
	vm0 =	veq.s32 v35, $0x1;
	v22 =	vld.idx.msk [tilespmem:v22+s2+$0x0], $0xffff  }
0x177: {  	v20 =	vadd.s32 v27, v20;
	v27 =	vsel vm0, $0x1, v3;
	vm0 =	veq.s32 v36, $0x1;
	v23 =	vld.idx.msk [tilespmem:v23+s2+$0x0], $0xffff  }
0x178: {  	v20 =	vadd.s32 v27, v20;
	v27 =	vsel vm0, $0x1, v3;
	vm0 =	veq.s32 v30, $0x1;
	v21 =	vld.idx.msk [tilespmem:v21+s2+$0x0], $0xffff  }
0x179: {  	v20 =	vadd.s32 v27, v20;
	v27 =	vsel vm0, $0x1, v3;
	vm0 =	veq.s32 v31, $0x1;
	v24 =	vld.idx.msk [tilespmem:v24+s2+$0x0], $0xffff  }
0x17a: {  	v20 =	vadd.s32 v27, v20;
	v27 =	vsel vm0, $0x1, v3;
	vm0 =	veq.s32 v28, $0x1;
	v25 =	vld.idx.msk [tilespmem:v25+s2+$0x0], $0xffff  }
0x17b: {  	v20 =	vadd.s32 v27, v20;
	v27 =	vsel vm0, $0x1, v3;
	vm0 =	veq.s32 v29, $0x1;
	v26 =	vld.idx.msk [tilespmem:v26+s2+$0x0], $0xffff  }
0x17c: {  	v20 =	vadd.s32 v27, v20;
	v27 =	vsel vm0, $0x1, v3;
	vm0 =	veq.s32 v22, $0x1  }
0x17d: {  	v20 =	vadd.s32 v27, v20;
	v22 =	vsel vm0, $0x1, v3;
	vm0 =	veq.s32 v23, $0x1  }
0x17e: {  	v20 =	vadd.s32 v22, v20;
	v22 =	vsel vm0, $0x1, v3;
	vm0 =	veq.s32 v21, $0x1  }
0x17f: {  	v20 =	vadd.s32 v22, v20;
	v21 =	vsel vm0, $0x1, v3;
	vm0 =	veq.s32 v24, $0x1  }
0x180: {  	v20 =	vadd.s32 v21, v20;
	v21 =	vsel vm0, $0x1, v3;
	vm0 =	veq.s32 v25, $0x1  }
.Ltmp8:
0x181: {  	v20 =	vadd.s32 v21, v20;
	v21 =	vsel vm0, $0x1, v3;
	vm0 =	veq.s32 v26, $0x1;
	(pc) =	sbr.rel @p1 .LBB2_19-.Ltmp8, $4  }
0x182: {  	v20 =	vadd.s32 v21, v20;
	v21 =	vsel vm0, $0x1, v3  }
0x183: {  	v26 =	vor.u32 s22, v18;
	v20 =	vadd.s32 v21, v20  }
0x184: {  	v24 =	vor.u32 s22, v16;
	v25 =	vor.u32 s22, v17;
	v21 =	vor.u32 s22, v15  }
0x185: {  	v27 =	vmov s21;
	v23 =	vor.u32 s21, v14;
	v22 =	vor.u32 s21, v13;
	s22 =	sadd.s32 $0x10, s22  }
0x186: {  	v27 =	vshll.u32 v27, $0x3;
	v28 =	vor.u32 s21, v9;
	v29 =	vor.u32 s21, v12  }
0x187: {  	v30 =	vor.u32 s21, v0;
	v31 =	vor.u32 s21, v11;
	v50 =	vor.u32 s21, v4  }
0x188: {  	v32 =	vor.u32 s21, v5;
	v33 =	vor.u32 s21, v6;
	v27 =	vand.u32 $0x1C00, v27  }
0x189: {  	v34 =	vor.u32 s21, v7;
	v30 =	vand.u32 $0x7F, v30;
	v19 =	vor.u32 v27, v19  }
0x18a: {  	v35 =	vor.u32 s21, v8;
	v27 =	vand.u32 $0x7F, v50;
	v30 =	vor.u32 v30, v19  }
0x18b: {  	v36 =	vor.u32 s21, v10;
	v32 =	vand.u32 $0x7F, v32;
	v27 =	vor.u32 v27, v19  }
0x18c: {  	v26 =	vand.u32 $0x7F, v26;
	v33 =	vand.u32 $0x7F, v33;
	v32 =	vor.u32 v32, v19  }
0x18d: {  	v25 =	vand.u32 $0x7F, v25;
	v34 =	vand.u32 $0x7F, v34;
	v33 =	vor.u32 v33, v19  }
0x18e: {  	v24 =	vand.u32 $0x7F, v24;
	v35 =	vand.u32 $0x7F, v35;
	v34 =	vor.u32 v34, v19  }
0x18f: {  	v21 =	vand.u32 $0x7F, v21;
	v36 =	vand.u32 $0x7F, v36;
	v35 =	vor.u32 v35, v19;
	v30 =	vld.idx.msk [tilespmem:v30+s2+$0x0], $0xffff  }
0x190: {  	v22 =	vand.u32 $0x7F, v22;
	v31 =	vand.u32 $0x7F, v31;
	v36 =	vor.u32 v36, v19;
	v27 =	vld.idx.msk [tilespmem:v27+s2+$0x0], $0xffff  }
0x191: {  	v28 =	vand.u32 $0x7F, v28;
	v29 =	vand.u32 $0x7F, v29;
	v31 =	vor.u32 v31, v19;
	v32 =	vld.idx.msk [tilespmem:v32+s2+$0x0], $0xffff  }
0x192: {  	v23 =	vand.u32 $0x7F, v23;
	v28 =	vor.u32 v28, v19;
	v29 =	vor.u32 v29, v19;
	v33 =	vld.idx.msk [tilespmem:v33+s2+$0x0], $0xffff  }
0x193: {  	v22 =	vor.u32 v22, v19;
	v25 =	vor.u32 v25, v19;
	v26 =	vor.u32 v26, v19;
	v34 =	vld.idx.msk [tilespmem:v34+s2+$0x0], $0xffff  }
0x194: {  	v23 =	vor.u32 v23, v19;
	v24 =	vor.u32 v24, v19;
	v35 =	vld.idx.msk [tilespmem:v35+s2+$0x0], $0xffff;
	vm0 =	veq.s32 v30, $0x1  }
0x195: {  	v19 =	vor.u32 v21, v19;
	v51 =	vld.idx.msk [tilespmem:v36+s2+$0x0], $0xffff;
	vm12 =	veq.s32 v27, $0x1;
	v52 =	vsel vm0, $0x1, v3  }
0x196: {  	v53 =	vld.idx.msk [tilespmem:v31+s2+$0x0], $0xffff;
	vm13 =	veq.s32 v32, $0x1;
	v27 =	vsel vm12, $0x1, v3;
	v20 =	vadd.s32 v52, v20  }
0x197: {  	v28 =	vld.idx.msk [tilespmem:v28+s2+$0x0], $0xffff;
	vm14 =	veq.s32 v33, $0x1;
	v54 =	vsel vm13, $0x1, v3;
	v20 =	vadd.s32 v27, v20  }
0x198: {  	v29 =	vld.idx.msk [tilespmem:v29+s2+$0x0], $0xffff;
	vm15 =	veq.s32 v34, $0x1;
	v55 =	vsel vm14, $0x1, v3;
	v20 =	vadd.s32 v54, v20  }
0x199: {  	v22 =	vld.idx.msk [tilespmem:v22+s2+$0x0], $0xffff;
	vm4 =	veq.s32 v35, $0x1;
	v56 =	vsel vm15, $0x1, v3;
	v20 =	vadd.s32 v55, v20  }
0x19a: {  	v23 =	vld.idx.msk [tilespmem:v23+s2+$0x0], $0xffff;
	vm5 =	veq.s32 v51, $0x1;
	v57 =	vsel vm4, $0x1, v3;
	v20 =	vadd.s32 v56, v20  }
0x19b: {  	v19 =	vld.idx.msk [tilespmem:v19+s2+$0x0], $0xffff;
	vm6 =	veq.s32 v53, $0x1;
	v58 =	vsel vm5, $0x1, v3;
	v20 =	vadd.s32 v57, v20  }
0x19c: {  	v59 =	vld.idx.msk [tilespmem:v24+s2+$0x0], $0xffff;
	vm7 =	veq.s32 v28, $0x1;
	v60 =	vsel vm6, $0x1, v3;
	v20 =	vadd.s32 v58, v20  }
0x19d: {  	v25 =	vld.idx.msk [tilespmem:v25+s2+$0x0], $0xffff;
	vm8 =	veq.s32 v29, $0x1;
	v61 =	vsel vm7, $0x1, v3;
	v20 =	vadd.s32 v60, v20  }
0x19e: {  	v26 =	vld.idx.msk [tilespmem:v26+s2+$0x0], $0xffff;
	vm9 =	veq.s32 v22, $0x1;
	v62 =	vsel vm8, $0x1, v3;
	v20 =	vadd.s32 v61, v20  }
0x19f: {  	vm10 =	veq.s32 v23, $0x1;
	v22 =	vsel vm9, $0x1, v3;
	v20 =	vadd.s32 v62, v20  }
0x1a0: {  	vm11 =	veq.s32 v19, $0x1;
	v63 =	vsel vm10, $0x1, v3;
	v20 =	vadd.s32 v22, v20  }
0x1a1: {  	vm12 =	veq.s32 v59, $0x1;
	v19 =	vadd.s32 v63, v20;
	v20 =	vsel vm11, $0x1, v3  }
0x1a2: {  	vm13 =	veq.s32 v25, $0x1;
	v19 =	vadd.s32 v20, v19;
	v20 =	vsel vm12, $0x1, v3  }
0x1a3: {  	vm14 =	veq.s32 v26, $0x1;
	v19 =	vadd.s32 v20, v19;
	v20 =	vsel vm13, $0x1, v3  }
.Ltmp9:
0x1a4: {  	v19 =	vadd.s32 v20, v19;
	v20 =	vsel vm14, $0x1, v3;
	(pc) =	sbr.rel @p0 .LBB2_18-.Ltmp9, $4  }
0x1a5: {  	v19 =	vadd.s32 v20, v19  }
0x1a6: {  	vm15 =	vlt.s32 v19, $0x1FF  }
0x1a7: {  	v19 =	vnsel vm15, $0x1FF, v19  }
0x1a8: {  	p1 =	por $0x0, $0x0;
	[tilespmem:s20+$0x10080] =	vst v19;
	s20 =	simm.s32 $0x10  }
0x1a9: {  	s19 =	simm.s32 $0x0  }
0x1aa: {  	[tilespmem:s19], [sflag:$0x1] =	stream.linear.gather [hbm4b:s9+s19], $0x8000, $0x38;
	[tilespmem:$0x10100] =	vst v63  }
0x1ab: {  	_ =	swait.ge [sflag:s15], $0x8000  }
0x1ac: {  	[sflag:s15] =	ssyncset.done $0x0  }
0x1ad: {  	p1 =	por $0x1, $0x1;
	s20 =	simm.s32 $0x0;
	[sflag:s15] =	ssyncadd.s32 $0xFFFF8000  }
.LBB2_22:
0x1ae: {  	v19 =	vmov s20  }
0x1af: {  	v20 =	vimm.s32 $0x0;
	v26 =	vor.u32 s19, v18;
	v19 =	vshll.u32 v19, $0xA  }
0x1b0: {  	v21 =	vor.u32 s19, v15;
	v24 =	vor.u32 s19, v16;
	v19 =	vor.u32 v1, v19  }
0x1b1: {  	v25 =	vor.u32 s19, v17;
	v27 =	vmov s19;
	v19 =	vand.u32 $0x6000, v19  }
0x1b2: {  	p0 =	por p1, p1;
	v22 =	vor.u32 s19, v13;
	v23 =	vor.u32 s19, v14;
	s22 =	simm.s32 $0x10;
	s21 =	simm.s32 $0x0;
	v19 =	vor.u32 v2, v19  }
.LBB2_23:
0x1b3: {  	p1 =	sne.s32 s22, $0x3F0;
	v27 =	vshll.u32 v27, $0x3;
	v28 =	vor.u32 s21, v9;
	v29 =	vor.u32 s21, v12  }
0x1b4: {  	v30 =	vor.u32 s21, v0;
	v31 =	vor.u32 s21, v11;
	v27 =	vand.u32 $0x1C00, v27  }
0x1b5: {  	v32 =	vor.u32 s21, v4;
	v30 =	vand.u32 $0x7F, v30;
	v27 =	vor.u32 v27, v19  }
0x1b6: {  	v33 =	vor.u32 s21, v5;
	v32 =	vand.u32 $0x7F, v32;
	v30 =	vor.u32 v30, v27  }
0x1b7: {  	v34 =	vor.u32 s21, v6;
	v33 =	vand.u32 $0x7F, v33;
	v32 =	vor.u32 v32, v27  }
0x1b8: {  	v35 =	vor.u32 s21, v7;
	v34 =	vand.u32 $0x7F, v34;
	v33 =	vor.u32 v33, v27  }
0x1b9: {  	v36 =	vor.u32 s21, v8;
	v35 =	vand.u32 $0x7F, v35;
	v34 =	vor.u32 v34, v27  }
0x1ba: {  	v37 =	vor.u32 s21, v10;
	s21 =	smov.u32 s22;
	v36 =	vand.u32 $0x7F, v36;
	v35 =	vor.u32 v35, v27  }
0x1bb: {  	v26 =	vand.u32 $0x7F, v26;
	v37 =	vand.u32 $0x7F, v37;
	v36 =	vor.u32 v36, v27;
	v30 =	vld.idx.msk [tilespmem:v30+s13+$0x0], $0xffff  }
0x1bc: {  	v25 =	vand.u32 $0x7F, v25;
	v31 =	vand.u32 $0x7F, v31;
	v37 =	vor.u32 v37, v27;
	v32 =	vld.idx.msk [tilespmem:v32+s13+$0x0], $0xffff  }
0x1bd: {  	v24 =	vand.u32 $0x7F, v24;
	v28 =	vand.u32 $0x7F, v28;
	v31 =	vor.u32 v31, v27;
	v33 =	vld.idx.msk [tilespmem:v33+s13+$0x0], $0xffff  }
0x1be: {  	v21 =	vand.u32 $0x7F, v21;
	v29 =	vand.u32 $0x7F, v29;
	v28 =	vor.u32 v28, v27;
	v34 =	vld.idx.msk [tilespmem:v34+s13+$0x0], $0xffff  }
0x1bf: {  	v22 =	vand.u32 $0x7F, v22;
	v23 =	vand.u32 $0x7F, v23;
	v29 =	vor.u32 v29, v27;
	v35 =	vld.idx.msk [tilespmem:v35+s13+$0x0], $0xffff  }
0x1c0: {  	v22 =	vor.u32 v22, v27;
	v25 =	vor.u32 v25, v27;
	v26 =	vor.u32 v26, v27;
	v36 =	vld.idx.msk [tilespmem:v36+s13+$0x0], $0xffff  }
0x1c1: {  	v23 =	vor.u32 v23, v27;
	v24 =	vor.u32 v24, v27;
	vm0 =	veq.s32 v30, $0x1;
	v30 =	vld.idx.msk [tilespmem:v37+s13+$0x0], $0xffff  }
0x1c2: {  	v21 =	vor.u32 v21, v27;
	v37 =	vsel vm0, $0x1, v3;
	vm0 =	veq.s32 v32, $0x1;
	v31 =	vld.idx.msk [tilespmem:v31+s13+$0x0], $0xffff  }
0x1c3: {  	v20 =	vadd.s32 v37, v20;
	v27 =	vsel vm0, $0x1, v3;
	vm0 =	veq.s32 v33, $0x1;
	v28 =	vld.idx.msk [tilespmem:v28+s13+$0x0], $0xffff  }
0x1c4: {  	v20 =	vadd.s32 v27, v20;
	v27 =	vsel vm0, $0x1, v3;
	vm0 =	veq.s32 v34, $0x1;
	v29 =	vld.idx.msk [tilespmem:v29+s13+$0x0], $0xffff  }
0x1c5: {  	v20 =	vadd.s32 v27, v20;
	v27 =	vsel vm0, $0x1, v3;
	vm0 =	veq.s32 v35, $0x1;
	v22 =	vld.idx.msk [tilespmem:v22+s13+$0x0], $0xffff  }
0x1c6: {  	v20 =	vadd.s32 v27, v20;
	v27 =	vsel vm0, $0x1, v3;
	vm0 =	veq.s32 v36, $0x1;
	v23 =	vld.idx.msk [tilespmem:v23+s13+$0x0], $0xffff  }
0x1c7: {  	v20 =	vadd.s32 v27, v20;
	v27 =	vsel vm0, $0x1, v3;
	vm0 =	veq.s32 v30, $0x1;
	v21 =	vld.idx.msk [tilespmem:v21+s13+$0x0], $0xffff  }
0x1c8: {  	v20 =	vadd.s32 v27, v20;
	v27 =	vsel vm0, $0x1, v3;
	vm0 =	veq.s32 v31, $0x1;
	v24 =	vld.idx.msk [tilespmem:v24+s13+$0x0], $0xffff  }
0x1c9: {  	v20 =	vadd.s32 v27, v20;
	v27 =	vsel vm0, $0x1, v3;
	vm0 =	veq.s32 v28, $0x1;
	v25 =	vld.idx.msk [tilespmem:v25+s13+$0x0], $0xffff  }
0x1ca: {  	v20 =	vadd.s32 v27, v20;
	v27 =	vsel vm0, $0x1, v3;
	vm0 =	veq.s32 v29, $0x1;
	v26 =	vld.idx.msk [tilespmem:v26+s13+$0x0], $0xffff  }
0x1cb: {  	v20 =	vadd.s32 v27, v20;
	v27 =	vsel vm0, $0x1, v3;
	vm0 =	veq.s32 v22, $0x1  }
0x1cc: {  	v20 =	vadd.s32 v27, v20;
	v22 =	vsel vm0, $0x1, v3;
	vm0 =	veq.s32 v23, $0x1  }
0x1cd: {  	v20 =	vadd.s32 v22, v20;
	v22 =	vsel vm0, $0x1, v3;
	vm0 =	veq.s32 v21, $0x1  }
0x1ce: {  	v20 =	vadd.s32 v22, v20;
	v21 =	vsel vm0, $0x1, v3;
	vm0 =	veq.s32 v24, $0x1  }
0x1cf: {  	v20 =	vadd.s32 v21, v20;
	v21 =	vsel vm0, $0x1, v3;
	vm0 =	veq.s32 v25, $0x1  }
.Ltmp10:
0x1d0: {  	v20 =	vadd.s32 v21, v20;
	v21 =	vsel vm0, $0x1, v3;
	vm0 =	veq.s32 v26, $0x1;
	(pc) =	sbr.rel @p1 .LBB2_23-.Ltmp10, $4  }
0x1d1: {  	v20 =	vadd.s32 v21, v20;
	v21 =	vsel vm0, $0x1, v3  }
0x1d2: {  	v26 =	vor.u32 s22, v18;
	v20 =	vadd.s32 v21, v20  }
0x1d3: {  	v24 =	vor.u32 s22, v16;
	v25 =	vor.u32 s22, v17;
	v21 =	vor.u32 s22, v15  }
0x1d4: {  	v27 =	vmov s21;
	v23 =	vor.u32 s21, v14;
	v22 =	vor.u32 s21, v13;
	s22 =	sadd.s32 $0x10, s22  }
0x1d5: {  	v27 =	vshll.u32 v27, $0x3;
	v28 =	vor.u32 s21, v9;
	v29 =	vor.u32 s21, v12  }
0x1d6: {  	v30 =	vor.u32 s21, v0;
	v31 =	vor.u32 s21, v11;
	v50 =	vor.u32 s21, v4  }
0x1d7: {  	v32 =	vor.u32 s21, v5;
	v33 =	vor.u32 s21, v6;
	v27 =	vand.u32 $0x1C00, v27  }
0x1d8: {  	v34 =	vor.u32 s21, v7;
	v30 =	vand.u32 $0x7F, v30;
	v19 =	vor.u32 v27, v19  }
0x1d9: {  	v35 =	vor.u32 s21, v8;
	v27 =	vand.u32 $0x7F, v50;
	v30 =	vor.u32 v30, v19  }
0x1da: {  	v36 =	vor.u32 s21, v10;
	v32 =	vand.u32 $0x7F, v32;
	v27 =	vor.u32 v27, v19  }
0x1db: {  	v26 =	vand.u32 $0x7F, v26;
	v33 =	vand.u32 $0x7F, v33;
	v32 =	vor.u32 v32, v19  }
0x1dc: {  	v25 =	vand.u32 $0x7F, v25;
	v34 =	vand.u32 $0x7F, v34;
	v33 =	vor.u32 v33, v19  }
0x1dd: {  	v24 =	vand.u32 $0x7F, v24;
	v35 =	vand.u32 $0x7F, v35;
	v34 =	vor.u32 v34, v19  }
0x1de: {  	v21 =	vand.u32 $0x7F, v21;
	v36 =	vand.u32 $0x7F, v36;
	v35 =	vor.u32 v35, v19;
	v30 =	vld.idx.msk [tilespmem:v30+s13+$0x0], $0xffff  }
0x1df: {  	v22 =	vand.u32 $0x7F, v22;
	v31 =	vand.u32 $0x7F, v31;
	v36 =	vor.u32 v36, v19;
	v27 =	vld.idx.msk [tilespmem:v27+s13+$0x0], $0xffff  }
0x1e0: {  	v28 =	vand.u32 $0x7F, v28;
	v29 =	vand.u32 $0x7F, v29;
	v31 =	vor.u32 v31, v19;
	v32 =	vld.idx.msk [tilespmem:v32+s13+$0x0], $0xffff  }
0x1e1: {  	v23 =	vand.u32 $0x7F, v23;
	v28 =	vor.u32 v28, v19;
	v29 =	vor.u32 v29, v19;
	v33 =	vld.idx.msk [tilespmem:v33+s13+$0x0], $0xffff  }
0x1e2: {  	v22 =	vor.u32 v22, v19;
	v25 =	vor.u32 v25, v19;
	v26 =	vor.u32 v26, v19;
	v34 =	vld.idx.msk [tilespmem:v34+s13+$0x0], $0xffff  }
0x1e3: {  	v23 =	vor.u32 v23, v19;
	v24 =	vor.u32 v24, v19;
	v35 =	vld.idx.msk [tilespmem:v35+s13+$0x0], $0xffff;
	vm0 =	veq.s32 v30, $0x1  }
0x1e4: {  	v19 =	vor.u32 v21, v19;
	v51 =	vld.idx.msk [tilespmem:v36+s13+$0x0], $0xffff;
	vm12 =	veq.s32 v27, $0x1;
	v52 =	vsel vm0, $0x1, v3  }
0x1e5: {  	v53 =	vld.idx.msk [tilespmem:v31+s13+$0x0], $0xffff;
	vm13 =	veq.s32 v32, $0x1;
	v27 =	vsel vm12, $0x1, v3;
	v20 =	vadd.s32 v52, v20  }
0x1e6: {  	v28 =	vld.idx.msk [tilespmem:v28+s13+$0x0], $0xffff;
	vm14 =	veq.s32 v33, $0x1;
	v54 =	vsel vm13, $0x1, v3;
	v20 =	vadd.s32 v27, v20  }
0x1e7: {  	v29 =	vld.idx.msk [tilespmem:v29+s13+$0x0], $0xffff;
	vm15 =	veq.s32 v34, $0x1;
	v55 =	vsel vm14, $0x1, v3;
	v20 =	vadd.s32 v54, v20  }
0x1e8: {  	v22 =	vld.idx.msk [tilespmem:v22+s13+$0x0], $0xffff;
	vm4 =	veq.s32 v35, $0x1;
	v56 =	vsel vm15, $0x1, v3;
	v20 =	vadd.s32 v55, v20  }
0x1e9: {  	v23 =	vld.idx.msk [tilespmem:v23+s13+$0x0], $0xffff;
	vm5 =	veq.s32 v51, $0x1;
	v57 =	vsel vm4, $0x1, v3;
	v20 =	vadd.s32 v56, v20  }
0x1ea: {  	v19 =	vld.idx.msk [tilespmem:v19+s13+$0x0], $0xffff;
	vm6 =	veq.s32 v53, $0x1;
	v58 =	vsel vm5, $0x1, v3;
	v20 =	vadd.s32 v57, v20  }
0x1eb: {  	v59 =	vld.idx.msk [tilespmem:v24+s13+$0x0], $0xffff;
	vm7 =	veq.s32 v28, $0x1;
	v60 =	vsel vm6, $0x1, v3;
	v20 =	vadd.s32 v58, v20  }
0x1ec: {  	v25 =	vld.idx.msk [tilespmem:v25+s13+$0x0], $0xffff;
	vm8 =	veq.s32 v29, $0x1;
	v61 =	vsel vm7, $0x1, v3;
	v20 =	vadd.s32 v60, v20  }
0x1ed: {  	v26 =	vld.idx.msk [tilespmem:v26+s13+$0x0], $0xffff;
	vm9 =	veq.s32 v22, $0x1;
	v62 =	vsel vm8, $0x1, v3;
	v20 =	vadd.s32 v61, v20  }
0x1ee: {  	vm10 =	veq.s32 v23, $0x1;
	v22 =	vsel vm9, $0x1, v3;
	v20 =	vadd.s32 v62, v20  }
0x1ef: {  	vm11 =	veq.s32 v19, $0x1;
	v63 =	vsel vm10, $0x1, v3;
	v20 =	vadd.s32 v22, v20  }
0x1f0: {  	vm12 =	veq.s32 v59, $0x1;
	v19 =	vadd.s32 v63, v20;
	v20 =	vsel vm11, $0x1, v3  }
0x1f1: {  	vm13 =	veq.s32 v25, $0x1;
	v19 =	vadd.s32 v20, v19;
	v20 =	vsel vm12, $0x1, v3  }
0x1f2: {  	vm14 =	veq.s32 v26, $0x1;
	v19 =	vadd.s32 v20, v19;
	v20 =	vsel vm13, $0x1, v3  }
.Ltmp11:
0x1f3: {  	v19 =	vadd.s32 v20, v19;
	v20 =	vsel vm14, $0x1, v3;
	(pc) =	sbr.rel @p0 .LBB2_22-.Ltmp11, $4  }
0x1f4: {  	v19 =	vadd.s32 v20, v19  }
0x1f5: {  	vm15 =	vlt.s32 v19, $0x1FF  }
0x1f6: {  	v19 =	vnsel vm15, $0x1FF, v19  }
0x1f7: {  	p1 =	por $0x0, $0x0;
	[tilespmem:s20+$0x100A0] =	vst v19;
	s20 =	simm.s32 $0x10  }
0x1f8: {  	s19 =	simm.s32 $0x0  }
0x1f9: {  	[tilespmem:s13], [sflag:$0x2] =	stream.linear.gather [hbm4b:s10+s19], $0x8000, $0x38;
	[tilespmem:$0x10100] =	vst v63  }
0x1fa: {  	_ =	swait.ge [sflag:s14], $0x8000  }
0x1fb: {  	[sflag:s14] =	ssyncset.done $0x0  }
0x1fc: {  	p1 =	por $0x1, $0x1;
	s20 =	simm.s32 $0x0;
	[sflag:s14] =	ssyncadd.s32 $0xFFFF8000  }
.LBB2_26:
0x1fd: {  	v19 =	vmov s20  }
0x1fe: {  	v20 =	vimm.s32 $0x0;
	v26 =	vor.u32 s19, v18;
	v19 =	vshll.u32 v19, $0xA  }
0x1ff: {  	v21 =	vor.u32 s19, v15;
	v24 =	vor.u32 s19, v16;
	v19 =	vor.u32 v1, v19  }
0x200: {  	v25 =	vor.u32 s19, v17;
	v27 =	vmov s19;
	v19 =	vand.u32 $0x6000, v19  }
0x201: {  	p0 =	por p1, p1;
	v22 =	vor.u32 s19, v13;
	v23 =	vor.u32 s19, v14;
	s22 =	simm.s32 $0x10;
	s21 =	simm.s32 $0x0;
	v19 =	vor.u32 v2, v19  }
.LBB2_27:
0x202: {  	p1 =	sne.s32 s22, $0x3F0;
	v27 =	vshll.u32 v27, $0x3;
	v28 =	vor.u32 s21, v9;
	v29 =	vor.u32 s21, v12  }
0x203: {  	v30 =	vor.u32 s21, v0;
	v31 =	vor.u32 s21, v11;
	v27 =	vand.u32 $0x1C00, v27  }
0x204: {  	v32 =	vor.u32 s21, v4;
	v30 =	vand.u32 $0x7F, v30;
	v27 =	vor.u32 v27, v19  }
0x205: {  	v33 =	vor.u32 s21, v5;
	v32 =	vand.u32 $0x7F, v32;
	v30 =	vor.u32 v30, v27  }
0x206: {  	v34 =	vor.u32 s21, v6;
	v33 =	vand.u32 $0x7F, v33;
	v32 =	vor.u32 v32, v27  }
0x207: {  	v35 =	vor.u32 s21, v7;
	v34 =	vand.u32 $0x7F, v34;
	v33 =	vor.u32 v33, v27  }
0x208: {  	v36 =	vor.u32 s21, v8;
	v35 =	vand.u32 $0x7F, v35;
	v34 =	vor.u32 v34, v27  }
0x209: {  	v37 =	vor.u32 s21, v10;
	s21 =	smov.u32 s22;
	v36 =	vand.u32 $0x7F, v36;
	v35 =	vor.u32 v35, v27  }
0x20a: {  	v26 =	vand.u32 $0x7F, v26;
	v37 =	vand.u32 $0x7F, v37;
	v36 =	vor.u32 v36, v27;
	v30 =	vld.idx.msk [tilespmem:v30+s2+$0x0], $0xffff  }
0x20b: {  	v25 =	vand.u32 $0x7F, v25;
	v31 =	vand.u32 $0x7F, v31;
	v37 =	vor.u32 v37, v27;
	v32 =	vld.idx.msk [tilespmem:v32+s2+$0x0], $0xffff  }
0x20c: {  	v24 =	vand.u32 $0x7F, v24;
	v28 =	vand.u32 $0x7F, v28;
	v31 =	vor.u32 v31, v27;
	v33 =	vld.idx.msk [tilespmem:v33+s2+$0x0], $0xffff  }
0x20d: {  	v21 =	vand.u32 $0x7F, v21;
	v29 =	vand.u32 $0x7F, v29;
	v28 =	vor.u32 v28, v27;
	v34 =	vld.idx.msk [tilespmem:v34+s2+$0x0], $0xffff  }
0x20e: {  	v22 =	vand.u32 $0x7F, v22;
	v23 =	vand.u32 $0x7F, v23;
	v29 =	vor.u32 v29, v27;
	v35 =	vld.idx.msk [tilespmem:v35+s2+$0x0], $0xffff  }
0x20f: {  	v22 =	vor.u32 v22, v27;
	v25 =	vor.u32 v25, v27;
	v26 =	vor.u32 v26, v27;
	v36 =	vld.idx.msk [tilespmem:v36+s2+$0x0], $0xffff  }
0x210: {  	v23 =	vor.u32 v23, v27;
	v24 =	vor.u32 v24, v27;
	vm0 =	veq.s32 v30, $0x1;
	v30 =	vld.idx.msk [tilespmem:v37+s2+$0x0], $0xffff  }
0x211: {  	v21 =	vor.u32 v21, v27;
	v37 =	vsel vm0, $0x1, v3;
	vm0 =	veq.s32 v32, $0x1;
	v31 =	vld.idx.msk [tilespmem:v31+s2+$0x0], $0xffff  }
0x212: {  	v20 =	vadd.s32 v37, v20;
	v27 =	vsel vm0, $0x1, v3;
	vm0 =	veq.s32 v33, $0x1;
	v28 =	vld.idx.msk [tilespmem:v28+s2+$0x0], $0xffff  }
0x213: {  	v20 =	vadd.s32 v27, v20;
	v27 =	vsel vm0, $0x1, v3;
	vm0 =	veq.s32 v34, $0x1;
	v29 =	vld.idx.msk [tilespmem:v29+s2+$0x0], $0xffff  }
0x214: {  	v20 =	vadd.s32 v27, v20;
	v27 =	vsel vm0, $0x1, v3;
	vm0 =	veq.s32 v35, $0x1;
	v22 =	vld.idx.msk [tilespmem:v22+s2+$0x0], $0xffff  }
0x215: {  	v20 =	vadd.s32 v27, v20;
	v27 =	vsel vm0, $0x1, v3;
	vm0 =	veq.s32 v36, $0x1;
	v23 =	vld.idx.msk [tilespmem:v23+s2+$0x0], $0xffff  }
0x216: {  	v20 =	vadd.s32 v27, v20;
	v27 =	vsel vm0, $0x1, v3;
	vm0 =	veq.s32 v30, $0x1;
	v21 =	vld.idx.msk [tilespmem:v21+s2+$0x0], $0xffff  }
0x217: {  	v20 =	vadd.s32 v27, v20;
	v27 =	vsel vm0, $0x1, v3;
	vm0 =	veq.s32 v31, $0x1;
	v24 =	vld.idx.msk [tilespmem:v24+s2+$0x0], $0xffff  }
0x218: {  	v20 =	vadd.s32 v27, v20;
	v27 =	vsel vm0, $0x1, v3;
	vm0 =	veq.s32 v28, $0x1;
	v25 =	vld.idx.msk [tilespmem:v25+s2+$0x0], $0xffff  }
0x219: {  	v20 =	vadd.s32 v27, v20;
	v27 =	vsel vm0, $0x1, v3;
	vm0 =	veq.s32 v29, $0x1;
	v26 =	vld.idx.msk [tilespmem:v26+s2+$0x0], $0xffff  }
0x21a: {  	v20 =	vadd.s32 v27, v20;
	v27 =	vsel vm0, $0x1, v3;
	vm0 =	veq.s32 v22, $0x1  }
0x21b: {  	v20 =	vadd.s32 v27, v20;
	v22 =	vsel vm0, $0x1, v3;
	vm0 =	veq.s32 v23, $0x1  }
0x21c: {  	v20 =	vadd.s32 v22, v20;
	v22 =	vsel vm0, $0x1, v3;
	vm0 =	veq.s32 v21, $0x1  }
0x21d: {  	v20 =	vadd.s32 v22, v20;
	v21 =	vsel vm0, $0x1, v3;
	vm0 =	veq.s32 v24, $0x1  }
0x21e: {  	v20 =	vadd.s32 v21, v20;
	v21 =	vsel vm0, $0x1, v3;
	vm0 =	veq.s32 v25, $0x1  }
.Ltmp12:
0x21f: {  	v20 =	vadd.s32 v21, v20;
	v21 =	vsel vm0, $0x1, v3;
	vm0 =	veq.s32 v26, $0x1;
	(pc) =	sbr.rel @p1 .LBB2_27-.Ltmp12, $4  }
0x220: {  	v20 =	vadd.s32 v21, v20;
	v21 =	vsel vm0, $0x1, v3  }
0x221: {  	v26 =	vor.u32 s22, v18;
	v20 =	vadd.s32 v21, v20  }
0x222: {  	v24 =	vor.u32 s22, v16;
	v25 =	vor.u32 s22, v17;
	v21 =	vor.u32 s22, v15  }
0x223: {  	v27 =	vmov s21;
	v23 =	vor.u32 s21, v14;
	v22 =	vor.u32 s21, v13;
	s22 =	sadd.s32 $0x10, s22  }
0x224: {  	v27 =	vshll.u32 v27, $0x3;
	v28 =	vor.u32 s21, v9;
	v29 =	vor.u32 s21, v12  }
0x225: {  	v30 =	vor.u32 s21, v0;
	v31 =	vor.u32 s21, v11;
	v50 =	vor.u32 s21, v4  }
0x226: {  	v32 =	vor.u32 s21, v5;
	v33 =	vor.u32 s21, v6;
	v27 =	vand.u32 $0x1C00, v27  }
0x227: {  	v34 =	vor.u32 s21, v7;
	v30 =	vand.u32 $0x7F, v30;
	v19 =	vor.u32 v27, v19  }
0x228: {  	v35 =	vor.u32 s21, v8;
	v27 =	vand.u32 $0x7F, v50;
	v30 =	vor.u32 v30, v19  }
0x229: {  	v36 =	vor.u32 s21, v10;
	v32 =	vand.u32 $0x7F, v32;
	v27 =	vor.u32 v27, v19  }
0x22a: {  	v26 =	vand.u32 $0x7F, v26;
	v33 =	vand.u32 $0x7F, v33;
	v32 =	vor.u32 v32, v19  }
0x22b: {  	v25 =	vand.u32 $0x7F, v25;
	v34 =	vand.u32 $0x7F, v34;
	v33 =	vor.u32 v33, v19  }
0x22c: {  	v24 =	vand.u32 $0x7F, v24;
	v35 =	vand.u32 $0x7F, v35;
	v34 =	vor.u32 v34, v19  }
0x22d: {  	v21 =	vand.u32 $0x7F, v21;
	v36 =	vand.u32 $0x7F, v36;
	v35 =	vor.u32 v35, v19;
	v30 =	vld.idx.msk [tilespmem:v30+s2+$0x0], $0xffff  }
0x22e: {  	v22 =	vand.u32 $0x7F, v22;
	v31 =	vand.u32 $0x7F, v31;
	v36 =	vor.u32 v36, v19;
	v27 =	vld.idx.msk [tilespmem:v27+s2+$0x0], $0xffff  }
0x22f: {  	v28 =	vand.u32 $0x7F, v28;
	v29 =	vand.u32 $0x7F, v29;
	v31 =	vor.u32 v31, v19;
	v32 =	vld.idx.msk [tilespmem:v32+s2+$0x0], $0xffff  }
0x230: {  	v23 =	vand.u32 $0x7F, v23;
	v28 =	vor.u32 v28, v19;
	v29 =	vor.u32 v29, v19;
	v33 =	vld.idx.msk [tilespmem:v33+s2+$0x0], $0xffff  }
0x231: {  	v22 =	vor.u32 v22, v19;
	v25 =	vor.u32 v25, v19;
	v26 =	vor.u32 v26, v19;
	v34 =	vld.idx.msk [tilespmem:v34+s2+$0x0], $0xffff  }
0x232: {  	v23 =	vor.u32 v23, v19;
	v24 =	vor.u32 v24, v19;
	v35 =	vld.idx.msk [tilespmem:v35+s2+$0x0], $0xffff;
	vm0 =	veq.s32 v30, $0x1  }
0x233: {  	v19 =	vor.u32 v21, v19;
	v51 =	vld.idx.msk [tilespmem:v36+s2+$0x0], $0xffff;
	vm12 =	veq.s32 v27, $0x1;
	v52 =	vsel vm0, $0x1, v3  }
0x234: {  	v53 =	vld.idx.msk [tilespmem:v31+s2+$0x0], $0xffff;
	vm13 =	veq.s32 v32, $0x1;
	v27 =	vsel vm12, $0x1, v3;
	v20 =	vadd.s32 v52, v20  }
0x235: {  	v28 =	vld.idx.msk [tilespmem:v28+s2+$0x0], $0xffff;
	vm14 =	veq.s32 v33, $0x1;
	v54 =	vsel vm13, $0x1, v3;
	v20 =	vadd.s32 v27, v20  }
0x236: {  	v29 =	vld.idx.msk [tilespmem:v29+s2+$0x0], $0xffff;
	vm15 =	veq.s32 v34, $0x1;
	v55 =	vsel vm14, $0x1, v3;
	v20 =	vadd.s32 v54, v20  }
0x237: {  	v22 =	vld.idx.msk [tilespmem:v22+s2+$0x0], $0xffff;
	vm4 =	veq.s32 v35, $0x1;
	v56 =	vsel vm15, $0x1, v3;
	v20 =	vadd.s32 v55, v20  }
0x238: {  	v23 =	vld.idx.msk [tilespmem:v23+s2+$0x0], $0xffff;
	vm5 =	veq.s32 v51, $0x1;
	v57 =	vsel vm4, $0x1, v3;
	v20 =	vadd.s32 v56, v20  }
0x239: {  	v19 =	vld.idx.msk [tilespmem:v19+s2+$0x0], $0xffff;
	vm6 =	veq.s32 v53, $0x1;
	v58 =	vsel vm5, $0x1, v3;
	v20 =	vadd.s32 v57, v20  }
0x23a: {  	v59 =	vld.idx.msk [tilespmem:v24+s2+$0x0], $0xffff;
	vm7 =	veq.s32 v28, $0x1;
	v60 =	vsel vm6, $0x1, v3;
	v20 =	vadd.s32 v58, v20  }
0x23b: {  	v25 =	vld.idx.msk [tilespmem:v25+s2+$0x0], $0xffff;
	vm8 =	veq.s32 v29, $0x1;
	v61 =	vsel vm7, $0x1, v3;
	v20 =	vadd.s32 v60, v20  }
0x23c: {  	v26 =	vld.idx.msk [tilespmem:v26+s2+$0x0], $0xffff;
	vm9 =	veq.s32 v22, $0x1;
	v62 =	vsel vm8, $0x1, v3;
	v20 =	vadd.s32 v61, v20  }
0x23d: {  	vm10 =	veq.s32 v23, $0x1;
	v22 =	vsel vm9, $0x1, v3;
	v20 =	vadd.s32 v62, v20  }
0x23e: {  	vm11 =	veq.s32 v19, $0x1;
	v63 =	vsel vm10, $0x1, v3;
	v20 =	vadd.s32 v22, v20  }
0x23f: {  	vm12 =	veq.s32 v59, $0x1;
	v19 =	vadd.s32 v63, v20;
	v20 =	vsel vm11, $0x1, v3  }
0x240: {  	vm13 =	veq.s32 v25, $0x1;
	v19 =	vadd.s32 v20, v19;
	v20 =	vsel vm12, $0x1, v3  }
0x241: {  	vm14 =	veq.s32 v26, $0x1;
	v19 =	vadd.s32 v20, v19;
	v20 =	vsel vm13, $0x1, v3  }
.Ltmp13:
0x242: {  	v19 =	vadd.s32 v20, v19;
	v20 =	vsel vm14, $0x1, v3;
	(pc) =	sbr.rel @p0 .LBB2_26-.Ltmp13, $4  }
0x243: {  	v19 =	vadd.s32 v20, v19  }
0x244: {  	vm15 =	vlt.s32 v19, $0x1FF  }
0x245: {  	v19 =	vnsel vm15, $0x1FF, v19  }
0x246: {  	p1 =	por $0x0, $0x0;
	[tilespmem:s20+$0x100C0] =	vst v19;
	s20 =	simm.s32 $0x10  }
0x247: {  	_ =	swait.ge [sflag:s15], $0x8000  }
0x248: {  	s19 =	simm.s32 $0x0;
	[sflag:s15] =	ssyncset.done $0x0  }
0x249: {  	p1 =	por $0x1, $0x1;
	s20 =	simm.s32 $0x0;
	[sflag:s15] =	ssyncadd.s32 $0xFFFF8000  }
.LBB2_30:
0x24a: {  	v19 =	vmov s20  }
0x24b: {  	v20 =	vimm.s32 $0x0;
	v26 =	vor.u32 s19, v18;
	v19 =	vshll.u32 v19, $0xA  }
0x24c: {  	v21 =	vor.u32 s19, v15;
	v24 =	vor.u32 s19, v16;
	v19 =	vor.u32 v1, v19  }
0x24d: {  	v25 =	vor.u32 s19, v17;
	v27 =	vmov s19;
	v19 =	vand.u32 $0x6000, v19  }
0x24e: {  	p0 =	por p1, p1;
	v22 =	vor.u32 s19, v13;
	v23 =	vor.u32 s19, v14;
	s22 =	simm.s32 $0x10;
	s21 =	simm.s32 $0x0;
	v19 =	vor.u32 v2, v19  }
.LBB2_31:
0x24f: {  	p1 =	sne.s32 s22, $0x3F0;
	v27 =	vshll.u32 v27, $0x3;
	v28 =	vor.u32 s21, v9;
	v29 =	vor.u32 s21, v12  }
0x250: {  	v30 =	vor.u32 s21, v0;
	v31 =	vor.u32 s21, v11;
	v27 =	vand.u32 $0x1C00, v27  }
0x251: {  	v32 =	vor.u32 s21, v4;
	v30 =	vand.u32 $0x7F, v30;
	v27 =	vor.u32 v27, v19  }
0x252: {  	v33 =	vor.u32 s21, v5;
	v32 =	vand.u32 $0x7F, v32;
	v30 =	vor.u32 v30, v27  }
0x253: {  	v34 =	vor.u32 s21, v6;
	v33 =	vand.u32 $0x7F, v33;
	v32 =	vor.u32 v32, v27  }
0x254: {  	v35 =	vor.u32 s21, v7;
	v34 =	vand.u32 $0x7F, v34;
	v33 =	vor.u32 v33, v27  }
0x255: {  	v36 =	vor.u32 s21, v8;
	v35 =	vand.u32 $0x7F, v35;
	v34 =	vor.u32 v34, v27  }
0x256: {  	v37 =	vor.u32 s21, v10;
	s21 =	smov.u32 s22;
	v36 =	vand.u32 $0x7F, v36;
	v35 =	vor.u32 v35, v27  }
0x257: {  	v26 =	vand.u32 $0x7F, v26;
	v37 =	vand.u32 $0x7F, v37;
	v36 =	vor.u32 v36, v27;
	v30 =	vld.idx.msk [tilespmem:v30+s13+$0x0], $0xffff  }
0x258: {  	v25 =	vand.u32 $0x7F, v25;
	v31 =	vand.u32 $0x7F, v31;
	v37 =	vor.u32 v37, v27;
	v32 =	vld.idx.msk [tilespmem:v32+s13+$0x0], $0xffff  }
0x259: {  	v24 =	vand.u32 $0x7F, v24;
	v28 =	vand.u32 $0x7F, v28;
	v31 =	vor.u32 v31, v27;
	v33 =	vld.idx.msk [tilespmem:v33+s13+$0x0], $0xffff  }
0x25a: {  	v21 =	vand.u32 $0x7F, v21;
	v29 =	vand.u32 $0x7F, v29;
	v28 =	vor.u32 v28, v27;
	v34 =	vld.idx.msk [tilespmem:v34+s13+$0x0], $0xffff  }
0x25b: {  	v22 =	vand.u32 $0x7F, v22;
	v23 =	vand.u32 $0x7F, v23;
	v29 =	vor.u32 v29, v27;
	v35 =	vld.idx.msk [tilespmem:v35+s13+$0x0], $0xffff  }
0x25c: {  	v22 =	vor.u32 v22, v27;
	v25 =	vor.u32 v25, v27;
	v26 =	vor.u32 v26, v27;
	v36 =	vld.idx.msk [tilespmem:v36+s13+$0x0], $0xffff  }
0x25d: {  	v23 =	vor.u32 v23, v27;
	v24 =	vor.u32 v24, v27;
	vm0 =	veq.s32 v30, $0x1;
	v30 =	vld.idx.msk [tilespmem:v37+s13+$0x0], $0xffff  }
0x25e: {  	v21 =	vor.u32 v21, v27;
	v37 =	vsel vm0, $0x1, v3;
	vm0 =	veq.s32 v32, $0x1;
	v31 =	vld.idx.msk [tilespmem:v31+s13+$0x0], $0xffff  }
0x25f: {  	v20 =	vadd.s32 v37, v20;
	v27 =	vsel vm0, $0x1, v3;
	vm0 =	veq.s32 v33, $0x1;
	v28 =	vld.idx.msk [tilespmem:v28+s13+$0x0], $0xffff  }
0x260: {  	v20 =	vadd.s32 v27, v20;
	v27 =	vsel vm0, $0x1, v3;
	vm0 =	veq.s32 v34, $0x1;
	v29 =	vld.idx.msk [tilespmem:v29+s13+$0x0], $0xffff  }
0x261: {  	v20 =	vadd.s32 v27, v20;
	v27 =	vsel vm0, $0x1, v3;
	vm0 =	veq.s32 v35, $0x1;
	v22 =	vld.idx.msk [tilespmem:v22+s13+$0x0], $0xffff  }
0x262: {  	v20 =	vadd.s32 v27, v20;
	v27 =	vsel vm0, $0x1, v3;
	vm0 =	veq.s32 v36, $0x1;
	v23 =	vld.idx.msk [tilespmem:v23+s13+$0x0], $0xffff  }
0x263: {  	v20 =	vadd.s32 v27, v20;
	v27 =	vsel vm0, $0x1, v3;
	vm0 =	veq.s32 v30, $0x1;
	v21 =	vld.idx.msk [tilespmem:v21+s13+$0x0], $0xffff  }
0x264: {  	v20 =	vadd.s32 v27, v20;
	v27 =	vsel vm0, $0x1, v3;
	vm0 =	veq.s32 v31, $0x1;
	v24 =	vld.idx.msk [tilespmem:v24+s13+$0x0], $0xffff  }
0x265: {  	v20 =	vadd.s32 v27, v20;
	v27 =	vsel vm0, $0x1, v3;
	vm0 =	veq.s32 v28, $0x1;
	v25 =	vld.idx.msk [tilespmem:v25+s13+$0x0], $0xffff  }
0x266: {  	v20 =	vadd.s32 v27, v20;
	v27 =	vsel vm0, $0x1, v3;
	vm0 =	veq.s32 v29, $0x1;
	v26 =	vld.idx.msk [tilespmem:v26+s13+$0x0], $0xffff  }
0x267: {  	v20 =	vadd.s32 v27, v20;
	v27 =	vsel vm0, $0x1, v3;
	vm0 =	veq.s32 v22, $0x1  }
0x268: {  	v20 =	vadd.s32 v27, v20;
	v22 =	vsel vm0, $0x1, v3;
	vm0 =	veq.s32 v23, $0x1  }
0x269: {  	v20 =	vadd.s32 v22, v20;
	v22 =	vsel vm0, $0x1, v3;
	vm0 =	veq.s32 v21, $0x1  }
0x26a: {  	v20 =	vadd.s32 v22, v20;
	v21 =	vsel vm0, $0x1, v3;
	vm0 =	veq.s32 v24, $0x1  }
0x26b: {  	v20 =	vadd.s32 v21, v20;
	v21 =	vsel vm0, $0x1, v3;
	vm0 =	veq.s32 v25, $0x1  }
.Ltmp14:
0x26c: {  	v20 =	vadd.s32 v21, v20;
	v21 =	vsel vm0, $0x1, v3;
	vm0 =	veq.s32 v26, $0x1;
	(pc) =	sbr.rel @p1 .LBB2_31-.Ltmp14, $4  }
0x26d: {  	v20 =	vadd.s32 v21, v20;
	v21 =	vsel vm0, $0x1, v3  }
0x26e: {  	v26 =	vor.u32 s22, v18;
	v20 =	vadd.s32 v21, v20  }
0x26f: {  	v24 =	vor.u32 s22, v16;
	v25 =	vor.u32 s22, v17;
	v21 =	vor.u32 s22, v15  }
0x270: {  	v27 =	vmov s21;
	v23 =	vor.u32 s21, v14;
	v22 =	vor.u32 s21, v13;
	s22 =	sadd.s32 $0x10, s22  }
0x271: {  	v27 =	vshll.u32 v27, $0x3;
	v28 =	vor.u32 s21, v9;
	v29 =	vor.u32 s21, v12  }
0x272: {  	v30 =	vor.u32 s21, v0;
	v31 =	vor.u32 s21, v11;
	v50 =	vor.u32 s21, v4  }
0x273: {  	v32 =	vor.u32 s21, v5;
	v33 =	vor.u32 s21, v6;
	v27 =	vand.u32 $0x1C00, v27  }
0x274: {  	v34 =	vor.u32 s21, v7;
	v30 =	vand.u32 $0x7F, v30;
	v19 =	vor.u32 v27, v19  }
0x275: {  	v35 =	vor.u32 s21, v8;
	v27 =	vand.u32 $0x7F, v50;
	v30 =	vor.u32 v30, v19  }
0x276: {  	v36 =	vor.u32 s21, v10;
	v32 =	vand.u32 $0x7F, v32;
	v27 =	vor.u32 v27, v19  }
0x277: {  	v26 =	vand.u32 $0x7F, v26;
	v33 =	vand.u32 $0x7F, v33;
	v32 =	vor.u32 v32, v19  }
0x278: {  	v25 =	vand.u32 $0x7F, v25;
	v34 =	vand.u32 $0x7F, v34;
	v33 =	vor.u32 v33, v19  }
0x279: {  	v24 =	vand.u32 $0x7F, v24;
	v35 =	vand.u32 $0x7F, v35;
	v34 =	vor.u32 v34, v19  }
0x27a: {  	v21 =	vand.u32 $0x7F, v21;
	v36 =	vand.u32 $0x7F, v36;
	v35 =	vor.u32 v35, v19;
	v30 =	vld.idx.msk [tilespmem:v30+s13+$0x0], $0xffff  }
0x27b: {  	v22 =	vand.u32 $0x7F, v22;
	v31 =	vand.u32 $0x7F, v31;
	v36 =	vor.u32 v36, v19;
	v27 =	vld.idx.msk [tilespmem:v27+s13+$0x0], $0xffff  }
0x27c: {  	v28 =	vand.u32 $0x7F, v28;
	v29 =	vand.u32 $0x7F, v29;
	v31 =	vor.u32 v31, v19;
	v32 =	vld.idx.msk [tilespmem:v32+s13+$0x0], $0xffff  }
0x27d: {  	v23 =	vand.u32 $0x7F, v23;
	v28 =	vor.u32 v28, v19;
	v29 =	vor.u32 v29, v19;
	v33 =	vld.idx.msk [tilespmem:v33+s13+$0x0], $0xffff  }
0x27e: {  	v22 =	vor.u32 v22, v19;
	v25 =	vor.u32 v25, v19;
	v26 =	vor.u32 v26, v19;
	v34 =	vld.idx.msk [tilespmem:v34+s13+$0x0], $0xffff  }
0x27f: {  	v23 =	vor.u32 v23, v19;
	v24 =	vor.u32 v24, v19;
	v35 =	vld.idx.msk [tilespmem:v35+s13+$0x0], $0xffff;
	vm0 =	veq.s32 v30, $0x1  }
0x280: {  	v19 =	vor.u32 v21, v19;
	v51 =	vld.idx.msk [tilespmem:v36+s13+$0x0], $0xffff;
	vm12 =	veq.s32 v27, $0x1;
	v52 =	vsel vm0, $0x1, v3  }
0x281: {  	v53 =	vld.idx.msk [tilespmem:v31+s13+$0x0], $0xffff;
	vm13 =	veq.s32 v32, $0x1;
	v27 =	vsel vm12, $0x1, v3;
	v20 =	vadd.s32 v52, v20  }
0x282: {  	v28 =	vld.idx.msk [tilespmem:v28+s13+$0x0], $0xffff;
	vm14 =	veq.s32 v33, $0x1;
	v54 =	vsel vm13, $0x1, v3;
	v20 =	vadd.s32 v27, v20  }
0x283: {  	v29 =	vld.idx.msk [tilespmem:v29+s13+$0x0], $0xffff;
	vm15 =	veq.s32 v34, $0x1;
	v55 =	vsel vm14, $0x1, v3;
	v20 =	vadd.s32 v54, v20  }
0x284: {  	v22 =	vld.idx.msk [tilespmem:v22+s13+$0x0], $0xffff;
	vm4 =	veq.s32 v35, $0x1;
	v56 =	vsel vm15, $0x1, v3;
	v20 =	vadd.s32 v55, v20  }
0x285: {  	v23 =	vld.idx.msk [tilespmem:v23+s13+$0x0], $0xffff;
	vm5 =	veq.s32 v51, $0x1;
	v57 =	vsel vm4, $0x1, v3;
	v20 =	vadd.s32 v56, v20  }
0x286: {  	v19 =	vld.idx.msk [tilespmem:v19+s13+$0x0], $0xffff;
	vm6 =	veq.s32 v53, $0x1;
	v58 =	vsel vm5, $0x1, v3;
	v20 =	vadd.s32 v57, v20  }
0x287: {  	v59 =	vld.idx.msk [tilespmem:v24+s13+$0x0], $0xffff;
	vm7 =	veq.s32 v28, $0x1;
	v60 =	vsel vm6, $0x1, v3;
	v20 =	vadd.s32 v58, v20  }
0x288: {  	v25 =	vld.idx.msk [tilespmem:v25+s13+$0x0], $0xffff;
	vm8 =	veq.s32 v29, $0x1;
	v61 =	vsel vm7, $0x1, v3;
	v20 =	vadd.s32 v60, v20  }
0x289: {  	v26 =	vld.idx.msk [tilespmem:v26+s13+$0x0], $0xffff;
	vm9 =	veq.s32 v22, $0x1;
	v62 =	vsel vm8, $0x1, v3;
	v20 =	vadd.s32 v61, v20  }
0x28a: {  	vm10 =	veq.s32 v23, $0x1;
	v22 =	vsel vm9, $0x1, v3;
	v20 =	vadd.s32 v62, v20  }
0x28b: {  	vm11 =	veq.s32 v19, $0x1;
	v63 =	vsel vm10, $0x1, v3;
	v20 =	vadd.s32 v22, v20  }
0x28c: {  	vm12 =	veq.s32 v59, $0x1;
	v19 =	vadd.s32 v63, v20;
	v20 =	vsel vm11, $0x1, v3  }
0x28d: {  	vm13 =	veq.s32 v25, $0x1;
	v19 =	vadd.s32 v20, v19;
	v20 =	vsel vm12, $0x1, v3  }
0x28e: {  	vm14 =	veq.s32 v26, $0x1;
	v19 =	vadd.s32 v20, v19;
	v20 =	vsel vm13, $0x1, v3  }
.Ltmp15:
0x28f: {  	v19 =	vadd.s32 v20, v19;
	v20 =	vsel vm14, $0x1, v3;
	(pc) =	sbr.rel @p0 .LBB2_30-.Ltmp15, $4  }
0x290: {  	v19 =	vadd.s32 v20, v19  }
0x291: {  	vm15 =	vlt.s32 v19, $0x1FF  }
0x292: {  	v19 =	vnsel vm15, $0x1FF, v19  }
0x293: {  	p1 =	por $0x0, $0x0;
	[tilespmem:s20+$0x100E0] =	vst v19;
	s20 =	simm.s32 $0x10  }
0x294: {  	s18 =	sadd.s32 $0x1, s18  }
0x295: {  	p0 =	sne.s32 s18, s12  }
.Ltmp16:
0x296: {  	_ = 	snop;
	(pc) =	sbr.rel @p0 .LBB2_1-.Ltmp16, $4  }
0x297: {  	[hbm4b:s11+s2] =	stream.linear.scatter [tilespmem:s16], [sflag:$0x3], $0x100, $0x38;
	[tilespmem:$0x10100] =	vst v63  }
0x298: {  	_ =	swait.ge [sflag:s17], $0x100  }
0x299: {  	[sflag:s17] =	ssyncset.done $0x0  }
0x29a: {  	[sflag:s17] =	ssyncadd.s32 $0xFFFFFF00  }
0x29b: {  	_ =	sfence.sel $0x180000  }
0x29c: {  	[bflag:$0x0] =	sbarrier.arrive $0xFFFF  }
0x29d: {  	p0 =	sne.s32 s0, $0x0;
	_ =	strace $0x90000047  }
0x29e: {  	s0 =	sadd.s32 @!p0 $0x100000, s1;
	[bflag:$0x2] =	sbarrier.arrive $0xFFFF  }
0x29f: {  	[sflag:s0] =	ssyncadd.tile.s32 @!p0 $0x1;
	_ =	shalt  }
.Lfunc_end2:
_tile_overlayer_lowered:
.L_overlay_start_2:
0x2a0: {  	(tag) =	ssettag $0x2  }
0x2a1: {  	s0 =	rddreg [dreg:$0x0];
	s2 =	stileid.u32  }
0x2a2: {  	s1 =	rddreg [dreg:$0x1];
	p0 =	sne.s32 s2, $0x0  }
0x2a3: {  	s3 =	rddreg [dreg:$0x2];
	[bflag:$0x3] =	sbarrier.arrive $0xFFFF;
	s2 =	simm.s32 @!p0 $0x1C03  }
0x2a4: {  	[timem:s3], [sflag:s2] =	dma.local @!p0 [hbm:s0], s1  }
0x2a5: {  	s0 =	simm.s32 @!p0 $0x3  }
0x2a6: {  	_ =	swait.ge @!p0 [sflag:s0], s1  }
0x2a7: {  	s1 =	ssub.s32 @!p0 $0x0, s1;
	[sflag:s0] =	ssyncset.done @!p0 $0x0  }
0x2a8: {  	[sflag:s0] =	ssyncadd.s32 @!p0 s1  }
0x2a9: {  	[bflag:$0x3] =	sbarrier.arrive $0xFFFF  }
0x2aa: {  	_ =	shalt  }

</sc_bundles>
